<compile_context>
chip_gen: v7x
topology: tpu7x:2x2x1
jax: 0.10.2.dev20260603
libtpu: 0.0.44.dev20260713+nightly
codegen_flags: <defaults>
</compile_context>

<pallas_src>
import functools

import jax
import jax.numpy as jnp
from jax import lax
from jax.experimental import pallas as pl
from jax.experimental.pallas import tpu as pltpu
from jax.experimental.pallas import tpu_sc as plsc

_NUM_CLASSES = 21
_N = 20000
_NPAD = 20480
_CHUNK = 640
_NV = _CHUNK // 16
_G = 64
_MAX_POS = 32
_N_BG = 96
_TOTAL = 128
_RECI = 64
_RECF = 528
_NW = 32

_mesh = plsc.VectorSubcoreMesh(core_axis_name="c", subcore_axis_name="s",
                               num_cores=2)
_cparams = pltpu.CompilerParams(needs_layout_passes=False)


def _vlog(x):
    bits = plsc.bitcast(x, jnp.int32)
    e = ((bits >> 23) & 0xFF) - 127
    m = plsc.bitcast((bits & 0x7FFFFF) | 0x3F800000, jnp.float32)
    big = m > 1.4142135623730951
    m = jnp.where(big, m * 0.5, m)
    e = jnp.where(big, e + 1, e)
    r = (m - 1.0) / (m + 1.0)
    r2 = r * r
    p = 1.0 / 7.0 + r2 * (1.0 / 9.0)
    p = 1.0 / 5.0 + r2 * p
    p = 1.0 / 3.0 + r2 * p
    p = 1.0 + r2 * p
    return e.astype(jnp.float32) * 0.6931471805599453 + 2.0 * r * p


@functools.partial(
    pl.kernel,
    out_type=[
        jax.ShapeDtypeStruct((_NW * _RECI,), jnp.int32),
        jax.ShapeDtypeStruct((_NW * _RECF,), jnp.float32),
    ],
    mesh=_mesh,
    compiler_params=_cparams,
    scratch_types=[
        pltpu.VMEM((_CHUNK,), jnp.float32),
        pltpu.VMEM((_CHUNK,), jnp.float32),
        pltpu.VMEM((_CHUNK,), jnp.float32),
        pltpu.VMEM((_CHUNK,), jnp.float32),
        pltpu.VMEM((4 * _G,), jnp.float32),
        pltpu.VMEM((_G,), jnp.float32),
        pltpu.VMEM((_CHUNK,), jnp.float32),
        pltpu.VMEM((_CHUNK,), jnp.float32),
        pltpu.VMEM((_CHUNK,), jnp.int32),
        pltpu.VMEM((_RECI,), jnp.int32),
        pltpu.VMEM((_RECF,), jnp.float32),
    ],
)
def _phase1(rx1_hbm, ry1_hbm, rx2_hbm, ry2_hbm, gt_hbm, reci_hbm, recf_hbm,
            x1_v, y1_v, x2_v, y2_v, gt_v, a2_v, bi_v, bu_v, ag_v, ri_v, rf_v):
    wid = lax.axis_index("s") * 2 + lax.axis_index("c")
    base = wid * _CHUNK
    pltpu.sync_copy(rx1_hbm.at[pl.ds(base, _CHUNK)], x1_v)
    pltpu.sync_copy(ry1_hbm.at[pl.ds(base, _CHUNK)], y1_v)
    pltpu.sync_copy(rx2_hbm.at[pl.ds(base, _CHUNK)], x2_v)
    pltpu.sync_copy(ry2_hbm.at[pl.ds(base, _CHUNK)], y2_v)
    pltpu.sync_copy(gt_hbm, gt_v)

    iota = lax.iota(jnp.int32, 16)
    for k in range(_G // 16):
        gx1 = gt_v[pl.ds(k * 16, 16)]
        gy1 = gt_v[pl.ds(_G + k * 16, 16)]
        gx2 = gt_v[pl.ds(2 * _G + k * 16, 16)]
        gy2 = gt_v[pl.ds(3 * _G + k * 16, 16)]
        a2_v[pl.ds(k * 16, 16)] = (gx2 - gx1) * (gy2 - gy1)

    _T = 4

    def vec_body(q, _):
        off = q * (16 * _T)
        x1s = [x1_v[pl.ds(off + t * 16, 16)] for t in range(_T)]
        y1s = [y1_v[pl.ds(off + t * 16, 16)] for t in range(_T)]
        x2s = [x2_v[pl.ds(off + t * 16, 16)] for t in range(_T)]
        y2s = [y2_v[pl.ds(off + t * 16, 16)] for t in range(_T)]
        a1s = [(x2s[t] - x1s[t]) * (y2s[t] - y1s[t]) for t in range(_T)]

        def gt_body(j, carry):
            bis, bus, bas = carry
            js = jnp.full((16,), j, dtype=jnp.int32)
            gx1 = plsc.load_gather(gt_v, [js])
            gy1 = plsc.load_gather(gt_v, [js + _G])
            gx2 = plsc.load_gather(gt_v, [js + 2 * _G])
            gy2 = plsc.load_gather(gt_v, [js + 3 * _G])
            a2 = plsc.load_gather(a2_v, [js])
            nbi, nbu, nba = [], [], []
            for t in range(_T):
                w = jnp.minimum(x2s[t], gx2) - jnp.maximum(x1s[t], gx1)
                h = jnp.minimum(y2s[t], gy2) - jnp.maximum(y1s[t], gy1)
                inter = jnp.maximum(w, 0.0) * jnp.maximum(h, 0.0)
                union = jnp.maximum(a1s[t] + a2 - inter, 1e-8)
                better = inter * bus[t] > bis[t] * union
                nbi.append(jnp.where(better, inter, bis[t]))
                nbu.append(jnp.where(better, union, bus[t]))
                nba.append(jnp.where(better, js, bas[t]))
            return tuple(nbi), tuple(nbu), tuple(nba)

        init = (tuple(jnp.full((16,), -1.0, jnp.float32) for _ in range(_T)),
                tuple(jnp.full((16,), 1.0, jnp.float32) for _ in range(_T)),
                tuple(jnp.zeros((16,), jnp.int32) for _ in range(_T)))
        bis, bus, bas = lax.fori_loop(0, _G, gt_body, init)
        for t in range(_T):
            bi_v[pl.ds(off + t * 16, 16)] = bis[t]
            bu_v[pl.ds(off + t * 16, 16)] = bus[t]
            ag_v[pl.ds(off + t * 16, 16)] = bas[t]
        return 0

    lax.fori_loop(0, _NV // _T, vec_body, 0)

    z16 = jnp.zeros((16,), jnp.int32)
    zf16 = jnp.zeros((16,), jnp.float32)
    for k in range(_RECI // 16):
        ri_v[pl.ds(k * 16, 16)] = z16

    def sel_body(v, carry):
        fgc, bgc = carry
        off = v * 16
        gidx = base + off + iota
        valid = gidx < _N
        bi = bi_v[pl.ds(off, 16)]
        bu = bu_v[pl.ds(off, 16)]
        ag = ag_v[pl.ds(off, 16)]
        x1 = x1_v[pl.ds(off, 16)]
        y1 = y1_v[pl.ds(off, 16)]
        x2 = x2_v[pl.ds(off, 16)]
        y2 = y2_v[pl.ds(off, 16)]
        bi2 = bi + bi
        fgm = (bi2 > bu) & valid
        bgm = (bi2 < bu) & valid
        pf = plsc.cumsum(fgm.astype(jnp.int32)) - 1 + fgc
        mf = fgm & (pf < _MAX_POS)
        plsc.store_scatter(ri_v, [pf + 16], ag, mask=mf)
        plsc.store_scatter(rf_v, [pf], x1, mask=mf)
        plsc.store_scatter(rf_v, [pf + _MAX_POS], y1, mask=mf)
        plsc.store_scatter(rf_v, [pf + 2 * _MAX_POS], x2, mask=mf)
        plsc.store_scatter(rf_v, [pf + 3 * _MAX_POS], y2, mask=mf)
        pb = plsc.cumsum(bgm.astype(jnp.int32)) - 1 + bgc
        mb = bgm & (pb < _N_BG)
        plsc.store_scatter(rf_v, [pb + 128], x1, mask=mb)
        plsc.store_scatter(rf_v, [pb + 128 + _N_BG], y1, mask=mb)
        plsc.store_scatter(rf_v, [pb + 128 + 2 * _N_BG], x2, mask=mb)
        plsc.store_scatter(rf_v, [pb + 128 + 3 * _N_BG], y2, mask=mb)
        fgc = fgc + plsc.all_reduce_population_count(fgm)
        bgc = bgc + plsc.all_reduce_population_count(bgm)
        return fgc, bgc

    fgc, bgc = lax.fori_loop(0, _NV, sel_body, (z16, z16))
    fgc = jnp.minimum(fgc, _MAX_POS)
    bgc = jnp.minimum(bgc, _N_BG)
    arg0 = plsc.load_gather(ag_v, [z16])
    hdr = jnp.where(iota == 0, fgc,
                    jnp.where(iota == 1, bgc,
                              jnp.where(iota == 2, arg0, z16)))
    ri_v[pl.ds(0, 16)] = hdr
    x10 = plsc.load_gather(x1_v, [z16])
    y10 = plsc.load_gather(y1_v, [z16])
    x20 = plsc.load_gather(x2_v, [z16])
    y20 = plsc.load_gather(y2_v, [z16])
    hdrf = jnp.where(iota == 0, x10,
                     jnp.where(iota == 1, y10,
                               jnp.where(iota == 2, x20,
                                         jnp.where(iota == 3, y20, zf16))))
    rf_v[pl.ds(512, 16)] = hdrf
    pltpu.sync_copy(ri_v, reci_hbm.at[pl.ds(wid * _RECI, _RECI)])
    pltpu.sync_copy(rf_v, recf_hbm.at[pl.ds(wid * _RECF, _RECF)])


@functools.partial(
    pl.kernel,
    out_type=[
        jax.ShapeDtypeStruct((_TOTAL, 4), jnp.float32),
        jax.ShapeDtypeStruct((_TOTAL,), jnp.int32),
        jax.ShapeDtypeStruct((_TOTAL * _NUM_CLASSES * 4,), jnp.float32),
        jax.ShapeDtypeStruct((_TOTAL * _NUM_CLASSES * 4,), jnp.float32),
    ],
    mesh=_mesh,
    compiler_params=_cparams,
    scratch_types=[
        pltpu.VMEM((_RECI,), jnp.int32),
        pltpu.VMEM((_RECF,), jnp.float32),
        pltpu.VMEM((_MAX_POS,), jnp.int32),
        pltpu.VMEM((_TOTAL, 4), jnp.float32),
        pltpu.VMEM((4 * _G,), jnp.float32),
        pltpu.VMEM((_G,), jnp.int32),
        pltpu.VMEM((_TOTAL,), jnp.int32),
        pltpu.VMEM((_TOTAL * _NUM_CLASSES * 4,), jnp.float32),
        pltpu.VMEM((_TOTAL * _NUM_CLASSES * 4,), jnp.float32),
    ],
)
def _phase2(reci_hbm, recf_hbm, gt_hbm, glab_hbm,
            orois_hbm, olab_hbm, otgt_hbm, oinw_hbm,
            ci_v, cf_v, fggt_v, rois_v, gtc_v, glab_v, lab_v, tgt_v, inw_v):
    wid = lax.axis_index("s") * 2 + lax.axis_index("c")

    @pl.when(wid == 0)
    def _():
        pltpu.sync_copy(gt_hbm, gtc_v)
        pltpu.sync_copy(glab_hbm, glab_v)
        iota = lax.iota(jnp.int32, 16)
        z16 = jnp.zeros((16,), jnp.int32)

        pltpu.sync_copy(reci_hbm.at[pl.ds(0, _RECI)], ci_v)
        pltpu.sync_copy(recf_hbm.at[pl.ds(0, _RECF)], cf_v)
        arg0 = plsc.load_gather(ci_v, [z16 + 2])
        fggt_v[pl.ds(0, 16)] = arg0
        fggt_v[pl.ds(16, 16)] = arg0
        for c in range(4):
            r0c = plsc.load_gather(cf_v, [z16 + 512 + c])
            for s in range(_TOTAL // 16):
                plsc.store_scatter(rois_v, [iota + s * 16, z16 + c], r0c)

        def merge_cond(carry):
            ci, fo, bo = carry
            return (ci < _NW) & ((fo < _MAX_POS) | (bo < _N_BG))

        def merge_body(carry):
            ci, fo, bo = carry
            pltpu.sync_copy(reci_hbm.at[pl.ds(ci * _RECI, _RECI)], ci_v)
            pltpu.sync_copy(recf_hbm.at[pl.ds(ci * _RECF, _RECF)], cf_v)
            hv = ci_v[pl.ds(0, 16)]
            cfg = hv[0]
            cbg = hv[1]
            cfgv = jnp.full((16,), cfg, dtype=jnp.int32)
            cbgv = jnp.full((16,), cbg, dtype=jnp.int32)
            fov = jnp.full((16,), fo, dtype=jnp.int32)
            bov = jnp.full((16,), bo, dtype=jnp.int32)
            for k in range(_MAX_POS // 16):
                lpos = iota + k * 16
                dpos = fov + lpos
                m = (lpos < cfgv) & (dpos < _MAX_POS)
                gts = plsc.load_gather(ci_v, [16 + lpos])
                plsc.store_scatter(fggt_v, [dpos], gts, mask=m)
                for c in range(4):
                    cv = plsc.load_gather(cf_v, [lpos + c * _MAX_POS])
                    plsc.store_scatter(rois_v, [dpos, z16 + c], cv, mask=m)
            for k in range(_N_BG // 16):
                lpos = iota + k * 16
                dpos = bov + lpos
                m = (lpos < cbgv) & (dpos < _N_BG)
                for c in range(4):
                    cv = plsc.load_gather(cf_v, [lpos + 128 + c * _N_BG])
                    plsc.store_scatter(rois_v, [dpos + _MAX_POS, z16 + c],
                                       cv, mask=m)
            return ci + 1, fo + cfg, bo + cbg

        lax.while_loop(merge_cond, merge_body, (0, 0, 0))
        pltpu.sync_copy(rois_v, orois_hbm)

        zf = jnp.zeros((16,), jnp.float32)

        def zero_body(i, _):
            for u in range(4):
                tgt_v[pl.ds((i * 4 + u) * 16, 16)] = zf
                inw_v[pl.ds((i * 4 + u) * 16, 16)] = zf
            return 0

        lax.fori_loop(0, _TOTAL * _NUM_CLASSES * 4 // 64, zero_body, 0)

        one = jnp.ones((16,), jnp.float32)
        for k in range(_MAX_POS // 16):
            rows = iota + k * 16
            fgt = fggt_v[pl.ds(k * 16, 16)]
            lab = plsc.load_gather(glab_v, [fgt])
            lab_v[pl.ds(k * 16, 16)] = lab
            px1 = plsc.load_gather(rois_v, [rows, z16])
            py1 = plsc.load_gather(rois_v, [rows, z16 + 1])
            px2 = plsc.load_gather(rois_v, [rows, z16 + 2])
            py2 = plsc.load_gather(rois_v, [rows, z16 + 3])
            gx1 = plsc.load_gather(gtc_v, [fgt])
            gy1 = plsc.load_gather(gtc_v, [fgt + _G])
            gx2 = plsc.load_gather(gtc_v, [fgt + 2 * _G])
            gy2 = plsc.load_gather(gtc_v, [fgt + 3 * _G])
            pw = px2 - px1 + 1.0
            ph = py2 - py1 + 1.0
            pxc = px1 + 0.5 * pw
            pyc = py1 + 0.5 * ph
            gw = gx2 - gx1 + 1.0
            gh = gy2 - gy1 + 1.0
            gxc = gx1 + 0.5 * gw
            gyc = gy1 + 0.5 * gh
            dx = (gxc - pxc) / pw
            dy = (gyc - pyc) / ph
            dw = _vlog(gw / pw)
            dh = _vlog(gh / ph)
            flat = rows * (_NUM_CLASSES * 4) + lab * 4
            plsc.store_scatter(tgt_v, [flat], dx)
            plsc.store_scatter(tgt_v, [flat + 1], dy)
            plsc.store_scatter(tgt_v, [flat + 2], dw)
            plsc.store_scatter(tgt_v, [flat + 3], dh)
            plsc.store_scatter(inw_v, [flat], one)
            plsc.store_scatter(inw_v, [flat + 1], one)
            plsc.store_scatter(inw_v, [flat + 2], one)
            plsc.store_scatter(inw_v, [flat + 3], one)

        for k in range(2, _TOTAL // 16):
            lab_v[pl.ds(k * 16, 16)] = z16
        pltpu.sync_copy(lab_v, olab_hbm)
        pltpu.sync_copy(tgt_v, otgt_hbm)
        pltpu.sync_copy(inw_v, oinw_hbm)


def kernel(rois, gt_bboxes, gt_labels):
    rois_pad = jnp.pad(rois, ((0, _NPAD - _N), (0, 0)))
    gt_cols = gt_bboxes.T.reshape(-1)
    reci, recf = _phase1(rois_pad[:, 0], rois_pad[:, 1],
                         rois_pad[:, 2], rois_pad[:, 3], gt_cols)
    frois, flab, ftgt, finw = _phase2(
        reci, recf, gt_cols, gt_labels.astype(jnp.int32))
    ftgt = ftgt.reshape(_TOTAL, _NUM_CLASSES * 4)
    finw = finw.reshape(_TOTAL, _NUM_CLASSES * 4)
    foutw = jnp.ones((_TOTAL, _NUM_CLASSES * 4), jnp.float32)
    return frois, flab, ftgt, finw, foutw

# --- scband reference (transcript-rebuilt; emitter-appended) ---
"""Pipeline reference for scband-proposal-target-19516331393682 (READ-ONLY COPY).

The authoritative reference and input builder live on the scoring server;
editing this copy changes nothing except your own understanding.
"""

import jax, jax.numpy as jnp
import numpy as np

NUM_CLASSES = 21
POS_IOU_THR = 0.5
TOTAL_SAMPLES = 128
MAX_POS = 32
TARGET_MEANS = jnp.array([0.0, 0.0, 0.0, 0.0], dtype=jnp.float32)
TARGET_STDS = jnp.array([1.0, 1.0, 1.0, 1.0], dtype=jnp.float32)


def pairwise_iou(boxes1, boxes2):
    area1 = (boxes1[:, 2] - boxes1[:, 0]) * (boxes1[:, 3] - boxes1[:, 1])
    area2 = (boxes2[:, 2] - boxes2[:, 0]) * (boxes2[:, 3] - boxes2[:, 1])
    lt = jnp.maximum(boxes1[:, None, :2], boxes2[None, :, :2])
    rb = jnp.minimum(boxes1[:, None, 2:], boxes2[None, :, 2:])
    wh = jnp.clip(rb - lt, 0.0, None)
    inter = wh[..., 0] * wh[..., 1]
    union = area1[:, None] + area2[None, :] - inter
    return inter / jnp.maximum(union, 1e-8)


def encode_bbox_with_mean_and_std(proposals, gt, target_means, target_stds):
    pw = proposals[:, 2] - proposals[:, 0] + 1.0
    ph = proposals[:, 3] - proposals[:, 1] + 1.0
    px = proposals[:, 0] + 0.5 * pw
    py = proposals[:, 1] + 0.5 * ph
    gw = gt[:, 2] - gt[:, 0] + 1.0
    gh = gt[:, 3] - gt[:, 1] + 1.0
    gx = gt[:, 0] + 0.5 * gw
    gy = gt[:, 1] + 0.5 * gh
    dx = (gx - px) / pw
    dy = (gy - py) / ph
    dw = jnp.log(gw / pw)
    dh = jnp.log(gh / ph)
    targets = jnp.stack([dx, dy, dw, dh], axis=1)
    return (targets - target_means[None, :]) / target_stds[None, :]


def compute_sample_indices(rois, gt_bboxes, gt_labels):
    iou = pairwise_iou(rois, gt_bboxes)
    max_overlaps = jnp.max(iou, axis=1)
    gt_assignment = jnp.argmax(iou, axis=1)
    labels = jnp.take(gt_labels, gt_assignment)
    fg_inds = jnp.where(max_overlaps > POS_IOU_THR, size=MAX_POS)[0]
    n_bg = TOTAL_SAMPLES - MAX_POS
    bg_inds = jnp.where(max_overlaps < POS_IOU_THR, size=n_bg)[0]
    keep_inds = jnp.concatenate([fg_inds, bg_inds], axis=0)
    return fg_inds, keep_inds, gt_assignment, labels


def setup_inputs(seed: int = 0):
    key = jax.random.key(seed)
    ks = jax.random.split(key, 10)
    G = 64
    N = 20000
    gx1 = jax.random.uniform(ks[0], (G,), minval=0.0, maxval=400.0)
    gy1 = jax.random.uniform(ks[1], (G,), minval=0.0, maxval=400.0)
    gw = jax.random.uniform(ks[2], (G,), minval=40.0, maxval=160.0)
    gh = jax.random.uniform(ks[3], (G,), minval=40.0, maxval=160.0)
    gt_bboxes = jnp.stack([gx1, gy1, gx1 + gw, gy1 + gh], axis=1).astype(jnp.float32)
    gt_labels = jax.random.randint(ks[4], (G,), 1, NUM_CLASSES)
    n_near = 256
    jitter = jax.random.normal(ks[5], (n_near, 4), dtype=jnp.float32) * 4.0
    rois_near = jnp.tile(gt_bboxes, (4, 1)) + jitter
    n_rand = N - n_near
    rx1 = jax.random.uniform(ks[6], (n_rand,), minval=0.0, maxval=500.0)
    ry1 = jax.random.uniform(ks[7], (n_rand,), minval=0.0, maxval=500.0)
    rw = jax.random.uniform(ks[8], (n_rand,), minval=8.0, maxval=200.0)
    rh = jax.random.uniform(ks[9], (n_rand,), minval=8.0, maxval=200.0)
    rois_rand = jnp.stack([rx1, ry1, rx1 + rw, ry1 + rh], axis=1)
    rois = jnp.concatenate([rois_near, rois_rand], axis=0).astype(jnp.float32)
    return {"rois": rois, "gt_bboxes": gt_bboxes, "gt_labels": gt_labels}


def reference(rois, gt_bboxes, gt_labels):
    fg_inds, keep_inds, gt_assignment, labels = compute_sample_indices(rois, gt_bboxes, gt_labels)
    nf = int(fg_inds.shape[0])
    nk = int(keep_inds.shape[0])
    final_rois = jnp.take(rois, keep_inds, axis=0)
    final_labels = jnp.take(labels, keep_inds)
    final_labels = final_labels.at[jnp.arange(nf, nk)].set(0)  # scatter-overwrite: bg labels -> 0
    bbox_inside_weights = jnp.zeros((nk, NUM_CLASSES, 4), dtype=jnp.float32)
    if nf > 0:
        fg_labels = jnp.take(labels, fg_inds)
        bbox_inside_weights = bbox_inside_weights.at[jnp.arange(nf), fg_labels].set(jnp.ones((nf, 4), dtype=jnp.float32))
    bbox_inside_weights = bbox_inside_weights.reshape(-1, NUM_CLASSES * 4)
    final_bbox_targets = jnp.zeros((nk, NUM_CLASSES, 4), dtype=jnp.float32)
    if nf > 0:
        matched_gt = jnp.take(gt_bboxes, jnp.take(gt_assignment, fg_inds), axis=0)
        bbox_targets = encode_bbox_with_mean_and_std(final_rois[:nf], matched_gt, TARGET_MEANS, TARGET_STDS)
        final_bbox_targets = final_bbox_targets.at[jnp.arange(nf), jnp.take(labels, fg_inds)].set(bbox_targets)
    final_bbox_targets = final_bbox_targets.reshape(-1, NUM_CLASSES * 4)
    bbox_outside_weights = jnp.ones_like(bbox_inside_weights)
    return (jax.lax.stop_gradient(final_rois),
            jax.lax.stop_gradient(final_labels),
            jax.lax.stop_gradient(final_bbox_targets),
            jax.lax.stop_gradient(bbox_inside_weights),
            jax.lax.stop_gradient(bbox_outside_weights))

if __name__ == "__main__":
    import jax
    _d = setup_inputs()
    print(jax.jit(kernel)(*tuple(_d.values())))

</pallas_src>

<mosaic_0001>
#map = affine_map<(d0, d1) -> (0)>
#map1 = affine_map<(d0, d1) -> (0, 0)>
module attributes {stable_mosaic.version = 14 : i64} {
  func.func @_phase2(%arg0: i32, %arg1: i32, %arg2: memref<2048xi32, #tpu.memory_space<hbm>>, %arg3: memref<16896xf32, #tpu.memory_space<hbm>>, %arg4: memref<256xf32, #tpu.memory_space<hbm>>, %arg5: memref<64xi32, #tpu.memory_space<hbm>>, %arg6: memref<128x4xf32, #tpu.memory_space<hbm>>, %arg7: memref<128xi32, #tpu.memory_space<hbm>>, %arg8: memref<10752xf32, #tpu.memory_space<hbm>>, %arg9: memref<10752xf32, #tpu.memory_space<hbm>>, %arg10: memref<64xi32, #tpu.memory_space<vmem>>, %arg11: memref<528xf32, #tpu.memory_space<vmem>>, %arg12: memref<32xi32, #tpu.memory_space<vmem>>, %arg13: memref<128x4xf32, #tpu.memory_space<vmem>>, %arg14: memref<256xf32, #tpu.memory_space<vmem>>, %arg15: memref<64xi32, #tpu.memory_space<vmem>>, %arg16: memref<128xi32, #tpu.memory_space<vmem>>, %arg17: memref<10752xf32, #tpu.memory_space<vmem>>, %arg18: memref<10752xf32, #tpu.memory_space<vmem>>) attributes {dimension_semantics = [#tpu.dimension_semantics<core_parallel>, #tpu.dimension_semantics<subcore_parallel>], iteration_bounds = array<i64: 2, 16>, scalar_prefetch = 0 : i64, scratch_operands = 9 : i64, tpu.core_type = #tpu.core_type<sc_vector_subcore>, window_params = [{transform_indices = #map}, {transform_indices = #map}, {transform_indices = #map}, {transform_indices = #map}, {transform_indices = #map1}, {transform_indices = #map}, {transform_indices = #map}, {transform_indices = #map}]} {
    %mul3A = arith.constant 2 : i32
    %mul3A_0 = arith.muli %arg1, %mul3A : i32
    %add3A = arith.addi %mul3A_0, %arg0 : i32
    %eq3A = arith.constant 0 : i32
    %eq3A_1 = arith.cmpi eq, %add3A, %eq3A : i32
    %convert_element_type3A = arith.extui %eq3A_1 : i1 to i32
    %cond3A = arith.constant 0 : i32
    %cond3A_2 = arith.cmpi ne, %convert_element_type3A, %cond3A : i32
    scf.if %cond3A_2 {
      "tpu.region"() ({
        %run_scoped3A = tpu.sem_alloc : memref<!tpu.dma_semaphore, #tpu.memory_space<semaphore_mem>>
        tpu.enqueue_dma source(%arg4 : memref<256xf32, #tpu.memory_space<hbm>>) target(%arg14 : memref<256xf32, #tpu.memory_space<vmem>>) target_semaphore(%run_scoped3A : memref<!tpu.dma_semaphore, #tpu.memory_space<semaphore_mem>>)
        tpu.wait_dma2 semaphore(%run_scoped3A : memref<!tpu.dma_semaphore, #tpu.memory_space<semaphore_mem>>) src(%arg4 : memref<256xf32, #tpu.memory_space<hbm>>) dst(%arg14 : memref<256xf32, #tpu.memory_space<vmem>>)
        tpu.yield
      }) : () -> ()
      "tpu.region"() ({
        %run_scoped3A = tpu.sem_alloc : memref<!tpu.dma_semaphore, #tpu.memory_space<semaphore_mem>>
        tpu.enqueue_dma source(%arg5 : memref<64xi32, #tpu.memory_space<hbm>>) target(%arg15 : memref<64xi32, #tpu.memory_space<vmem>>) target_semaphore(%run_scoped3A : memref<!tpu.dma_semaphore, #tpu.memory_space<semaphore_mem>>)
        tpu.wait_dma2 semaphore(%run_scoped3A : memref<!tpu.dma_semaphore, #tpu.memory_space<semaphore_mem>>) src(%arg5 : memref<64xi32, #tpu.memory_space<hbm>>) dst(%arg15 : memref<64xi32, #tpu.memory_space<vmem>>)
        tpu.yield
      }) : () -> ()
      %iota3A = tpu.iota {dimensions = array<i32: 0>} : vector<16xi32>
      %broadcast_in_dim3A = arith.constant 0 : i32
      %broadcast_in_dim3A_3 = vector.broadcast %broadcast_in_dim3A : i32 to vector<16xi32>
      "tpu.region"() ({
        %run_scoped3A = tpu.sem_alloc : memref<!tpu.dma_semaphore, #tpu.memory_space<semaphore_mem>>
        %dma_start3A = arith.constant 0 : i32
        %dma_start3A_692 = tpu.memref_slice %arg2[%dma_start3A] : memref<2048xi32, #tpu.memory_space<hbm>> -> memref<64xi32, #tpu.memory_space<hbm>>
        %dma_start3A_693 = arith.constant 0 : i32
        %dma_start3A_694 = tpu.memref_slice %arg2[%dma_start3A_693] : memref<2048xi32, #tpu.memory_space<hbm>> -> memref<64xi32, #tpu.memory_space<hbm>>
        tpu.enqueue_dma source(%dma_start3A_694 : memref<64xi32, #tpu.memory_space<hbm>>) target(%arg10 : memref<64xi32, #tpu.memory_space<vmem>>) target_semaphore(%run_scoped3A : memref<!tpu.dma_semaphore, #tpu.memory_space<semaphore_mem>>)
        %dma_wait3A = arith.constant 0 : i32
        %dma_wait3A_695 = tpu.memref_slice %arg2[%dma_wait3A] : memref<2048xi32, #tpu.memory_space<hbm>> -> memref<64xi32, #tpu.memory_space<hbm>>
        %dma_wait3A_696 = arith.constant 0 : i32
        %dma_wait3A_697 = tpu.memref_slice %arg2[%dma_wait3A_696] : memref<2048xi32, #tpu.memory_space<hbm>> -> memref<64xi32, #tpu.memory_space<hbm>>
        tpu.wait_dma2 semaphore(%run_scoped3A : memref<!tpu.dma_semaphore, #tpu.memory_space<semaphore_mem>>) src(%dma_wait3A_697 : memref<64xi32, #tpu.memory_space<hbm>>) dst(%arg10 : memref<64xi32, #tpu.memory_space<vmem>>)
        tpu.yield
      }) : () -> ()
      "tpu.region"() ({
        %run_scoped3A = tpu.sem_alloc : memref<!tpu.dma_semaphore, #tpu.memory_space<semaphore_mem>>
        %dma_start3A = arith.constant 0 : i32
        %dma_start3A_692 = tpu.memref_slice %arg3[%dma_start3A] : memref<16896xf32, #tpu.memory_space<hbm>> -> memref<528xf32, #tpu.memory_space<hbm>>
        %dma_start3A_693 = arith.constant 0 : i32
        %dma_start3A_694 = tpu.memref_slice %arg3[%dma_start3A_693] : memref<16896xf32, #tpu.memory_space<hbm>> -> memref<528xf32, #tpu.memory_space<hbm>>
        tpu.enqueue_dma source(%dma_start3A_694 : memref<528xf32, #tpu.memory_space<hbm>>) target(%arg11 : memref<528xf32, #tpu.memory_space<vmem>>) target_semaphore(%run_scoped3A : memref<!tpu.dma_semaphore, #tpu.memory_space<semaphore_mem>>)
        %dma_wait3A = arith.constant 0 : i32
        %dma_wait3A_695 = tpu.memref_slice %arg3[%dma_wait3A] : memref<16896xf32, #tpu.memory_space<hbm>> -> memref<528xf32, #tpu.memory_space<hbm>>
        %dma_wait3A_696 = arith.constant 0 : i32
        %dma_wait3A_697 = tpu.memref_slice %arg3[%dma_wait3A_696] : memref<16896xf32, #tpu.memory_space<hbm>> -> memref<528xf32, #tpu.memory_space<hbm>>
        tpu.wait_dma2 semaphore(%run_scoped3A : memref<!tpu.dma_semaphore, #tpu.memory_space<semaphore_mem>>) src(%dma_wait3A_697 : memref<528xf32, #tpu.memory_space<hbm>>) dst(%arg11 : memref<528xf32, #tpu.memory_space<vmem>>)
        tpu.yield
      }) : () -> ()
      %add3A_4 = arith.constant 2 : i32
      %add3A_5 = vector.broadcast %add3A_4 : i32 to vector<16xi32>
      %add3A_6 = arith.addi %broadcast_in_dim3A_3, %add3A_5 : vector<16xi32>
      %gather3A = tpu.vector_load_idx %arg10[%add3A_6] : memref<64xi32, #tpu.memory_space<vmem>>[vector<16xi32>], vector<16xi32>,
      %swap3A = arith.constant 0 : index
      %swap3A_7 = tpu.vector_load %arg12[%swap3A] {strides = array<i32>} : memref<32xi32, #tpu.memory_space<vmem>>, vector<16xi32>,
      tpu.vector_store %arg12[%swap3A], %gather3A {strides = array<i32>} : memref<32xi32, #tpu.memory_space<vmem>>, vector<16xi32>,
      %swap3A_8 = arith.constant 16 : index
      %swap3A_9 = tpu.vector_load %arg12[%swap3A_8] {strides = array<i32>} : memref<32xi32, #tpu.memory_space<vmem>>, vector<16xi32>,
      tpu.vector_store %arg12[%swap3A_8], %gather3A {strides = array<i32>} : memref<32xi32, #tpu.memory_space<vmem>>, vector<16xi32>,
      %add3A_10 = arith.constant 512 : i32
      %add3A_11 = vector.broadcast %add3A_10 : i32 to vector<16xi32>
      %add3A_12 = arith.addi %broadcast_in_dim3A_3, %add3A_11 : vector<16xi32>
      %add3A_13 = arith.constant 0 : i32
      %add3A_14 = vector.broadcast %add3A_13 : i32 to vector<16xi32>
      %add3A_15 = arith.addi %add3A_12, %add3A_14 : vector<16xi32>
      %gather3A_16 = tpu.vector_load_idx %arg11[%add3A_15] : memref<528xf32, #tpu.memory_space<vmem>>[vector<16xi32>], vector<16xf32>,
      %add3A_17 = arith.constant 0 : i32
      %add3A_18 = vector.broadcast %add3A_17 : i32 to vector<16xi32>
      %add3A_19 = arith.addi %iota3A, %add3A_18 : vector<16xi32>
      %add3A_20 = arith.constant 0 : i32
      %add3A_21 = vector.broadcast %add3A_20 : i32 to vector<16xi32>
      %add3A_22 = arith.addi %broadcast_in_dim3A_3, %add3A_21 : vector<16xi32>
      tpu.vector_store_idx %arg13[%add3A_19, %add3A_22], %gather3A_16 : memref<128x4xf32, #tpu.memory_space<vmem>>[vector<16xi32>, vector<16xi32>], vector<16xf32>,
      %add3A_23 = arith.constant 16 : i32
      %add3A_24 = vector.broadcast %add3A_23 : i32 to vector<16xi32>
      %add3A_25 = arith.addi %iota3A, %add3A_24 : vector<16xi32>
      %add3A_26 = arith.constant 0 : i32
      %add3A_27 = vector.broadcast %add3A_26 : i32 to vector<16xi32>
      %add3A_28 = arith.addi %broadcast_in_dim3A_3, %add3A_27 : vector<16xi32>
      tpu.vector_store_idx %arg13[%add3A_25, %add3A_28], %gather3A_16 : memref<128x4xf32, #tpu.memory_space<vmem>>[vector<16xi32>, vector<16xi32>], vector<16xf32>,
      %add3A_29 = arith.constant 32 : i32
      %add3A_30 = vector.broadcast %add3A_29 : i32 to vector<16xi32>
      %add3A_31 = arith.addi %iota3A, %add3A_30 : vector<16xi32>
      %add3A_32 = arith.constant 0 : i32
      %add3A_33 = vector.broadcast %add3A_32 : i32 to vector<16xi32>
      %add3A_34 = arith.addi %broadcast_in_dim3A_3, %add3A_33 : vector<16xi32>
      tpu.vector_store_idx %arg13[%add3A_31, %add3A_34], %gather3A_16 : memref<128x4xf32, #tpu.memory_space<vmem>>[vector<16xi32>, vector<16xi32>], vector<16xf32>,
      %add3A_35 = arith.constant 48 : i32
      %add3A_36 = vector.broadcast %add3A_35 : i32 to vector<16xi32>
      %add3A_37 = arith.addi %iota3A, %add3A_36 : vector<16xi32>
      %add3A_38 = arith.constant 0 : i32
      %add3A_39 = vector.broadcast %add3A_38 : i32 to vector<16xi32>
      %add3A_40 = arith.addi %broadcast_in_dim3A_3, %add3A_39 : vector<16xi32>
      tpu.vector_store_idx %arg13[%add3A_37, %add3A_40], %gather3A_16 : memref<128x4xf32, #tpu.memory_space<vmem>>[vector<16xi32>, vector<16xi32>], vector<16xf32>,
      %add3A_41 = arith.constant 64 : i32
      %add3A_42 = vector.broadcast %add3A_41 : i32 to vector<16xi32>
      %add3A_43 = arith.addi %iota3A, %add3A_42 : vector<16xi32>
      %add3A_44 = arith.constant 0 : i32
      %add3A_45 = vector.broadcast %add3A_44 : i32 to vector<16xi32>
      %add3A_46 = arith.addi %broadcast_in_dim3A_3, %add3A_45 : vector<16xi32>
      tpu.vector_store_idx %arg13[%add3A_43, %add3A_46], %gather3A_16 : memref<128x4xf32, #tpu.memory_space<vmem>>[vector<16xi32>, vector<16xi32>], vector<16xf32>,
      %add3A_47 = arith.constant 80 : i32
      %add3A_48 = vector.broadcast %add3A_47 : i32 to vector<16xi32>
      %add3A_49 = arith.addi %iota3A, %add3A_48 : vector<16xi32>
      %add3A_50 = arith.constant 0 : i32
      %add3A_51 = vector.broadcast %add3A_50 : i32 to vector<16xi32>
      %add3A_52 = arith.addi %broadcast_in_dim3A_3, %add3A_51 : vector<16xi32>
      tpu.vector_store_idx %arg13[%add3A_49, %add3A_52], %gather3A_16 : memref<128x4xf32, #tpu.memory_space<vmem>>[vector<16xi32>, vector<16xi32>], vector<16xf32>,
      %add3A_53 = arith.constant 96 : i32
      %add3A_54 = vector.broadcast %add3A_53 : i32 to vector<16xi32>
      %add3A_55 = arith.addi %iota3A, %add3A_54 : vector<16xi32>
      %add3A_56 = arith.constant 0 : i32
      %add3A_57 = vector.broadcast %add3A_56 : i32 to vector<16xi32>
      %add3A_58 = arith.addi %broadcast_in_dim3A_3, %add3A_57 : vector<16xi32>
      tpu.vector_store_idx %arg13[%add3A_55, %add3A_58], %gather3A_16 : memref<128x4xf32, #tpu.memory_space<vmem>>[vector<16xi32>, vector<16xi32>], vector<16xf32>,
      %add3A_59 = arith.constant 112 : i32
      %add3A_60 = vector.broadcast %add3A_59 : i32 to vector<16xi32>
      %add3A_61 = arith.addi %iota3A, %add3A_60 : vector<16xi32>
      %add3A_62 = arith.constant 0 : i32
      %add3A_63 = vector.broadcast %add3A_62 : i32 to vector<16xi32>
      %add3A_64 = arith.addi %broadcast_in_dim3A_3, %add3A_63 : vector<16xi32>
      tpu.vector_store_idx %arg13[%add3A_61, %add3A_64], %gather3A_16 : memref<128x4xf32, #tpu.memory_space<vmem>>[vector<16xi32>, vector<16xi32>], vector<16xf32>,
      %add3A_65 = arith.constant 512 : i32
      %add3A_66 = vector.broadcast %add3A_65 : i32 to vector<16xi32>
      %add3A_67 = arith.addi %broadcast_in_dim3A_3, %add3A_66 : vector<16xi32>
      %add3A_68 = arith.constant 1 : i32
      %add3A_69 = vector.broadcast %add3A_68 : i32 to vector<16xi32>
      %add3A_70 = arith.addi %add3A_67, %add3A_69 : vector<16xi32>
      %gather3A_71 = tpu.vector_load_idx %arg11[%add3A_70] : memref<528xf32, #tpu.memory_space<vmem>>[vector<16xi32>], vector<16xf32>,
      %add3A_72 = arith.constant 0 : i32
      %add3A_73 = vector.broadcast %add3A_72 : i32 to vector<16xi32>
      %add3A_74 = arith.addi %iota3A, %add3A_73 : vector<16xi32>
      %add3A_75 = arith.constant 1 : i32
      %add3A_76 = vector.broadcast %add3A_75 : i32 to vector<16xi32>
      %add3A_77 = arith.addi %broadcast_in_dim3A_3, %add3A_76 : vector<16xi32>
      tpu.vector_store_idx %arg13[%add3A_74, %add3A_77], %gather3A_71 : memref<128x4xf32, #tpu.memory_space<vmem>>[vector<16xi32>, vector<16xi32>], vector<16xf32>,
      %add3A_78 = arith.constant 16 : i32
      %add3A_79 = vector.broadcast %add3A_78 : i32 to vector<16xi32>
      %add3A_80 = arith.addi %iota3A, %add3A_79 : vector<16xi32>
      %add3A_81 = arith.constant 1 : i32
      %add3A_82 = vector.broadcast %add3A_81 : i32 to vector<16xi32>
      %add3A_83 = arith.addi %broadcast_in_dim3A_3, %add3A_82 : vector<16xi32>
      tpu.vector_store_idx %arg13[%add3A_80, %add3A_83], %gather3A_71 : memref<128x4xf32, #tpu.memory_space<vmem>>[vector<16xi32>, vector<16xi32>], vector<16xf32>,
      %add3A_84 = arith.constant 32 : i32
      %add3A_85 = vector.broadcast %add3A_84 : i32 to vector<16xi32>
      %add3A_86 = arith.addi %iota3A, %add3A_85 : vector<16xi32>
      %add3A_87 = arith.constant 1 : i32
      %add3A_88 = vector.broadcast %add3A_87 : i32 to vector<16xi32>
      %add3A_89 = arith.addi %broadcast_in_dim3A_3, %add3A_88 : vector<16xi32>
      tpu.vector_store_idx %arg13[%add3A_86, %add3A_89], %gather3A_71 : memref<128x4xf32, #tpu.memory_space<vmem>>[vector<16xi32>, vector<16xi32>], vector<16xf32>,
      %add3A_90 = arith.constant 48 : i32
      %add3A_91 = vector.broadcast %add3A_90 : i32 to vector<16xi32>
      %add3A_92 = arith.addi %iota3A, %add3A_91 : vector<16xi32>
      %add3A_93 = arith.constant 1 : i32
      %add3A_94 = vector.broadcast %add3A_93 : i32 to vector<16xi32>
      %add3A_95 = arith.addi %broadcast_in_dim3A_3, %add3A_94 : vector<16xi32>
      tpu.vector_store_idx %arg13[%add3A_92, %add3A_95], %gather3A_71 : memref<128x4xf32, #tpu.memory_space<vmem>>[vector<16xi32>, vector<16xi32>], vector<16xf32>,
      %add3A_96 = arith.constant 64 : i32
      %add3A_97 = vector.broadcast %add3A_96 : i32 to vector<16xi32>
      %add3A_98 = arith.addi %iota3A, %add3A_97 : vector<16xi32>
      %add3A_99 = arith.constant 1 : i32
      %add3A_100 = vector.broadcast %add3A_99 : i32 to vector<16xi32>
      %add3A_101 = arith.addi %broadcast_in_dim3A_3, %add3A_100 : vector<16xi32>
      tpu.vector_store_idx %arg13[%add3A_98, %add3A_101], %gather3A_71 : memref<128x4xf32, #tpu.memory_space<vmem>>[vector<16xi32>, vector<16xi32>], vector<16xf32>,
      %add3A_102 = arith.constant 80 : i32
      %add3A_103 = vector.broadcast %add3A_102 : i32 to vector<16xi32>
      %add3A_104 = arith.addi %iota3A, %add3A_103 : vector<16xi32>
      %add3A_105 = arith.constant 1 : i32
      %add3A_106 = vector.broadcast %add3A_105 : i32 to vector<16xi32>
      %add3A_107 = arith.addi %broadcast_in_dim3A_3, %add3A_106 : vector<16xi32>
      tpu.vector_store_idx %arg13[%add3A_104, %add3A_107], %gather3A_71 : memref<128x4xf32, #tpu.memory_space<vmem>>[vector<16xi32>, vector<16xi32>], vector<16xf32>,
      %add3A_108 = arith.constant 96 : i32
      %add3A_109 = vector.broadcast %add3A_108 : i32 to vector<16xi32>
      %add3A_110 = arith.addi %iota3A, %add3A_109 : vector<16xi32>
      %add3A_111 = arith.constant 1 : i32
      %add3A_112 = vector.broadcast %add3A_111 : i32 to vector<16xi32>
      %add3A_113 = arith.addi %broadcast_in_dim3A_3, %add3A_112 : vector<16xi32>
      tpu.vector_store_idx %arg13[%add3A_110, %add3A_113], %gather3A_71 : memref<128x4xf32, #tpu.memory_space<vmem>>[vector<16xi32>, vector<16xi32>], vector<16xf32>,
      %add3A_114 = arith.constant 112 : i32
      %add3A_115 = vector.broadcast %add3A_114 : i32 to vector<16xi32>
      %add3A_116 = arith.addi %iota3A, %add3A_115 : vector<16xi32>
      %add3A_117 = arith.constant 1 : i32
      %add3A_118 = vector.broadcast %add3A_117 : i32 to vector<16xi32>
      %add3A_119 = arith.addi %broadcast_in_dim3A_3, %add3A_118 : vector<16xi32>
      tpu.vector_store_idx %arg13[%add3A_116, %add3A_119], %gather3A_71 : memref<128x4xf32, #tpu.memory_space<vmem>>[vector<16xi32>, vector<16xi32>], vector<16xf32>,
      %add3A_120 = arith.constant 512 : i32
      %add3A_121 = vector.broadcast %add3A_120 : i32 to vector<16xi32>
      %add3A_122 = arith.addi %broadcast_in_dim3A_3, %add3A_121 : vector<16xi32>
      %add3A_123 = arith.constant 2 : i32
      %add3A_124 = vector.broadcast %add3A_123 : i32 to vector<16xi32>
      %add3A_125 = arith.addi %add3A_122, %add3A_124 : vector<16xi32>
      %gather3A_126 = tpu.vector_load_idx %arg11[%add3A_125] : memref<528xf32, #tpu.memory_space<vmem>>[vector<16xi32>], vector<16xf32>,
      %add3A_127 = arith.constant 0 : i32
      %add3A_128 = vector.broadcast %add3A_127 : i32 to vector<16xi32>
      %add3A_129 = arith.addi %iota3A, %add3A_128 : vector<16xi32>
      %add3A_130 = arith.constant 2 : i32
      %add3A_131 = vector.broadcast %add3A_130 : i32 to vector<16xi32>
      %add3A_132 = arith.addi %broadcast_in_dim3A_3, %add3A_131 : vector<16xi32>
      tpu.vector_store_idx %arg13[%add3A_129, %add3A_132], %gather3A_126 : memref<128x4xf32, #tpu.memory_space<vmem>>[vector<16xi32>, vector<16xi32>], vector<16xf32>,
      %add3A_133 = arith.constant 16 : i32
      %add3A_134 = vector.broadcast %add3A_133 : i32 to vector<16xi32>
      %add3A_135 = arith.addi %iota3A, %add3A_134 : vector<16xi32>
      %add3A_136 = arith.constant 2 : i32
      %add3A_137 = vector.broadcast %add3A_136 : i32 to vector<16xi32>
      %add3A_138 = arith.addi %broadcast_in_dim3A_3, %add3A_137 : vector<16xi32>
      tpu.vector_store_idx %arg13[%add3A_135, %add3A_138], %gather3A_126 : memref<128x4xf32, #tpu.memory_space<vmem>>[vector<16xi32>, vector<16xi32>], vector<16xf32>,
      %add3A_139 = arith.constant 32 : i32
      %add3A_140 = vector.broadcast %add3A_139 : i32 to vector<16xi32>
      %add3A_141 = arith.addi %iota3A, %add3A_140 : vector<16xi32>
      %add3A_142 = arith.constant 2 : i32
      %add3A_143 = vector.broadcast %add3A_142 : i32 to vector<16xi32>
      %add3A_144 = arith.addi %broadcast_in_dim3A_3, %add3A_143 : vector<16xi32>
      tpu.vector_store_idx %arg13[%add3A_141, %add3A_144], %gather3A_126 : memref<128x4xf32, #tpu.memory_space<vmem>>[vector<16xi32>, vector<16xi32>], vector<16xf32>,
      %add3A_145 = arith.constant 48 : i32
      %add3A_146 = vector.broadcast %add3A_145 : i32 to vector<16xi32>
      %add3A_147 = arith.addi %iota3A, %add3A_146 : vector<16xi32>
      %add3A_148 = arith.constant 2 : i32
      %add3A_149 = vector.broadcast %add3A_148 : i32 to vector<16xi32>
      %add3A_150 = arith.addi %broadcast_in_dim3A_3, %add3A_149 : vector<16xi32>
      tpu.vector_store_idx %arg13[%add3A_147, %add3A_150], %gather3A_126 : memref<128x4xf32, #tpu.memory_space<vmem>>[vector<16xi32>, vector<16xi32>], vector<16xf32>,
      %add3A_151 = arith.constant 64 : i32
      %add3A_152 = vector.broadcast %add3A_151 : i32 to vector<16xi32>
      %add3A_153 = arith.addi %iota3A, %add3A_152 : vector<16xi32>
      %add3A_154 = arith.constant 2 : i32
      %add3A_155 = vector.broadcast %add3A_154 : i32 to vector<16xi32>
      %add3A_156 = arith.addi %broadcast_in_dim3A_3, %add3A_155 : vector<16xi32>
      tpu.vector_store_idx %arg13[%add3A_153, %add3A_156], %gather3A_126 : memref<128x4xf32, #tpu.memory_space<vmem>>[vector<16xi32>, vector<16xi32>], vector<16xf32>,
      %add3A_157 = arith.constant 80 : i32
      %add3A_158 = vector.broadcast %add3A_157 : i32 to vector<16xi32>
      %add3A_159 = arith.addi %iota3A, %add3A_158 : vector<16xi32>
      %add3A_160 = arith.constant 2 : i32
      %add3A_161 = vector.broadcast %add3A_160 : i32 to vector<16xi32>
      %add3A_162 = arith.addi %broadcast_in_dim3A_3, %add3A_161 : vector<16xi32>
      tpu.vector_store_idx %arg13[%add3A_159, %add3A_162], %gather3A_126 : memref<128x4xf32, #tpu.memory_space<vmem>>[vector<16xi32>, vector<16xi32>], vector<16xf32>,
      %add3A_163 = arith.constant 96 : i32
      %add3A_164 = vector.broadcast %add3A_163 : i32 to vector<16xi32>
      %add3A_165 = arith.addi %iota3A, %add3A_164 : vector<16xi32>
      %add3A_166 = arith.constant 2 : i32
      %add3A_167 = vector.broadcast %add3A_166 : i32 to vector<16xi32>
      %add3A_168 = arith.addi %broadcast_in_dim3A_3, %add3A_167 : vector<16xi32>
      tpu.vector_store_idx %arg13[%add3A_165, %add3A_168], %gather3A_126 : memref<128x4xf32, #tpu.memory_space<vmem>>[vector<16xi32>, vector<16xi32>], vector<16xf32>,
      %add3A_169 = arith.constant 112 : i32
      %add3A_170 = vector.broadcast %add3A_169 : i32 to vector<16xi32>
      %add3A_171 = arith.addi %iota3A, %add3A_170 : vector<16xi32>
      %add3A_172 = arith.constant 2 : i32
      %add3A_173 = vector.broadcast %add3A_172 : i32 to vector<16xi32>
      %add3A_174 = arith.addi %broadcast_in_dim3A_3, %add3A_173 : vector<16xi32>
      tpu.vector_store_idx %arg13[%add3A_171, %add3A_174], %gather3A_126 : memref<128x4xf32, #tpu.memory_space<vmem>>[vector<16xi32>, vector<16xi32>], vector<16xf32>,
      %add3A_175 = arith.constant 512 : i32
      %add3A_176 = vector.broadcast %add3A_175 : i32 to vector<16xi32>
      %add3A_177 = arith.addi %broadcast_in_dim3A_3, %add3A_176 : vector<16xi32>
      %add3A_178 = arith.constant 3 : i32
      %add3A_179 = vector.broadcast %add3A_178 : i32 to vector<16xi32>
      %add3A_180 = arith.addi %add3A_177, %add3A_179 : vector<16xi32>
      %gather3A_181 = tpu.vector_load_idx %arg11[%add3A_180] : memref<528xf32, #tpu.memory_space<vmem>>[vector<16xi32>], vector<16xf32>,
      %add3A_182 = arith.constant 0 : i32
      %add3A_183 = vector.broadcast %add3A_182 : i32 to vector<16xi32>
      %add3A_184 = arith.addi %iota3A, %add3A_183 : vector<16xi32>
      %add3A_185 = arith.constant 3 : i32
      %add3A_186 = vector.broadcast %add3A_185 : i32 to vector<16xi32>
      %add3A_187 = arith.addi %broadcast_in_dim3A_3, %add3A_186 : vector<16xi32>
      tpu.vector_store_idx %arg13[%add3A_184, %add3A_187], %gather3A_181 : memref<128x4xf32, #tpu.memory_space<vmem>>[vector<16xi32>, vector<16xi32>], vector<16xf32>,
      %add3A_188 = arith.constant 16 : i32
      %add3A_189 = vector.broadcast %add3A_188 : i32 to vector<16xi32>
      %add3A_190 = arith.addi %iota3A, %add3A_189 : vector<16xi32>
      %add3A_191 = arith.constant 3 : i32
      %add3A_192 = vector.broadcast %add3A_191 : i32 to vector<16xi32>
      %add3A_193 = arith.addi %broadcast_in_dim3A_3, %add3A_192 : vector<16xi32>
      tpu.vector_store_idx %arg13[%add3A_190, %add3A_193], %gather3A_181 : memref<128x4xf32, #tpu.memory_space<vmem>>[vector<16xi32>, vector<16xi32>], vector<16xf32>,
      %add3A_194 = arith.constant 32 : i32
      %add3A_195 = vector.broadcast %add3A_194 : i32 to vector<16xi32>
      %add3A_196 = arith.addi %iota3A, %add3A_195 : vector<16xi32>
      %add3A_197 = arith.constant 3 : i32
      %add3A_198 = vector.broadcast %add3A_197 : i32 to vector<16xi32>
      %add3A_199 = arith.addi %broadcast_in_dim3A_3, %add3A_198 : vector<16xi32>
      tpu.vector_store_idx %arg13[%add3A_196, %add3A_199], %gather3A_181 : memref<128x4xf32, #tpu.memory_space<vmem>>[vector<16xi32>, vector<16xi32>], vector<16xf32>,
      %add3A_200 = arith.constant 48 : i32
      %add3A_201 = vector.broadcast %add3A_200 : i32 to vector<16xi32>
      %add3A_202 = arith.addi %iota3A, %add3A_201 : vector<16xi32>
      %add3A_203 = arith.constant 3 : i32
      %add3A_204 = vector.broadcast %add3A_203 : i32 to vector<16xi32>
      %add3A_205 = arith.addi %broadcast_in_dim3A_3, %add3A_204 : vector<16xi32>
      tpu.vector_store_idx %arg13[%add3A_202, %add3A_205], %gather3A_181 : memref<128x4xf32, #tpu.memory_space<vmem>>[vector<16xi32>, vector<16xi32>], vector<16xf32>,
      %add3A_206 = arith.constant 64 : i32
      %add3A_207 = vector.broadcast %add3A_206 : i32 to vector<16xi32>
      %add3A_208 = arith.addi %iota3A, %add3A_207 : vector<16xi32>
      %add3A_209 = arith.constant 3 : i32
      %add3A_210 = vector.broadcast %add3A_209 : i32 to vector<16xi32>
      %add3A_211 = arith.addi %broadcast_in_dim3A_3, %add3A_210 : vector<16xi32>
      tpu.vector_store_idx %arg13[%add3A_208, %add3A_211], %gather3A_181 : memref<128x4xf32, #tpu.memory_space<vmem>>[vector<16xi32>, vector<16xi32>], vector<16xf32>,
      %add3A_212 = arith.constant 80 : i32
      %add3A_213 = vector.broadcast %add3A_212 : i32 to vector<16xi32>
      %add3A_214 = arith.addi %iota3A, %add3A_213 : vector<16xi32>
      %add3A_215 = arith.constant 3 : i32
      %add3A_216 = vector.broadcast %add3A_215 : i32 to vector<16xi32>
      %add3A_217 = arith.addi %broadcast_in_dim3A_3, %add3A_216 : vector<16xi32>
      tpu.vector_store_idx %arg13[%add3A_214, %add3A_217], %gather3A_181 : memref<128x4xf32, #tpu.memory_space<vmem>>[vector<16xi32>, vector<16xi32>], vector<16xf32>,
      %add3A_218 = arith.constant 96 : i32
      %add3A_219 = vector.broadcast %add3A_218 : i32 to vector<16xi32>
      %add3A_220 = arith.addi %iota3A, %add3A_219 : vector<16xi32>
      %add3A_221 = arith.constant 3 : i32
      %add3A_222 = vector.broadcast %add3A_221 : i32 to vector<16xi32>
      %add3A_223 = arith.addi %broadcast_in_dim3A_3, %add3A_222 : vector<16xi32>
      tpu.vector_store_idx %arg13[%add3A_220, %add3A_223], %gather3A_181 : memref<128x4xf32, #tpu.memory_space<vmem>>[vector<16xi32>, vector<16xi32>], vector<16xf32>,
      %add3A_224 = arith.constant 112 : i32
      %add3A_225 = vector.broadcast %add3A_224 : i32 to vector<16xi32>
      %add3A_226 = arith.addi %iota3A, %add3A_225 : vector<16xi32>
      %add3A_227 = arith.constant 3 : i32
      %add3A_228 = vector.broadcast %add3A_227 : i32 to vector<16xi32>
      %add3A_229 = arith.addi %broadcast_in_dim3A_3, %add3A_228 : vector<16xi32>
      tpu.vector_store_idx %arg13[%add3A_226, %add3A_229], %gather3A_181 : memref<128x4xf32, #tpu.memory_space<vmem>>[vector<16xi32>, vector<16xi32>], vector<16xf32>,
      %while3A = arith.constant 0 : i32
      %while3A_230 = arith.constant 0 : i32
      %while3A_231 = arith.constant 0 : i32
      %while3A_232:3 = scf.while (%while3A_692 = %while3A, %while3A_693 = %while3A_230, %while3A_694 = %while3A_231) : (i32, i32, i32) -> (i32, i32, i32) {
        %lt3A = arith.constant 32 : i32
        %lt3A_695 = arith.cmpi slt, %while3A_692, %lt3A : i32
        %lt3A_696 = arith.constant 32 : i32
        %lt3A_697 = arith.cmpi slt, %while3A_693, %lt3A_696 : i32
        %lt3A_698 = arith.constant 96 : i32
        %lt3A_699 = arith.cmpi slt, %while3A_694, %lt3A_698 : i32
        %or3A_700 = arith.ori %lt3A_697, %lt3A_699 : i1
        %and3A_701 = arith.andi %lt3A_695, %or3A_700 : i1
        scf.condition(%and3A_701) %while3A_692, %while3A_693, %while3A_694 : i32, i32, i32
      } do {
      ^bb0(%while3A_692: i32, %while3A_693: i32, %while3A_694: i32):
        %mul3A_695 = arith.constant 64 : i32
        %mul3A_696 = arith.muli %while3A_692, %mul3A_695 : i32
        "tpu.region"() ({
          %run_scoped3A = tpu.sem_alloc : memref<!tpu.dma_semaphore, #tpu.memory_space<semaphore_mem>>
          %dma_start3A = tpu.memref_slice %arg2[%mul3A_696] : memref<2048xi32, #tpu.memory_space<hbm>> -> memref<64xi32, #tpu.memory_space<hbm>>
          %dma_start3A_1158 = tpu.memref_slice %arg2[%mul3A_696] : memref<2048xi32, #tpu.memory_space<hbm>> -> memref<64xi32, #tpu.memory_space<hbm>>
          tpu.enqueue_dma source(%dma_start3A_1158 : memref<64xi32, #tpu.memory_space<hbm>>) target(%arg10 : memref<64xi32, #tpu.memory_space<vmem>>) target_semaphore(%run_scoped3A : memref<!tpu.dma_semaphore, #tpu.memory_space<semaphore_mem>>)
          %dma_wait3A = tpu.memref_slice %arg2[%mul3A_696] : memref<2048xi32, #tpu.memory_space<hbm>> -> memref<64xi32, #tpu.memory_space<hbm>>
          %dma_wait3A_1159 = tpu.memref_slice %arg2[%mul3A_696] : memref<2048xi32, #tpu.memory_space<hbm>> -> memref<64xi32, #tpu.memory_space<hbm>>
          tpu.wait_dma2 semaphore(%run_scoped3A : memref<!tpu.dma_semaphore, #tpu.memory_space<semaphore_mem>>) src(%dma_wait3A_1159 : memref<64xi32, #tpu.memory_space<hbm>>) dst(%arg10 : memref<64xi32, #tpu.memory_space<vmem>>)
          tpu.yield
        }) : () -> ()
        %mul3A_697 = arith.constant 528 : i32
        %mul3A_698 = arith.muli %while3A_692, %mul3A_697 : i32
        "tpu.region"() ({
          %run_scoped3A = tpu.sem_alloc : memref<!tpu.dma_semaphore, #tpu.memory_space<semaphore_mem>>
          %dma_start3A = tpu.memref_slice %arg3[%mul3A_698] : memref<16896xf32, #tpu.memory_space<hbm>> -> memref<528xf32, #tpu.memory_space<hbm>>
          %dma_start3A_1158 = tpu.memref_slice %arg3[%mul3A_698] : memref<16896xf32, #tpu.memory_space<hbm>> -> memref<528xf32, #tpu.memory_space<hbm>>
          tpu.enqueue_dma source(%dma_start3A_1158 : memref<528xf32, #tpu.memory_space<hbm>>) target(%arg11 : memref<528xf32, #tpu.memory_space<vmem>>) target_semaphore(%run_scoped3A : memref<!tpu.dma_semaphore, #tpu.memory_space<semaphore_mem>>)
          %dma_wait3A = tpu.memref_slice %arg3[%mul3A_698] : memref<16896xf32, #tpu.memory_space<hbm>> -> memref<528xf32, #tpu.memory_space<hbm>>
          %dma_wait3A_1159 = tpu.memref_slice %arg3[%mul3A_698] : memref<16896xf32, #tpu.memory_space<hbm>> -> memref<528xf32, #tpu.memory_space<hbm>>
          tpu.wait_dma2 semaphore(%run_scoped3A : memref<!tpu.dma_semaphore, #tpu.memory_space<semaphore_mem>>) src(%dma_wait3A_1159 : memref<528xf32, #tpu.memory_space<hbm>>) dst(%arg11 : memref<528xf32, #tpu.memory_space<vmem>>)
          tpu.yield
        }) : () -> ()
        %get3A_699 = arith.constant 0 : index
        %get3A_700 = tpu.vector_load %arg10[%get3A_699] {strides = array<i32>} : memref<64xi32, #tpu.memory_space<vmem>>, vector<16xi32>,
        %slice3A = vector.extract_strided_slice %get3A_700 {offsets = [0], sizes = [1], strides = [1]} : vector<16xi32> to vector<1xi32>
        %squeeze3A = vector.extract %slice3A[0] : i32 from vector<1xi32>
        %slice3A_701 = vector.extract_strided_slice %get3A_700 {offsets = [1], sizes = [1], strides = [1]} : vector<16xi32> to vector<1xi32>
        %squeeze3A_702 = vector.extract %slice3A_701[0] : i32 from vector<1xi32>
        %broadcast_in_dim3A_703 = vector.broadcast %squeeze3A : i32 to vector<16xi32>
        %broadcast_in_dim3A_704 = vector.broadcast %squeeze3A_702 : i32 to vector<16xi32>
        %broadcast_in_dim3A_705 = vector.broadcast %while3A_693 : i32 to vector<16xi32>
        %broadcast_in_dim3A_706 = vector.broadcast %while3A_694 : i32 to vector<16xi32>
        %add3A_707 = arith.constant 0 : i32
        %add3A_708 = vector.broadcast %add3A_707 : i32 to vector<16xi32>
        %add3A_709 = arith.addi %iota3A, %add3A_708 : vector<16xi32>
        %add3A_710 = arith.addi %broadcast_in_dim3A_705, %add3A_709 : vector<16xi32>
        %lt3A = arith.cmpi slt, %add3A_709, %broadcast_in_dim3A_703 : vector<16xi32>
        %lt3A_711 = arith.constant 32 : i32
        %lt3A_712 = vector.broadcast %lt3A_711 : i32 to vector<16xi32>
        %lt3A_713 = arith.cmpi slt, %add3A_710, %lt3A_712 : vector<16xi32>
        %and3A_714 = arith.andi %lt3A, %lt3A_713 : vector<16xi1>
        %add3A_715 = arith.constant 16 : i32
        %add3A_716 = vector.broadcast %add3A_715 : i32 to vector<16xi32>
        %add3A_717 = arith.addi %add3A_716, %add3A_709 : vector<16xi32>
        %gather3A_718 = tpu.vector_load_idx %arg10[%add3A_717] : memref<64xi32, #tpu.memory_space<vmem>>[vector<16xi32>], vector<16xi32>,
        tpu.vector_store_idx %arg12[%add3A_710], %gather3A_718 masked %and3A_714 : memref<32xi32, #tpu.memory_space<vmem>>[vector<16xi32>], vector<16xi32>, vector<16xi1>
        %add3A_719 = arith.constant 0 : i32
        %add3A_720 = vector.broadcast %add3A_719 : i32 to vector<16xi32>
        %add3A_721 = arith.addi %add3A_709, %add3A_720 : vector<16xi32>
        %gather3A_722 = tpu.vector_load_idx %arg11[%add3A_721] : memref<528xf32, #tpu.memory_space<vmem>>[vector<16xi32>], vector<16xf32>,
        %add3A_723 = arith.constant 0 : i32
        %add3A_724 = vector.broadcast %add3A_723 : i32 to vector<16xi32>
        %add3A_725 = arith.addi %broadcast_in_dim3A_3, %add3A_724 : vector<16xi32>
        tpu.vector_store_idx %arg13[%add3A_710, %add3A_725], %gather3A_722 masked %and3A_714 : memref<128x4xf32, #tpu.memory_space<vmem>>[vector<16xi32>, vector<16xi32>], vector<16xf32>, vector<16xi1>
        %add3A_726 = arith.constant 32 : i32
        %add3A_727 = vector.broadcast %add3A_726 : i32 to vector<16xi32>
        %add3A_728 = arith.addi %add3A_709, %add3A_727 : vector<16xi32>
        %gather3A_729 = tpu.vector_load_idx %arg11[%add3A_728] : memref<528xf32, #tpu.memory_space<vmem>>[vector<16xi32>], vector<16xf32>,
        %add3A_730 = arith.constant 1 : i32
        %add3A_731 = vector.broadcast %add3A_730 : i32 to vector<16xi32>
        %add3A_732 = arith.addi %broadcast_in_dim3A_3, %add3A_731 : vector<16xi32>
        tpu.vector_store_idx %arg13[%add3A_710, %add3A_732], %gather3A_729 masked %and3A_714 : memref<128x4xf32, #tpu.memory_space<vmem>>[vector<16xi32>, vector<16xi32>], vector<16xf32>, vector<16xi1>
        %add3A_733 = arith.constant 64 : i32
        %add3A_734 = vector.broadcast %add3A_733 : i32 to vector<16xi32>
        %add3A_735 = arith.addi %add3A_709, %add3A_734 : vector<16xi32>
        %gather3A_736 = tpu.vector_load_idx %arg11[%add3A_735] : memref<528xf32, #tpu.memory_space<vmem>>[vector<16xi32>], vector<16xf32>,
        %add3A_737 = arith.constant 2 : i32
        %add3A_738 = vector.broadcast %add3A_737 : i32 to vector<16xi32>
        %add3A_739 = arith.addi %broadcast_in_dim3A_3, %add3A_738 : vector<16xi32>
        tpu.vector_store_idx %arg13[%add3A_710, %add3A_739], %gather3A_736 masked %and3A_714 : memref<128x4xf32, #tpu.memory_space<vmem>>[vector<16xi32>, vector<16xi32>], vector<16xf32>, vector<16xi1>
        %add3A_740 = arith.constant 96 : i32
        %add3A_741 = vector.broadcast %add3A_740 : i32 to vector<16xi32>
        %add3A_742 = arith.addi %add3A_709, %add3A_741 : vector<16xi32>
        %gather3A_743 = tpu.vector_load_idx %arg11[%add3A_742] : memref<528xf32, #tpu.memory_space<vmem>>[vector<16xi32>], vector<16xf32>,
        %add3A_744 = arith.constant 3 : i32
        %add3A_745 = vector.broadcast %add3A_744 : i32 to vector<16xi32>
        %add3A_746 = arith.addi %broadcast_in_dim3A_3, %add3A_745 : vector<16xi32>
        tpu.vector_store_idx %arg13[%add3A_710, %add3A_746], %gather3A_743 masked %and3A_714 : memref<128x4xf32, #tpu.memory_space<vmem>>[vector<16xi32>, vector<16xi32>], vector<16xf32>, vector<16xi1>
        %add3A_747 = arith.constant 16 : i32
        %add3A_748 = vector.broadcast %add3A_747 : i32 to vector<16xi32>
        %add3A_749 = arith.addi %iota3A, %add3A_748 : vector<16xi32>
        %add3A_750 = arith.addi %broadcast_in_dim3A_705, %add3A_749 : vector<16xi32>
        %lt3A_751 = arith.cmpi slt, %add3A_749, %broadcast_in_dim3A_703 : vector<16xi32>
        %lt3A_752 = arith.constant 32 : i32
        %lt3A_753 = vector.broadcast %lt3A_752 : i32 to vector<16xi32>
        %lt3A_754 = arith.cmpi slt, %add3A_750, %lt3A_753 : vector<16xi32>
        %and3A_755 = arith.andi %lt3A_751, %lt3A_754 : vector<16xi1>
        %add3A_756 = arith.constant 16 : i32
        %add3A_757 = vector.broadcast %add3A_756 : i32 to vector<16xi32>
        %add3A_758 = arith.addi %add3A_757, %add3A_749 : vector<16xi32>
        %gather3A_759 = tpu.vector_load_idx %arg10[%add3A_758] : memref<64xi32, #tpu.memory_space<vmem>>[vector<16xi32>], vector<16xi32>,
        tpu.vector_store_idx %arg12[%add3A_750], %gather3A_759 masked %and3A_755 : memref<32xi32, #tpu.memory_space<vmem>>[vector<16xi32>], vector<16xi32>, vector<16xi1>
        %add3A_760 = arith.constant 0 : i32
        %add3A_761 = vector.broadcast %add3A_760 : i32 to vector<16xi32>
        %add3A_762 = arith.addi %add3A_749, %add3A_761 : vector<16xi32>
        %gather3A_763 = tpu.vector_load_idx %arg11[%add3A_762] : memref<528xf32, #tpu.memory_space<vmem>>[vector<16xi32>], vector<16xf32>,
        %add3A_764 = arith.constant 0 : i32
        %add3A_765 = vector.broadcast %add3A_764 : i32 to vector<16xi32>
        %add3A_766 = arith.addi %broadcast_in_dim3A_3, %add3A_765 : vector<16xi32>
        tpu.vector_store_idx %arg13[%add3A_750, %add3A_766], %gather3A_763 masked %and3A_755 : memref<128x4xf32, #tpu.memory_space<vmem>>[vector<16xi32>, vector<16xi32>], vector<16xf32>, vector<16xi1>
        %add3A_767 = arith.constant 32 : i32
        %add3A_768 = vector.broadcast %add3A_767 : i32 to vector<16xi32>
        %add3A_769 = arith.addi %add3A_749, %add3A_768 : vector<16xi32>
        %gather3A_770 = tpu.vector_load_idx %arg11[%add3A_769] : memref<528xf32, #tpu.memory_space<vmem>>[vector<16xi32>], vector<16xf32>,
        %add3A_771 = arith.constant 1 : i32
        %add3A_772 = vector.broadcast %add3A_771 : i32 to vector<16xi32>
        %add3A_773 = arith.addi %broadcast_in_dim3A_3, %add3A_772 : vector<16xi32>
        tpu.vector_store_idx %arg13[%add3A_750, %add3A_773], %gather3A_770 masked %and3A_755 : memref<128x4xf32, #tpu.memory_space<vmem>>[vector<16xi32>, vector<16xi32>], vector<16xf32>, vector<16xi1>
        %add3A_774 = arith.constant 64 : i32
        %add3A_775 = vector.broadcast %add3A_774 : i32 to vector<16xi32>
        %add3A_776 = arith.addi %add3A_749, %add3A_775 : vector<16xi32>
        %gather3A_777 = tpu.vector_load_idx %arg11[%add3A_776] : memref<528xf32, #tpu.memory_space<vmem>>[vector<16xi32>], vector<16xf32>,
        %add3A_778 = arith.constant 2 : i32
        %add3A_779 = vector.broadcast %add3A_778 : i32 to vector<16xi32>
        %add3A_780 = arith.addi %broadcast_in_dim3A_3, %add3A_779 : vector<16xi32>
        tpu.vector_store_idx %arg13[%add3A_750, %add3A_780], %gather3A_777 masked %and3A_755 : memref<128x4xf32, #tpu.memory_space<vmem>>[vector<16xi32>, vector<16xi32>], vector<16xf32>, vector<16xi1>
        %add3A_781 = arith.constant 96 : i32
        %add3A_782 = vector.broadcast %add3A_781 : i32 to vector<16xi32>
        %add3A_783 = arith.addi %add3A_749, %add3A_782 : vector<16xi32>
        %gather3A_784 = tpu.vector_load_idx %arg11[%add3A_783] : memref<528xf32, #tpu.memory_space<vmem>>[vector<16xi32>], vector<16xf32>,
        %add3A_785 = arith.constant 3 : i32
        %add3A_786 = vector.broadcast %add3A_785 : i32 to vector<16xi32>
        %add3A_787 = arith.addi %broadcast_in_dim3A_3, %add3A_786 : vector<16xi32>
        tpu.vector_store_idx %arg13[%add3A_750, %add3A_787], %gather3A_784 masked %and3A_755 : memref<128x4xf32, #tpu.memory_space<vmem>>[vector<16xi32>, vector<16xi32>], vector<16xf32>, vector<16xi1>
        %add3A_788 = arith.constant 0 : i32
        %add3A_789 = vector.broadcast %add3A_788 : i32 to vector<16xi32>
        %add3A_790 = arith.addi %iota3A, %add3A_789 : vector<16xi32>
        %add3A_791 = arith.addi %broadcast_in_dim3A_706, %add3A_790 : vector<16xi32>
        %lt3A_792 = arith.cmpi slt, %add3A_790, %broadcast_in_dim3A_704 : vector<16xi32>
        %lt3A_793 = arith.constant 96 : i32
        %lt3A_794 = vector.broadcast %lt3A_793 : i32 to vector<16xi32>
        %lt3A_795 = arith.cmpi slt, %add3A_791, %lt3A_794 : vector<16xi32>
        %and3A_796 = arith.andi %lt3A_792, %lt3A_795 : vector<16xi1>
        %add3A_797 = arith.constant 128 : i32
        %add3A_798 = vector.broadcast %add3A_797 : i32 to vector<16xi32>
        %add3A_799 = arith.addi %add3A_790, %add3A_798 : vector<16xi32>
        %add3A_800 = arith.constant 0 : i32
        %add3A_801 = vector.broadcast %add3A_800 : i32 to vector<16xi32>
        %add3A_802 = arith.addi %add3A_799, %add3A_801 : vector<16xi32>
        %gather3A_803 = tpu.vector_load_idx %arg11[%add3A_802] : memref<528xf32, #tpu.memory_space<vmem>>[vector<16xi32>], vector<16xf32>,
        %add3A_804 = arith.constant 32 : i32
        %add3A_805 = vector.broadcast %add3A_804 : i32 to vector<16xi32>
        %add3A_806 = arith.addi %add3A_791, %add3A_805 : vector<16xi32>
        %add3A_807 = arith.constant 0 : i32
        %add3A_808 = vector.broadcast %add3A_807 : i32 to vector<16xi32>
        %add3A_809 = arith.addi %broadcast_in_dim3A_3, %add3A_808 : vector<16xi32>
        tpu.vector_store_idx %arg13[%add3A_806, %add3A_809], %gather3A_803 masked %and3A_796 : memref<128x4xf32, #tpu.memory_space<vmem>>[vector<16xi32>, vector<16xi32>], vector<16xf32>, vector<16xi1>
        %add3A_810 = arith.constant 128 : i32
        %add3A_811 = vector.broadcast %add3A_810 : i32 to vector<16xi32>
        %add3A_812 = arith.addi %add3A_790, %add3A_811 : vector<16xi32>
        %add3A_813 = arith.constant 96 : i32
        %add3A_814 = vector.broadcast %add3A_813 : i32 to vector<16xi32>
        %add3A_815 = arith.addi %add3A_812, %add3A_814 : vector<16xi32>
        %gather3A_816 = tpu.vector_load_idx %arg11[%add3A_815] : memref<528xf32, #tpu.memory_space<vmem>>[vector<16xi32>], vector<16xf32>,
        %add3A_817 = arith.constant 32 : i32
        %add3A_818 = vector.broadcast %add3A_817 : i32 to vector<16xi32>
        %add3A_819 = arith.addi %add3A_791, %add3A_818 : vector<16xi32>
        %add3A_820 = arith.constant 1 : i32
        %add3A_821 = vector.broadcast %add3A_820 : i32 to vector<16xi32>
        %add3A_822 = arith.addi %broadcast_in_dim3A_3, %add3A_821 : vector<16xi32>
        tpu.vector_store_idx %arg13[%add3A_819, %add3A_822], %gather3A_816 masked %and3A_796 : memref<128x4xf32, #tpu.memory_space<vmem>>[vector<16xi32>, vector<16xi32>], vector<16xf32>, vector<16xi1>
        %add3A_823 = arith.constant 128 : i32
        %add3A_824 = vector.broadcast %add3A_823 : i32 to vector<16xi32>
        %add3A_825 = arith.addi %add3A_790, %add3A_824 : vector<16xi32>
        %add3A_826 = arith.constant 192 : i32
        %add3A_827 = vector.broadcast %add3A_826 : i32 to vector<16xi32>
        %add3A_828 = arith.addi %add3A_825, %add3A_827 : vector<16xi32>
        %gather3A_829 = tpu.vector_load_idx %arg11[%add3A_828] : memref<528xf32, #tpu.memory_space<vmem>>[vector<16xi32>], vector<16xf32>,
        %add3A_830 = arith.constant 32 : i32
        %add3A_831 = vector.broadcast %add3A_830 : i32 to vector<16xi32>
        %add3A_832 = arith.addi %add3A_791, %add3A_831 : vector<16xi32>
        %add3A_833 = arith.constant 2 : i32
        %add3A_834 = vector.broadcast %add3A_833 : i32 to vector<16xi32>
        %add3A_835 = arith.addi %broadcast_in_dim3A_3, %add3A_834 : vector<16xi32>
        tpu.vector_store_idx %arg13[%add3A_832, %add3A_835], %gather3A_829 masked %and3A_796 : memref<128x4xf32, #tpu.memory_space<vmem>>[vector<16xi32>, vector<16xi32>], vector<16xf32>, vector<16xi1>
        %add3A_836 = arith.constant 128 : i32
        %add3A_837 = vector.broadcast %add3A_836 : i32 to vector<16xi32>
        %add3A_838 = arith.addi %add3A_790, %add3A_837 : vector<16xi32>
        %add3A_839 = arith.constant 288 : i32
        %add3A_840 = vector.broadcast %add3A_839 : i32 to vector<16xi32>
        %add3A_841 = arith.addi %add3A_838, %add3A_840 : vector<16xi32>
        %gather3A_842 = tpu.vector_load_idx %arg11[%add3A_841] : memref<528xf32, #tpu.memory_space<vmem>>[vector<16xi32>], vector<16xf32>,
        %add3A_843 = arith.constant 32 : i32
        %add3A_844 = vector.broadcast %add3A_843 : i32 to vector<16xi32>
        %add3A_845 = arith.addi %add3A_791, %add3A_844 : vector<16xi32>
        %add3A_846 = arith.constant 3 : i32
        %add3A_847 = vector.broadcast %add3A_846 : i32 to vector<16xi32>
        %add3A_848 = arith.addi %broadcast_in_dim3A_3, %add3A_847 : vector<16xi32>
        tpu.vector_store_idx %arg13[%add3A_845, %add3A_848], %gather3A_842 masked %and3A_796 : memref<128x4xf32, #tpu.memory_space<vmem>>[vector<16xi32>, vector<16xi32>], vector<16xf32>, vector<16xi1>
        %add3A_849 = arith.constant 16 : i32
        %add3A_850 = vector.broadcast %add3A_849 : i32 to vector<16xi32>
        %add3A_851 = arith.addi %iota3A, %add3A_850 : vector<16xi32>
        %add3A_852 = arith.addi %broadcast_in_dim3A_706, %add3A_851 : vector<16xi32>
        %lt3A_853 = arith.cmpi slt, %add3A_851, %broadcast_in_dim3A_704 : vector<16xi32>
        %lt3A_854 = arith.constant 96 : i32
        %lt3A_855 = vector.broadcast %lt3A_854 : i32 to vector<16xi32>
        %lt3A_856 = arith.cmpi slt, %add3A_852, %lt3A_855 : vector<16xi32>
        %and3A_857 = arith.andi %lt3A_853, %lt3A_856 : vector<16xi1>
        %add3A_858 = arith.constant 128 : i32
        %add3A_859 = vector.broadcast %add3A_858 : i32 to vector<16xi32>
        %add3A_860 = arith.addi %add3A_851, %add3A_859 : vector<16xi32>
        %add3A_861 = arith.constant 0 : i32
        %add3A_862 = vector.broadcast %add3A_861 : i32 to vector<16xi32>
        %add3A_863 = arith.addi %add3A_860, %add3A_862 : vector<16xi32>
        %gather3A_864 = tpu.vector_load_idx %arg11[%add3A_863] : memref<528xf32, #tpu.memory_space<vmem>>[vector<16xi32>], vector<16xf32>,
        %add3A_865 = arith.constant 32 : i32
        %add3A_866 = vector.broadcast %add3A_865 : i32 to vector<16xi32>
        %add3A_867 = arith.addi %add3A_852, %add3A_866 : vector<16xi32>
        %add3A_868 = arith.constant 0 : i32
        %add3A_869 = vector.broadcast %add3A_868 : i32 to vector<16xi32>
        %add3A_870 = arith.addi %broadcast_in_dim3A_3, %add3A_869 : vector<16xi32>
        tpu.vector_store_idx %arg13[%add3A_867, %add3A_870], %gather3A_864 masked %and3A_857 : memref<128x4xf32, #tpu.memory_space<vmem>>[vector<16xi32>, vector<16xi32>], vector<16xf32>, vector<16xi1>
        %add3A_871 = arith.constant 128 : i32
        %add3A_872 = vector.broadcast %add3A_871 : i32 to vector<16xi32>
        %add3A_873 = arith.addi %add3A_851, %add3A_872 : vector<16xi32>
        %add3A_874 = arith.constant 96 : i32
        %add3A_875 = vector.broadcast %add3A_874 : i32 to vector<16xi32>
        %add3A_876 = arith.addi %add3A_873, %add3A_875 : vector<16xi32>
        %gather3A_877 = tpu.vector_load_idx %arg11[%add3A_876] : memref<528xf32, #tpu.memory_space<vmem>>[vector<16xi32>], vector<16xf32>,
        %add3A_878 = arith.constant 32 : i32
        %add3A_879 = vector.broadcast %add3A_878 : i32 to vector<16xi32>
        %add3A_880 = arith.addi %add3A_852, %add3A_879 : vector<16xi32>
        %add3A_881 = arith.constant 1 : i32
        %add3A_882 = vector.broadcast %add3A_881 : i32 to vector<16xi32>
        %add3A_883 = arith.addi %broadcast_in_dim3A_3, %add3A_882 : vector<16xi32>
        tpu.vector_store_idx %arg13[%add3A_880, %add3A_883], %gather3A_877 masked %and3A_857 : memref<128x4xf32, #tpu.memory_space<vmem>>[vector<16xi32>, vector<16xi32>], vector<16xf32>, vector<16xi1>
        %add3A_884 = arith.constant 128 : i32
        %add3A_885 = vector.broadcast %add3A_884 : i32 to vector<16xi32>
        %add3A_886 = arith.addi %add3A_851, %add3A_885 : vector<16xi32>
        %add3A_887 = arith.constant 192 : i32
        %add3A_888 = vector.broadcast %add3A_887 : i32 to vector<16xi32>
        %add3A_889 = arith.addi %add3A_886, %add3A_888 : vector<16xi32>
        %gather3A_890 = tpu.vector_load_idx %arg11[%add3A_889] : memref<528xf32, #tpu.memory_space<vmem>>[vector<16xi32>], vector<16xf32>,
        %add3A_891 = arith.constant 32 : i32
        %add3A_892 = vector.broadcast %add3A_891 : i32 to vector<16xi32>
        %add3A_893 = arith.addi %add3A_852, %add3A_892 : vector<16xi32>
        %add3A_894 = arith.constant 2 : i32
        %add3A_895 = vector.broadcast %add3A_894 : i32 to vector<16xi32>
        %add3A_896 = arith.addi %broadcast_in_dim3A_3, %add3A_895 : vector<16xi32>
        tpu.vector_store_idx %arg13[%add3A_893, %add3A_896], %gather3A_890 masked %and3A_857 : memref<128x4xf32, #tpu.memory_space<vmem>>[vector<16xi32>, vector<16xi32>], vector<16xf32>, vector<16xi1>
        %add3A_897 = arith.constant 128 : i32
        %add3A_898 = vector.broadcast %add3A_897 : i32 to vector<16xi32>
        %add3A_899 = arith.addi %add3A_851, %add3A_898 : vector<16xi32>
        %add3A_900 = arith.constant 288 : i32
        %add3A_901 = vector.broadcast %add3A_900 : i32 to vector<16xi32>
        %add3A_902 = arith.addi %add3A_899, %add3A_901 : vector<16xi32>
        %gather3A_903 = tpu.vector_load_idx %arg11[%add3A_902] : memref<528xf32, #tpu.memory_space<vmem>>[vector<16xi32>], vector<16xf32>,
        %add3A_904 = arith.constant 32 : i32
        %add3A_905 = vector.broadcast %add3A_904 : i32 to vector<16xi32>
        %add3A_906 = arith.addi %add3A_852, %add3A_905 : vector<16xi32>
        %add3A_907 = arith.constant 3 : i32
        %add3A_908 = vector.broadcast %add3A_907 : i32 to vector<16xi32>
        %add3A_909 = arith.addi %broadcast_in_dim3A_3, %add3A_908 : vector<16xi32>
        tpu.vector_store_idx %arg13[%add3A_906, %add3A_909], %gather3A_903 masked %and3A_857 : memref<128x4xf32, #tpu.memory_space<vmem>>[vector<16xi32>, vector<16xi32>], vector<16xf32>, vector<16xi1>
        %add3A_910 = arith.constant 32 : i32
        %add3A_911 = vector.broadcast %add3A_910 : i32 to vector<16xi32>
        %add3A_912 = arith.addi %iota3A, %add3A_911 : vector<16xi32>
        %add3A_913 = arith.addi %broadcast_in_dim3A_706, %add3A_912 : vector<16xi32>
        %lt3A_914 = arith.cmpi slt, %add3A_912, %broadcast_in_dim3A_704 : vector<16xi32>
        %lt3A_915 = arith.constant 96 : i32
        %lt3A_916 = vector.broadcast %lt3A_915 : i32 to vector<16xi32>
        %lt3A_917 = arith.cmpi slt, %add3A_913, %lt3A_916 : vector<16xi32>
        %and3A_918 = arith.andi %lt3A_914, %lt3A_917 : vector<16xi1>
        %add3A_919 = arith.constant 128 : i32
        %add3A_920 = vector.broadcast %add3A_919 : i32 to vector<16xi32>
        %add3A_921 = arith.addi %add3A_912, %add3A_920 : vector<16xi32>
        %add3A_922 = arith.constant 0 : i32
        %add3A_923 = vector.broadcast %add3A_922 : i32 to vector<16xi32>
        %add3A_924 = arith.addi %add3A_921, %add3A_923 : vector<16xi32>
        %gather3A_925 = tpu.vector_load_idx %arg11[%add3A_924] : memref<528xf32, #tpu.memory_space<vmem>>[vector<16xi32>], vector<16xf32>,
        %add3A_926 = arith.constant 32 : i32
        %add3A_927 = vector.broadcast %add3A_926 : i32 to vector<16xi32>
        %add3A_928 = arith.addi %add3A_913, %add3A_927 : vector<16xi32>
        %add3A_929 = arith.constant 0 : i32
        %add3A_930 = vector.broadcast %add3A_929 : i32 to vector<16xi32>
        %add3A_931 = arith.addi %broadcast_in_dim3A_3, %add3A_930 : vector<16xi32>
        tpu.vector_store_idx %arg13[%add3A_928, %add3A_931], %gather3A_925 masked %and3A_918 : memref<128x4xf32, #tpu.memory_space<vmem>>[vector<16xi32>, vector<16xi32>], vector<16xf32>, vector<16xi1>
        %add3A_932 = arith.constant 128 : i32
        %add3A_933 = vector.broadcast %add3A_932 : i32 to vector<16xi32>
        %add3A_934 = arith.addi %add3A_912, %add3A_933 : vector<16xi32>
        %add3A_935 = arith.constant 96 : i32
        %add3A_936 = vector.broadcast %add3A_935 : i32 to vector<16xi32>
        %add3A_937 = arith.addi %add3A_934, %add3A_936 : vector<16xi32>
        %gather3A_938 = tpu.vector_load_idx %arg11[%add3A_937] : memref<528xf32, #tpu.memory_space<vmem>>[vector<16xi32>], vector<16xf32>,
        %add3A_939 = arith.constant 32 : i32
        %add3A_940 = vector.broadcast %add3A_939 : i32 to vector<16xi32>
        %add3A_941 = arith.addi %add3A_913, %add3A_940 : vector<16xi32>
        %add3A_942 = arith.constant 1 : i32
        %add3A_943 = vector.broadcast %add3A_942 : i32 to vector<16xi32>
        %add3A_944 = arith.addi %broadcast_in_dim3A_3, %add3A_943 : vector<16xi32>
        tpu.vector_store_idx %arg13[%add3A_941, %add3A_944], %gather3A_938 masked %and3A_918 : memref<128x4xf32, #tpu.memory_space<vmem>>[vector<16xi32>, vector<16xi32>], vector<16xf32>, vector<16xi1>
        %add3A_945 = arith.constant 128 : i32
        %add3A_946 = vector.broadcast %add3A_945 : i32 to vector<16xi32>
        %add3A_947 = arith.addi %add3A_912, %add3A_946 : vector<16xi32>
        %add3A_948 = arith.constant 192 : i32
        %add3A_949 = vector.broadcast %add3A_948 : i32 to vector<16xi32>
        %add3A_950 = arith.addi %add3A_947, %add3A_949 : vector<16xi32>
        %gather3A_951 = tpu.vector_load_idx %arg11[%add3A_950] : memref<528xf32, #tpu.memory_space<vmem>>[vector<16xi32>], vector<16xf32>,
        %add3A_952 = arith.constant 32 : i32
        %add3A_953 = vector.broadcast %add3A_952 : i32 to vector<16xi32>
        %add3A_954 = arith.addi %add3A_913, %add3A_953 : vector<16xi32>
        %add3A_955 = arith.constant 2 : i32
        %add3A_956 = vector.broadcast %add3A_955 : i32 to vector<16xi32>
        %add3A_957 = arith.addi %broadcast_in_dim3A_3, %add3A_956 : vector<16xi32>
        tpu.vector_store_idx %arg13[%add3A_954, %add3A_957], %gather3A_951 masked %and3A_918 : memref<128x4xf32, #tpu.memory_space<vmem>>[vector<16xi32>, vector<16xi32>], vector<16xf32>, vector<16xi1>
        %add3A_958 = arith.constant 128 : i32
        %add3A_959 = vector.broadcast %add3A_958 : i32 to vector<16xi32>
        %add3A_960 = arith.addi %add3A_912, %add3A_959 : vector<16xi32>
        %add3A_961 = arith.constant 288 : i32
        %add3A_962 = vector.broadcast %add3A_961 : i32 to vector<16xi32>
        %add3A_963 = arith.addi %add3A_960, %add3A_962 : vector<16xi32>
        %gather3A_964 = tpu.vector_load_idx %arg11[%add3A_963] : memref<528xf32, #tpu.memory_space<vmem>>[vector<16xi32>], vector<16xf32>,
        %add3A_965 = arith.constant 32 : i32
        %add3A_966 = vector.broadcast %add3A_965 : i32 to vector<16xi32>
        %add3A_967 = arith.addi %add3A_913, %add3A_966 : vector<16xi32>
        %add3A_968 = arith.constant 3 : i32
        %add3A_969 = vector.broadcast %add3A_968 : i32 to vector<16xi32>
        %add3A_970 = arith.addi %broadcast_in_dim3A_3, %add3A_969 : vector<16xi32>
        tpu.vector_store_idx %arg13[%add3A_967, %add3A_970], %gather3A_964 masked %and3A_918 : memref<128x4xf32, #tpu.memory_space<vmem>>[vector<16xi32>, vector<16xi32>], vector<16xf32>, vector<16xi1>
        %add3A_971 = arith.constant 48 : i32
        %add3A_972 = vector.broadcast %add3A_971 : i32 to vector<16xi32>
        %add3A_973 = arith.addi %iota3A, %add3A_972 : vector<16xi32>
        %add3A_974 = arith.addi %broadcast_in_dim3A_706, %add3A_973 : vector<16xi32>
        %lt3A_975 = arith.cmpi slt, %add3A_973, %broadcast_in_dim3A_704 : vector<16xi32>
        %lt3A_976 = arith.constant 96 : i32
        %lt3A_977 = vector.broadcast %lt3A_976 : i32 to vector<16xi32>
        %lt3A_978 = arith.cmpi slt, %add3A_974, %lt3A_977 : vector<16xi32>
        %and3A_979 = arith.andi %lt3A_975, %lt3A_978 : vector<16xi1>
        %add3A_980 = arith.constant 128 : i32
        %add3A_981 = vector.broadcast %add3A_980 : i32 to vector<16xi32>
        %add3A_982 = arith.addi %add3A_973, %add3A_981 : vector<16xi32>
        %add3A_983 = arith.constant 0 : i32
        %add3A_984 = vector.broadcast %add3A_983 : i32 to vector<16xi32>
        %add3A_985 = arith.addi %add3A_982, %add3A_984 : vector<16xi32>
        %gather3A_986 = tpu.vector_load_idx %arg11[%add3A_985] : memref<528xf32, #tpu.memory_space<vmem>>[vector<16xi32>], vector<16xf32>,
        %add3A_987 = arith.constant 32 : i32
        %add3A_988 = vector.broadcast %add3A_987 : i32 to vector<16xi32>
        %add3A_989 = arith.addi %add3A_974, %add3A_988 : vector<16xi32>
        %add3A_990 = arith.constant 0 : i32
        %add3A_991 = vector.broadcast %add3A_990 : i32 to vector<16xi32>
        %add3A_992 = arith.addi %broadcast_in_dim3A_3, %add3A_991 : vector<16xi32>
        tpu.vector_store_idx %arg13[%add3A_989, %add3A_992], %gather3A_986 masked %and3A_979 : memref<128x4xf32, #tpu.memory_space<vmem>>[vector<16xi32>, vector<16xi32>], vector<16xf32>, vector<16xi1>
        %add3A_993 = arith.constant 128 : i32
        %add3A_994 = vector.broadcast %add3A_993 : i32 to vector<16xi32>
        %add3A_995 = arith.addi %add3A_973, %add3A_994 : vector<16xi32>
        %add3A_996 = arith.constant 96 : i32
        %add3A_997 = vector.broadcast %add3A_996 : i32 to vector<16xi32>
        %add3A_998 = arith.addi %add3A_995, %add3A_997 : vector<16xi32>
        %gather3A_999 = tpu.vector_load_idx %arg11[%add3A_998] : memref<528xf32, #tpu.memory_space<vmem>>[vector<16xi32>], vector<16xf32>,
        %add3A_1000 = arith.constant 32 : i32
        %add3A_1001 = vector.broadcast %add3A_1000 : i32 to vector<16xi32>
        %add3A_1002 = arith.addi %add3A_974, %add3A_1001 : vector<16xi32>
        %add3A_1003 = arith.constant 1 : i32
        %add3A_1004 = vector.broadcast %add3A_1003 : i32 to vector<16xi32>
        %add3A_1005 = arith.addi %broadcast_in_dim3A_3, %add3A_1004 : vector<16xi32>
        tpu.vector_store_idx %arg13[%add3A_1002, %add3A_1005], %gather3A_999 masked %and3A_979 : memref<128x4xf32, #tpu.memory_space<vmem>>[vector<16xi32>, vector<16xi32>], vector<16xf32>, vector<16xi1>
        %add3A_1006 = arith.constant 128 : i32
        %add3A_1007 = vector.broadcast %add3A_1006 : i32 to vector<16xi32>
        %add3A_1008 = arith.addi %add3A_973, %add3A_1007 : vector<16xi32>
        %add3A_1009 = arith.constant 192 : i32
        %add3A_1010 = vector.broadcast %add3A_1009 : i32 to vector<16xi32>
        %add3A_1011 = arith.addi %add3A_1008, %add3A_1010 : vector<16xi32>
        %gather3A_1012 = tpu.vector_load_idx %arg11[%add3A_1011] : memref<528xf32, #tpu.memory_space<vmem>>[vector<16xi32>], vector<16xf32>,
        %add3A_1013 = arith.constant 32 : i32
        %add3A_1014 = vector.broadcast %add3A_1013 : i32 to vector<16xi32>
        %add3A_1015 = arith.addi %add3A_974, %add3A_1014 : vector<16xi32>
        %add3A_1016 = arith.constant 2 : i32
        %add3A_1017 = vector.broadcast %add3A_1016 : i32 to vector<16xi32>
        %add3A_1018 = arith.addi %broadcast_in_dim3A_3, %add3A_1017 : vector<16xi32>
        tpu.vector_store_idx %arg13[%add3A_1015, %add3A_1018], %gather3A_1012 masked %and3A_979 : memref<128x4xf32, #tpu.memory_space<vmem>>[vector<16xi32>, vector<16xi32>], vector<16xf32>, vector<16xi1>
        %add3A_1019 = arith.constant 128 : i32
        %add3A_1020 = vector.broadcast %add3A_1019 : i32 to vector<16xi32>
        %add3A_1021 = arith.addi %add3A_973, %add3A_1020 : vector<16xi32>
        %add3A_1022 = arith.constant 288 : i32
        %add3A_1023 = vector.broadcast %add3A_1022 : i32 to vector<16xi32>
        %add3A_1024 = arith.addi %add3A_1021, %add3A_1023 : vector<16xi32>
        %gather3A_1025 = tpu.vector_load_idx %arg11[%add3A_1024] : memref<528xf32, #tpu.memory_space<vmem>>[vector<16xi32>], vector<16xf32>,
        %add3A_1026 = arith.constant 32 : i32
        %add3A_1027 = vector.broadcast %add3A_1026 : i32 to vector<16xi32>
        %add3A_1028 = arith.addi %add3A_974, %add3A_1027 : vector<16xi32>
        %add3A_1029 = arith.constant 3 : i32
        %add3A_1030 = vector.broadcast %add3A_1029 : i32 to vector<16xi32>
        %add3A_1031 = arith.addi %broadcast_in_dim3A_3, %add3A_1030 : vector<16xi32>
        tpu.vector_store_idx %arg13[%add3A_1028, %add3A_1031], %gather3A_1025 masked %and3A_979 : memref<128x4xf32, #tpu.memory_space<vmem>>[vector<16xi32>, vector<16xi32>], vector<16xf32>, vector<16xi1>
        %add3A_1032 = arith.constant 64 : i32
        %add3A_1033 = vector.broadcast %add3A_1032 : i32 to vector<16xi32>
        %add3A_1034 = arith.addi %iota3A, %add3A_1033 : vector<16xi32>
        %add3A_1035 = arith.addi %broadcast_in_dim3A_706, %add3A_1034 : vector<16xi32>
        %lt3A_1036 = arith.cmpi slt, %add3A_1034, %broadcast_in_dim3A_704 : vector<16xi32>
        %lt3A_1037 = arith.constant 96 : i32
        %lt3A_1038 = vector.broadcast %lt3A_1037 : i32 to vector<16xi32>
        %lt3A_1039 = arith.cmpi slt, %add3A_1035, %lt3A_1038 : vector<16xi32>
        %and3A_1040 = arith.andi %lt3A_1036, %lt3A_1039 : vector<16xi1>
        %add3A_1041 = arith.constant 128 : i32
        %add3A_1042 = vector.broadcast %add3A_1041 : i32 to vector<16xi32>
        %add3A_1043 = arith.addi %add3A_1034, %add3A_1042 : vector<16xi32>
        %add3A_1044 = arith.constant 0 : i32
        %add3A_1045 = vector.broadcast %add3A_1044 : i32 to vector<16xi32>
        %add3A_1046 = arith.addi %add3A_1043, %add3A_1045 : vector<16xi32>
        %gather3A_1047 = tpu.vector_load_idx %arg11[%add3A_1046] : memref<528xf32, #tpu.memory_space<vmem>>[vector<16xi32>], vector<16xf32>,
        %add3A_1048 = arith.constant 32 : i32
        %add3A_1049 = vector.broadcast %add3A_1048 : i32 to vector<16xi32>
        %add3A_1050 = arith.addi %add3A_1035, %add3A_1049 : vector<16xi32>
        %add3A_1051 = arith.constant 0 : i32
        %add3A_1052 = vector.broadcast %add3A_1051 : i32 to vector<16xi32>
        %add3A_1053 = arith.addi %broadcast_in_dim3A_3, %add3A_1052 : vector<16xi32>
        tpu.vector_store_idx %arg13[%add3A_1050, %add3A_1053], %gather3A_1047 masked %and3A_1040 : memref<128x4xf32, #tpu.memory_space<vmem>>[vector<16xi32>, vector<16xi32>], vector<16xf32>, vector<16xi1>
        %add3A_1054 = arith.constant 128 : i32
        %add3A_1055 = vector.broadcast %add3A_1054 : i32 to vector<16xi32>
        %add3A_1056 = arith.addi %add3A_1034, %add3A_1055 : vector<16xi32>
        %add3A_1057 = arith.constant 96 : i32
        %add3A_1058 = vector.broadcast %add3A_1057 : i32 to vector<16xi32>
        %add3A_1059 = arith.addi %add3A_1056, %add3A_1058 : vector<16xi32>
        %gather3A_1060 = tpu.vector_load_idx %arg11[%add3A_1059] : memref<528xf32, #tpu.memory_space<vmem>>[vector<16xi32>], vector<16xf32>,
        %add3A_1061 = arith.constant 32 : i32
        %add3A_1062 = vector.broadcast %add3A_1061 : i32 to vector<16xi32>
        %add3A_1063 = arith.addi %add3A_1035, %add3A_1062 : vector<16xi32>
        %add3A_1064 = arith.constant 1 : i32
        %add3A_1065 = vector.broadcast %add3A_1064 : i32 to vector<16xi32>
        %add3A_1066 = arith.addi %broadcast_in_dim3A_3, %add3A_1065 : vector<16xi32>
        tpu.vector_store_idx %arg13[%add3A_1063, %add3A_1066], %gather3A_1060 masked %and3A_1040 : memref<128x4xf32, #tpu.memory_space<vmem>>[vector<16xi32>, vector<16xi32>], vector<16xf32>, vector<16xi1>
        %add3A_1067 = arith.constant 128 : i32
        %add3A_1068 = vector.broadcast %add3A_1067 : i32 to vector<16xi32>
        %add3A_1069 = arith.addi %add3A_1034, %add3A_1068 : vector<16xi32>
        %add3A_1070 = arith.constant 192 : i32
        %add3A_1071 = vector.broadcast %add3A_1070 : i32 to vector<16xi32>
        %add3A_1072 = arith.addi %add3A_1069, %add3A_1071 : vector<16xi32>
        %gather3A_1073 = tpu.vector_load_idx %arg11[%add3A_1072] : memref<528xf32, #tpu.memory_space<vmem>>[vector<16xi32>], vector<16xf32>,
        %add3A_1074 = arith.constant 32 : i32
        %add3A_1075 = vector.broadcast %add3A_1074 : i32 to vector<16xi32>
        %add3A_1076 = arith.addi %add3A_1035, %add3A_1075 : vector<16xi32>
        %add3A_1077 = arith.constant 2 : i32
        %add3A_1078 = vector.broadcast %add3A_1077 : i32 to vector<16xi32>
        %add3A_1079 = arith.addi %broadcast_in_dim3A_3, %add3A_1078 : vector<16xi32>
        tpu.vector_store_idx %arg13[%add3A_1076, %add3A_1079], %gather3A_1073 masked %and3A_1040 : memref<128x4xf32, #tpu.memory_space<vmem>>[vector<16xi32>, vector<16xi32>], vector<16xf32>, vector<16xi1>
        %add3A_1080 = arith.constant 128 : i32
        %add3A_1081 = vector.broadcast %add3A_1080 : i32 to vector<16xi32>
        %add3A_1082 = arith.addi %add3A_1034, %add3A_1081 : vector<16xi32>
        %add3A_1083 = arith.constant 288 : i32
        %add3A_1084 = vector.broadcast %add3A_1083 : i32 to vector<16xi32>
        %add3A_1085 = arith.addi %add3A_1082, %add3A_1084 : vector<16xi32>
        %gather3A_1086 = tpu.vector_load_idx %arg11[%add3A_1085] : memref<528xf32, #tpu.memory_space<vmem>>[vector<16xi32>], vector<16xf32>,
        %add3A_1087 = arith.constant 32 : i32
        %add3A_1088 = vector.broadcast %add3A_1087 : i32 to vector<16xi32>
        %add3A_1089 = arith.addi %add3A_1035, %add3A_1088 : vector<16xi32>
        %add3A_1090 = arith.constant 3 : i32
        %add3A_1091 = vector.broadcast %add3A_1090 : i32 to vector<16xi32>
        %add3A_1092 = arith.addi %broadcast_in_dim3A_3, %add3A_1091 : vector<16xi32>
        tpu.vector_store_idx %arg13[%add3A_1089, %add3A_1092], %gather3A_1086 masked %and3A_1040 : memref<128x4xf32, #tpu.memory_space<vmem>>[vector<16xi32>, vector<16xi32>], vector<16xf32>, vector<16xi1>
        %add3A_1093 = arith.constant 80 : i32
        %add3A_1094 = vector.broadcast %add3A_1093 : i32 to vector<16xi32>
        %add3A_1095 = arith.addi %iota3A, %add3A_1094 : vector<16xi32>
        %add3A_1096 = arith.addi %broadcast_in_dim3A_706, %add3A_1095 : vector<16xi32>
        %lt3A_1097 = arith.cmpi slt, %add3A_1095, %broadcast_in_dim3A_704 : vector<16xi32>
        %lt3A_1098 = arith.constant 96 : i32
        %lt3A_1099 = vector.broadcast %lt3A_1098 : i32 to vector<16xi32>
        %lt3A_1100 = arith.cmpi slt, %add3A_1096, %lt3A_1099 : vector<16xi32>
        %and3A_1101 = arith.andi %lt3A_1097, %lt3A_1100 : vector<16xi1>
        %add3A_1102 = arith.constant 128 : i32
        %add3A_1103 = vector.broadcast %add3A_1102 : i32 to vector<16xi32>
        %add3A_1104 = arith.addi %add3A_1095, %add3A_1103 : vector<16xi32>
        %add3A_1105 = arith.constant 0 : i32
        %add3A_1106 = vector.broadcast %add3A_1105 : i32 to vector<16xi32>
        %add3A_1107 = arith.addi %add3A_1104, %add3A_1106 : vector<16xi32>
        %gather3A_1108 = tpu.vector_load_idx %arg11[%add3A_1107] : memref<528xf32, #tpu.memory_space<vmem>>[vector<16xi32>], vector<16xf32>,
        %add3A_1109 = arith.constant 32 : i32
        %add3A_1110 = vector.broadcast %add3A_1109 : i32 to vector<16xi32>
        %add3A_1111 = arith.addi %add3A_1096, %add3A_1110 : vector<16xi32>
        %add3A_1112 = arith.constant 0 : i32
        %add3A_1113 = vector.broadcast %add3A_1112 : i32 to vector<16xi32>
        %add3A_1114 = arith.addi %broadcast_in_dim3A_3, %add3A_1113 : vector<16xi32>
        tpu.vector_store_idx %arg13[%add3A_1111, %add3A_1114], %gather3A_1108 masked %and3A_1101 : memref<128x4xf32, #tpu.memory_space<vmem>>[vector<16xi32>, vector<16xi32>], vector<16xf32>, vector<16xi1>
        %add3A_1115 = arith.constant 128 : i32
        %add3A_1116 = vector.broadcast %add3A_1115 : i32 to vector<16xi32>
        %add3A_1117 = arith.addi %add3A_1095, %add3A_1116 : vector<16xi32>
        %add3A_1118 = arith.constant 96 : i32
        %add3A_1119 = vector.broadcast %add3A_1118 : i32 to vector<16xi32>
        %add3A_1120 = arith.addi %add3A_1117, %add3A_1119 : vector<16xi32>
        %gather3A_1121 = tpu.vector_load_idx %arg11[%add3A_1120] : memref<528xf32, #tpu.memory_space<vmem>>[vector<16xi32>], vector<16xf32>,
        %add3A_1122 = arith.constant 32 : i32
        %add3A_1123 = vector.broadcast %add3A_1122 : i32 to vector<16xi32>
        %add3A_1124 = arith.addi %add3A_1096, %add3A_1123 : vector<16xi32>
        %add3A_1125 = arith.constant 1 : i32
        %add3A_1126 = vector.broadcast %add3A_1125 : i32 to vector<16xi32>
        %add3A_1127 = arith.addi %broadcast_in_dim3A_3, %add3A_1126 : vector<16xi32>
        tpu.vector_store_idx %arg13[%add3A_1124, %add3A_1127], %gather3A_1121 masked %and3A_1101 : memref<128x4xf32, #tpu.memory_space<vmem>>[vector<16xi32>, vector<16xi32>], vector<16xf32>, vector<16xi1>
        %add3A_1128 = arith.constant 128 : i32
        %add3A_1129 = vector.broadcast %add3A_1128 : i32 to vector<16xi32>
        %add3A_1130 = arith.addi %add3A_1095, %add3A_1129 : vector<16xi32>
        %add3A_1131 = arith.constant 192 : i32
        %add3A_1132 = vector.broadcast %add3A_1131 : i32 to vector<16xi32>
        %add3A_1133 = arith.addi %add3A_1130, %add3A_1132 : vector<16xi32>
        %gather3A_1134 = tpu.vector_load_idx %arg11[%add3A_1133] : memref<528xf32, #tpu.memory_space<vmem>>[vector<16xi32>], vector<16xf32>,
        %add3A_1135 = arith.constant 32 : i32
        %add3A_1136 = vector.broadcast %add3A_1135 : i32 to vector<16xi32>
        %add3A_1137 = arith.addi %add3A_1096, %add3A_1136 : vector<16xi32>
        %add3A_1138 = arith.constant 2 : i32
        %add3A_1139 = vector.broadcast %add3A_1138 : i32 to vector<16xi32>
        %add3A_1140 = arith.addi %broadcast_in_dim3A_3, %add3A_1139 : vector<16xi32>
        tpu.vector_store_idx %arg13[%add3A_1137, %add3A_1140], %gather3A_1134 masked %and3A_1101 : memref<128x4xf32, #tpu.memory_space<vmem>>[vector<16xi32>, vector<16xi32>], vector<16xf32>, vector<16xi1>
        %add3A_1141 = arith.constant 128 : i32
        %add3A_1142 = vector.broadcast %add3A_1141 : i32 to vector<16xi32>
        %add3A_1143 = arith.addi %add3A_1095, %add3A_1142 : vector<16xi32>
        %add3A_1144 = arith.constant 288 : i32
        %add3A_1145 = vector.broadcast %add3A_1144 : i32 to vector<16xi32>
        %add3A_1146 = arith.addi %add3A_1143, %add3A_1145 : vector<16xi32>
        %gather3A_1147 = tpu.vector_load_idx %arg11[%add3A_1146] : memref<528xf32, #tpu.memory_space<vmem>>[vector<16xi32>], vector<16xf32>,
        %add3A_1148 = arith.constant 32 : i32
        %add3A_1149 = vector.broadcast %add3A_1148 : i32 to vector<16xi32>
        %add3A_1150 = arith.addi %add3A_1096, %add3A_1149 : vector<16xi32>
        %add3A_1151 = arith.constant 3 : i32
        %add3A_1152 = vector.broadcast %add3A_1151 : i32 to vector<16xi32>
        %add3A_1153 = arith.addi %broadcast_in_dim3A_3, %add3A_1152 : vector<16xi32>
        tpu.vector_store_idx %arg13[%add3A_1150, %add3A_1153], %gather3A_1147 masked %and3A_1101 : memref<128x4xf32, #tpu.memory_space<vmem>>[vector<16xi32>, vector<16xi32>], vector<16xf32>, vector<16xi1>
        %add3A_1154 = arith.constant 1 : i32
        %add3A_1155 = arith.addi %while3A_692, %add3A_1154 : i32
        %add3A_1156 = arith.addi %while3A_693, %squeeze3A : i32
        %add3A_1157 = arith.addi %while3A_694, %squeeze3A_702 : i32
        scf.yield %add3A_1155, %add3A_1156, %add3A_1157 : i32, i32, i32
      }
      "tpu.region"() ({
        %run_scoped3A = tpu.sem_alloc : memref<!tpu.dma_semaphore, #tpu.memory_space<semaphore_mem>>
        tpu.enqueue_dma source(%arg13 : memref<128x4xf32, #tpu.memory_space<vmem>>) target(%arg6 : memref<128x4xf32, #tpu.memory_space<hbm>>) target_semaphore(%run_scoped3A : memref<!tpu.dma_semaphore, #tpu.memory_space<semaphore_mem>>)
        tpu.wait_dma2 semaphore(%run_scoped3A : memref<!tpu.dma_semaphore, #tpu.memory_space<semaphore_mem>>) src(%arg13 : memref<128x4xf32, #tpu.memory_space<vmem>>) dst(%arg6 : memref<128x4xf32, #tpu.memory_space<hbm>>)
        tpu.yield
      }) : () -> ()
      %broadcast_in_dim3A_233 = arith.constant 0.000000e+00 : f32
      %broadcast_in_dim3A_234 = vector.broadcast %broadcast_in_dim3A_233 : f32 to vector<16xf32>
      %scan3A = arith.constant 0 : i32
      %scan3A_235 = arith.constant 0 : i32
      %scan3A_236 = arith.constant 168 : i32
      %scan3A_237 = arith.addi %scan3A_235, %scan3A_236 : i32
      %scan3A_238 = arith.constant 1 : i32
      %scan3A_239 = scf.for %scan3A_692 = %scan3A_235 to %scan3A_237 step %scan3A_238 iter_args(%scan3A_693 = %scan3A) -> (i32)  : i32 {
        %mul3A_694 = arith.constant 4 : i32
        %mul3A_695 = arith.muli %scan3A_692, %mul3A_694 : i32
        %add3A_696 = arith.constant 0 : i32
        %add3A_697 = arith.addi %mul3A_695, %add3A_696 : i32
        %mul3A_698 = arith.constant 16 : i32
        %mul3A_699 = arith.muli %add3A_697, %mul3A_698 : i32
        %swap3A_700 = arith.index_cast %mul3A_699 : i32 to index
        %swap3A_701 = tpu.vector_load %arg17[%swap3A_700] {strides = array<i32>} : memref<10752xf32, #tpu.memory_space<vmem>>, vector<16xf32>,
        tpu.vector_store %arg17[%swap3A_700], %broadcast_in_dim3A_234 {strides = array<i32>} : memref<10752xf32, #tpu.memory_space<vmem>>, vector<16xf32>,
        %mul3A_702 = arith.constant 4 : i32
        %mul3A_703 = arith.muli %scan3A_692, %mul3A_702 : i32
        %add3A_704 = arith.constant 0 : i32
        %add3A_705 = arith.addi %mul3A_703, %add3A_704 : i32
        %mul3A_706 = arith.constant 16 : i32
        %mul3A_707 = arith.muli %add3A_705, %mul3A_706 : i32
        %swap3A_708 = arith.index_cast %mul3A_707 : i32 to index
        %swap3A_709 = tpu.vector_load %arg18[%swap3A_708] {strides = array<i32>} : memref<10752xf32, #tpu.memory_space<vmem>>, vector<16xf32>,
        tpu.vector_store %arg18[%swap3A_708], %broadcast_in_dim3A_234 {strides = array<i32>} : memref<10752xf32, #tpu.memory_space<vmem>>, vector<16xf32>,
        %mul3A_710 = arith.constant 4 : i32
        %mul3A_711 = arith.muli %scan3A_692, %mul3A_710 : i32
        %add3A_712 = arith.constant 1 : i32
        %add3A_713 = arith.addi %mul3A_711, %add3A_712 : i32
        %mul3A_714 = arith.constant 16 : i32
        %mul3A_715 = arith.muli %add3A_713, %mul3A_714 : i32
        %swap3A_716 = arith.index_cast %mul3A_715 : i32 to index
        %swap3A_717 = tpu.vector_load %arg17[%swap3A_716] {strides = array<i32>} : memref<10752xf32, #tpu.memory_space<vmem>>, vector<16xf32>,
        tpu.vector_store %arg17[%swap3A_716], %broadcast_in_dim3A_234 {strides = array<i32>} : memref<10752xf32, #tpu.memory_space<vmem>>, vector<16xf32>,
        %mul3A_718 = arith.constant 4 : i32
        %mul3A_719 = arith.muli %scan3A_692, %mul3A_718 : i32
        %add3A_720 = arith.constant 1 : i32
        %add3A_721 = arith.addi %mul3A_719, %add3A_720 : i32
        %mul3A_722 = arith.constant 16 : i32
        %mul3A_723 = arith.muli %add3A_721, %mul3A_722 : i32
        %swap3A_724 = arith.index_cast %mul3A_723 : i32 to index
        %swap3A_725 = tpu.vector_load %arg18[%swap3A_724] {strides = array<i32>} : memref<10752xf32, #tpu.memory_space<vmem>>, vector<16xf32>,
        tpu.vector_store %arg18[%swap3A_724], %broadcast_in_dim3A_234 {strides = array<i32>} : memref<10752xf32, #tpu.memory_space<vmem>>, vector<16xf32>,
        %mul3A_726 = arith.constant 4 : i32
        %mul3A_727 = arith.muli %scan3A_692, %mul3A_726 : i32
        %add3A_728 = arith.constant 2 : i32
        %add3A_729 = arith.addi %mul3A_727, %add3A_728 : i32
        %mul3A_730 = arith.constant 16 : i32
        %mul3A_731 = arith.muli %add3A_729, %mul3A_730 : i32
        %swap3A_732 = arith.index_cast %mul3A_731 : i32 to index
        %swap3A_733 = tpu.vector_load %arg17[%swap3A_732] {strides = array<i32>} : memref<10752xf32, #tpu.memory_space<vmem>>, vector<16xf32>,
        tpu.vector_store %arg17[%swap3A_732], %broadcast_in_dim3A_234 {strides = array<i32>} : memref<10752xf32, #tpu.memory_space<vmem>>, vector<16xf32>,
        %mul3A_734 = arith.constant 4 : i32
        %mul3A_735 = arith.muli %scan3A_692, %mul3A_734 : i32
        %add3A_736 = arith.constant 2 : i32
        %add3A_737 = arith.addi %mul3A_735, %add3A_736 : i32
        %mul3A_738 = arith.constant 16 : i32
        %mul3A_739 = arith.muli %add3A_737, %mul3A_738 : i32
        %swap3A_740 = arith.index_cast %mul3A_739 : i32 to index
        %swap3A_741 = tpu.vector_load %arg18[%swap3A_740] {strides = array<i32>} : memref<10752xf32, #tpu.memory_space<vmem>>, vector<16xf32>,
        tpu.vector_store %arg18[%swap3A_740], %broadcast_in_dim3A_234 {strides = array<i32>} : memref<10752xf32, #tpu.memory_space<vmem>>, vector<16xf32>,
        %mul3A_742 = arith.constant 4 : i32
        %mul3A_743 = arith.muli %scan3A_692, %mul3A_742 : i32
        %add3A_744 = arith.constant 3 : i32
        %add3A_745 = arith.addi %mul3A_743, %add3A_744 : i32
        %mul3A_746 = arith.constant 16 : i32
        %mul3A_747 = arith.muli %add3A_745, %mul3A_746 : i32
        %swap3A_748 = arith.index_cast %mul3A_747 : i32 to index
        %swap3A_749 = tpu.vector_load %arg17[%swap3A_748] {strides = array<i32>} : memref<10752xf32, #tpu.memory_space<vmem>>, vector<16xf32>,
        tpu.vector_store %arg17[%swap3A_748], %broadcast_in_dim3A_234 {strides = array<i32>} : memref<10752xf32, #tpu.memory_space<vmem>>, vector<16xf32>,
        %mul3A_750 = arith.constant 4 : i32
        %mul3A_751 = arith.muli %scan3A_692, %mul3A_750 : i32
        %add3A_752 = arith.constant 3 : i32
        %add3A_753 = arith.addi %mul3A_751, %add3A_752 : i32
        %mul3A_754 = arith.constant 16 : i32
        %mul3A_755 = arith.muli %add3A_753, %mul3A_754 : i32
        %swap3A_756 = arith.index_cast %mul3A_755 : i32 to index
        %swap3A_757 = tpu.vector_load %arg18[%swap3A_756] {strides = array<i32>} : memref<10752xf32, #tpu.memory_space<vmem>>, vector<16xf32>,
        tpu.vector_store %arg18[%swap3A_756], %broadcast_in_dim3A_234 {strides = array<i32>} : memref<10752xf32, #tpu.memory_space<vmem>>, vector<16xf32>,
        %scan3A_758 = arith.constant 0 : i32
        scf.yield %scan3A_758 : i32
      }
      %scan3A_240 = arith.constant 168 : i32
      %broadcast_in_dim3A_241 = arith.constant 1.000000e+00 : f32
      %broadcast_in_dim3A_242 = vector.broadcast %broadcast_in_dim3A_241 : f32 to vector<16xf32>
      %add3A_243 = arith.constant 0 : i32
      %add3A_244 = vector.broadcast %add3A_243 : i32 to vector<16xi32>
      %add3A_245 = arith.addi %iota3A, %add3A_244 : vector<16xi32>
      %get3A = arith.constant 0 : index
      %get3A_246 = tpu.vector_load %arg12[%get3A] {strides = array<i32>} : memref<32xi32, #tpu.memory_space<vmem>>, vector<16xi32>,
      %gather3A_247 = tpu.vector_load_idx %arg15[%get3A_246] : memref<64xi32, #tpu.memory_space<vmem>>[vector<16xi32>], vector<16xi32>,
      %swap3A_248 = arith.constant 0 : index
      %swap3A_249 = tpu.vector_load %arg16[%swap3A_248] {strides = array<i32>} : memref<128xi32, #tpu.memory_space<vmem>>, vector<16xi32>,
      tpu.vector_store %arg16[%swap3A_248], %gather3A_247 {strides = array<i32>} : memref<128xi32, #tpu.memory_space<vmem>>, vector<16xi32>,
      %gather3A_250 = tpu.vector_load_idx %arg13[%add3A_245, %broadcast_in_dim3A_3] : memref<128x4xf32, #tpu.memory_space<vmem>>[vector<16xi32>, vector<16xi32>], vector<16xf32>,
      %add3A_251 = arith.constant 1 : i32
      %add3A_252 = vector.broadcast %add3A_251 : i32 to vector<16xi32>
      %add3A_253 = arith.addi %broadcast_in_dim3A_3, %add3A_252 : vector<16xi32>
      %gather3A_254 = tpu.vector_load_idx %arg13[%add3A_245, %add3A_253] : memref<128x4xf32, #tpu.memory_space<vmem>>[vector<16xi32>, vector<16xi32>], vector<16xf32>,
      %add3A_255 = arith.constant 2 : i32
      %add3A_256 = vector.broadcast %add3A_255 : i32 to vector<16xi32>
      %add3A_257 = arith.addi %broadcast_in_dim3A_3, %add3A_256 : vector<16xi32>
      %gather3A_258 = tpu.vector_load_idx %arg13[%add3A_245, %add3A_257] : memref<128x4xf32, #tpu.memory_space<vmem>>[vector<16xi32>, vector<16xi32>], vector<16xf32>,
      %add3A_259 = arith.constant 3 : i32
      %add3A_260 = vector.broadcast %add3A_259 : i32 to vector<16xi32>
      %add3A_261 = arith.addi %broadcast_in_dim3A_3, %add3A_260 : vector<16xi32>
      %gather3A_262 = tpu.vector_load_idx %arg13[%add3A_245, %add3A_261] : memref<128x4xf32, #tpu.memory_space<vmem>>[vector<16xi32>, vector<16xi32>], vector<16xf32>,
      %gather3A_263 = tpu.vector_load_idx %arg14[%get3A_246] : memref<256xf32, #tpu.memory_space<vmem>>[vector<16xi32>], vector<16xf32>,
      %add3A_264 = arith.constant 64 : i32
      %add3A_265 = vector.broadcast %add3A_264 : i32 to vector<16xi32>
      %add3A_266 = arith.addi %get3A_246, %add3A_265 : vector<16xi32>
      %gather3A_267 = tpu.vector_load_idx %arg14[%add3A_266] : memref<256xf32, #tpu.memory_space<vmem>>[vector<16xi32>], vector<16xf32>,
      %add3A_268 = arith.constant 128 : i32
      %add3A_269 = vector.broadcast %add3A_268 : i32 to vector<16xi32>
      %add3A_270 = arith.addi %get3A_246, %add3A_269 : vector<16xi32>
      %gather3A_271 = tpu.vector_load_idx %arg14[%add3A_270] : memref<256xf32, #tpu.memory_space<vmem>>[vector<16xi32>], vector<16xf32>,
      %add3A_272 = arith.constant 192 : i32
      %add3A_273 = vector.broadcast %add3A_272 : i32 to vector<16xi32>
      %add3A_274 = arith.addi %get3A_246, %add3A_273 : vector<16xi32>
      %gather3A_275 = tpu.vector_load_idx %arg14[%add3A_274] : memref<256xf32, #tpu.memory_space<vmem>>[vector<16xi32>], vector<16xf32>,
      %sub3A = arith.subf %gather3A_258, %gather3A_250 : vector<16xf32>
      %add3A_276 = arith.constant 1.000000e+00 : f32
      %add3A_277 = vector.broadcast %add3A_276 : f32 to vector<16xf32>
      %add3A_278 = arith.addf %sub3A, %add3A_277 : vector<16xf32>
      %sub3A_279 = arith.subf %gather3A_262, %gather3A_254 : vector<16xf32>
      %add3A_280 = arith.constant 1.000000e+00 : f32
      %add3A_281 = vector.broadcast %add3A_280 : f32 to vector<16xf32>
      %add3A_282 = arith.addf %sub3A_279, %add3A_281 : vector<16xf32>
      %mul3A_283 = arith.constant 5.000000e-01 : f32
      %mul3A_284 = vector.broadcast %mul3A_283 : f32 to vector<16xf32>
      %mul3A_285 = arith.mulf %mul3A_284, %add3A_278 : vector<16xf32>
      %add3A_286 = arith.addf %gather3A_250, %mul3A_285 : vector<16xf32>
      %mul3A_287 = arith.constant 5.000000e-01 : f32
      %mul3A_288 = vector.broadcast %mul3A_287 : f32 to vector<16xf32>
      %mul3A_289 = arith.mulf %mul3A_288, %add3A_282 : vector<16xf32>
      %add3A_290 = arith.addf %gather3A_254, %mul3A_289 : vector<16xf32>
      %sub3A_291 = arith.subf %gather3A_271, %gather3A_263 : vector<16xf32>
      %add3A_292 = arith.constant 1.000000e+00 : f32
      %add3A_293 = vector.broadcast %add3A_292 : f32 to vector<16xf32>
      %add3A_294 = arith.addf %sub3A_291, %add3A_293 : vector<16xf32>
      %sub3A_295 = arith.subf %gather3A_275, %gather3A_267 : vector<16xf32>
      %add3A_296 = arith.constant 1.000000e+00 : f32
      %add3A_297 = vector.broadcast %add3A_296 : f32 to vector<16xf32>
      %add3A_298 = arith.addf %sub3A_295, %add3A_297 : vector<16xf32>
      %mul3A_299 = arith.constant 5.000000e-01 : f32
      %mul3A_300 = vector.broadcast %mul3A_299 : f32 to vector<16xf32>
      %mul3A_301 = arith.mulf %mul3A_300, %add3A_294 : vector<16xf32>
      %add3A_302 = arith.addf %gather3A_263, %mul3A_301 : vector<16xf32>
      %mul3A_303 = arith.constant 5.000000e-01 : f32
      %mul3A_304 = vector.broadcast %mul3A_303 : f32 to vector<16xf32>
      %mul3A_305 = arith.mulf %mul3A_304, %add3A_298 : vector<16xf32>
      %add3A_306 = arith.addf %gather3A_267, %mul3A_305 : vector<16xf32>
      %sub3A_307 = arith.subf %add3A_302, %add3A_286 : vector<16xf32>
      %div3A = arith.divf %sub3A_307, %add3A_278 : vector<16xf32>
      %sub3A_308 = arith.subf %add3A_306, %add3A_290 : vector<16xf32>
      %div3A_309 = arith.divf %sub3A_308, %add3A_282 : vector<16xf32>
      %div3A_310 = arith.divf %add3A_294, %add3A_278 : vector<16xf32>
      %bitcast3A = vector.bitcast %div3A_310 : vector<16xf32> to vector<16xi32>
      %shift_right_arithmetic3A = arith.constant 23 : i32
      %shift_right_arithmetic3A_311 = vector.broadcast %shift_right_arithmetic3A : i32 to vector<16xi32>
      %shift_right_arithmetic3A_312 = arith.shrsi %bitcast3A, %shift_right_arithmetic3A_311 : vector<16xi32>
      %and3A = arith.constant 255 : i32
      %and3A_313 = vector.broadcast %and3A : i32 to vector<16xi32>
      %and3A_314 = arith.andi %shift_right_arithmetic3A_312, %and3A_313 : vector<16xi32>
      %sub3A_315 = arith.constant 127 : i32
      %sub3A_316 = vector.broadcast %sub3A_315 : i32 to vector<16xi32>
      %sub3A_317 = arith.subi %and3A_314, %sub3A_316 : vector<16xi32>
      %and3A_318 = arith.constant 8388607 : i32
      %and3A_319 = vector.broadcast %and3A_318 : i32 to vector<16xi32>
      %and3A_320 = arith.andi %bitcast3A, %and3A_319 : vector<16xi32>
      %or3A = arith.constant 1065353216 : i32
      %or3A_321 = vector.broadcast %or3A : i32 to vector<16xi32>
      %or3A_322 = arith.ori %and3A_320, %or3A_321 : vector<16xi32>
      %bitcast3A_323 = vector.bitcast %or3A_322 : vector<16xi32> to vector<16xf32>
      %gt3A = arith.constant 1.41421354 : f32
      %gt3A_324 = vector.broadcast %gt3A : f32 to vector<16xf32>
      %gt3A_325 = arith.cmpf ogt, %bitcast3A_323, %gt3A_324 : vector<16xf32>
      %mul3A_326 = arith.constant 5.000000e-01 : f32
      %mul3A_327 = vector.broadcast %mul3A_326 : f32 to vector<16xf32>
      %mul3A_328 = arith.mulf %bitcast3A_323, %mul3A_327 : vector<16xf32>
      %select_n3A = arith.select %gt3A_325, %mul3A_328, %bitcast3A_323 : vector<16xi1>, vector<16xf32>
      %add3A_329 = arith.constant 1 : i32
      %add3A_330 = vector.broadcast %add3A_329 : i32 to vector<16xi32>
      %add3A_331 = arith.addi %sub3A_317, %add3A_330 : vector<16xi32>
      %select_n3A_332 = arith.select %gt3A_325, %add3A_331, %sub3A_317 : vector<16xi1>, vector<16xi32>
      %sub3A_333 = arith.constant 1.000000e+00 : f32
      %sub3A_334 = vector.broadcast %sub3A_333 : f32 to vector<16xf32>
      %sub3A_335 = arith.subf %select_n3A, %sub3A_334 : vector<16xf32>
      %add3A_336 = arith.constant 1.000000e+00 : f32
      %add3A_337 = vector.broadcast %add3A_336 : f32 to vector<16xf32>
      %add3A_338 = arith.addf %select_n3A, %add3A_337 : vector<16xf32>
      %div3A_339 = arith.divf %sub3A_335, %add3A_338 : vector<16xf32>
      %mul3A_340 = arith.mulf %div3A_339, %div3A_339 : vector<16xf32>
      %mul3A_341 = arith.constant 0.111111112 : f32
      %mul3A_342 = vector.broadcast %mul3A_341 : f32 to vector<16xf32>
      %mul3A_343 = arith.mulf %mul3A_340, %mul3A_342 : vector<16xf32>
      %add3A_344 = arith.constant 0.142857149 : f32
      %add3A_345 = vector.broadcast %add3A_344 : f32 to vector<16xf32>
      %add3A_346 = arith.addf %add3A_345, %mul3A_343 : vector<16xf32>
      %mul3A_347 = arith.mulf %mul3A_340, %add3A_346 : vector<16xf32>
      %add3A_348 = arith.constant 2.000000e-01 : f32
      %add3A_349 = vector.broadcast %add3A_348 : f32 to vector<16xf32>
      %add3A_350 = arith.addf %add3A_349, %mul3A_347 : vector<16xf32>
      %mul3A_351 = arith.mulf %mul3A_340, %add3A_350 : vector<16xf32>
      %add3A_352 = arith.constant 0.333333343 : f32
      %add3A_353 = vector.broadcast %add3A_352 : f32 to vector<16xf32>
      %add3A_354 = arith.addf %add3A_353, %mul3A_351 : vector<16xf32>
      %mul3A_355 = arith.mulf %mul3A_340, %add3A_354 : vector<16xf32>
      %add3A_356 = arith.constant 1.000000e+00 : f32
      %add3A_357 = vector.broadcast %add3A_356 : f32 to vector<16xf32>
      %add3A_358 = arith.addf %add3A_357, %mul3A_355 : vector<16xf32>
      %convert_element_type3A_359 = arith.sitofp %select_n3A_332 : vector<16xi32> to vector<16xf32>
      %mul3A_360 = arith.constant 0.693147182 : f32
      %mul3A_361 = vector.broadcast %mul3A_360 : f32 to vector<16xf32>
      %mul3A_362 = arith.mulf %convert_element_type3A_359, %mul3A_361 : vector<16xf32>
      %mul3A_363 = arith.constant 2.000000e+00 : f32
      %mul3A_364 = vector.broadcast %mul3A_363 : f32 to vector<16xf32>
      %mul3A_365 = arith.mulf %mul3A_364, %div3A_339 : vector<16xf32>
      %mul3A_366 = arith.mulf %mul3A_365, %add3A_358 : vector<16xf32>
      %add3A_367 = arith.addf %mul3A_362, %mul3A_366 : vector<16xf32>
      %div3A_368 = arith.divf %add3A_298, %add3A_282 : vector<16xf32>
      %bitcast3A_369 = vector.bitcast %div3A_368 : vector<16xf32> to vector<16xi32>
      %shift_right_arithmetic3A_370 = arith.constant 23 : i32
      %shift_right_arithmetic3A_371 = vector.broadcast %shift_right_arithmetic3A_370 : i32 to vector<16xi32>
      %shift_right_arithmetic3A_372 = arith.shrsi %bitcast3A_369, %shift_right_arithmetic3A_371 : vector<16xi32>
      %and3A_373 = arith.constant 255 : i32
      %and3A_374 = vector.broadcast %and3A_373 : i32 to vector<16xi32>
      %and3A_375 = arith.andi %shift_right_arithmetic3A_372, %and3A_374 : vector<16xi32>
      %sub3A_376 = arith.constant 127 : i32
      %sub3A_377 = vector.broadcast %sub3A_376 : i32 to vector<16xi32>
      %sub3A_378 = arith.subi %and3A_375, %sub3A_377 : vector<16xi32>
      %and3A_379 = arith.constant 8388607 : i32
      %and3A_380 = vector.broadcast %and3A_379 : i32 to vector<16xi32>
      %and3A_381 = arith.andi %bitcast3A_369, %and3A_380 : vector<16xi32>
      %or3A_382 = arith.constant 1065353216 : i32
      %or3A_383 = vector.broadcast %or3A_382 : i32 to vector<16xi32>
      %or3A_384 = arith.ori %and3A_381, %or3A_383 : vector<16xi32>
      %bitcast3A_385 = vector.bitcast %or3A_384 : vector<16xi32> to vector<16xf32>
      %gt3A_386 = arith.constant 1.41421354 : f32
      %gt3A_387 = vector.broadcast %gt3A_386 : f32 to vector<16xf32>
      %gt3A_388 = arith.cmpf ogt, %bitcast3A_385, %gt3A_387 : vector<16xf32>
      %mul3A_389 = arith.constant 5.000000e-01 : f32
      %mul3A_390 = vector.broadcast %mul3A_389 : f32 to vector<16xf32>
      %mul3A_391 = arith.mulf %bitcast3A_385, %mul3A_390 : vector<16xf32>
      %select_n3A_392 = arith.select %gt3A_388, %mul3A_391, %bitcast3A_385 : vector<16xi1>, vector<16xf32>
      %add3A_393 = arith.constant 1 : i32
      %add3A_394 = vector.broadcast %add3A_393 : i32 to vector<16xi32>
      %add3A_395 = arith.addi %sub3A_378, %add3A_394 : vector<16xi32>
      %select_n3A_396 = arith.select %gt3A_388, %add3A_395, %sub3A_378 : vector<16xi1>, vector<16xi32>
      %sub3A_397 = arith.constant 1.000000e+00 : f32
      %sub3A_398 = vector.broadcast %sub3A_397 : f32 to vector<16xf32>
      %sub3A_399 = arith.subf %select_n3A_392, %sub3A_398 : vector<16xf32>
      %add3A_400 = arith.constant 1.000000e+00 : f32
      %add3A_401 = vector.broadcast %add3A_400 : f32 to vector<16xf32>
      %add3A_402 = arith.addf %select_n3A_392, %add3A_401 : vector<16xf32>
      %div3A_403 = arith.divf %sub3A_399, %add3A_402 : vector<16xf32>
      %mul3A_404 = arith.mulf %div3A_403, %div3A_403 : vector<16xf32>
      %mul3A_405 = arith.constant 0.111111112 : f32
      %mul3A_406 = vector.broadcast %mul3A_405 : f32 to vector<16xf32>
      %mul3A_407 = arith.mulf %mul3A_404, %mul3A_406 : vector<16xf32>
      %add3A_408 = arith.constant 0.142857149 : f32
      %add3A_409 = vector.broadcast %add3A_408 : f32 to vector<16xf32>
      %add3A_410 = arith.addf %add3A_409, %mul3A_407 : vector<16xf32>
      %mul3A_411 = arith.mulf %mul3A_404, %add3A_410 : vector<16xf32>
      %add3A_412 = arith.constant 2.000000e-01 : f32
      %add3A_413 = vector.broadcast %add3A_412 : f32 to vector<16xf32>
      %add3A_414 = arith.addf %add3A_413, %mul3A_411 : vector<16xf32>
      %mul3A_415 = arith.mulf %mul3A_404, %add3A_414 : vector<16xf32>
      %add3A_416 = arith.constant 0.333333343 : f32
      %add3A_417 = vector.broadcast %add3A_416 : f32 to vector<16xf32>
      %add3A_418 = arith.addf %add3A_417, %mul3A_415 : vector<16xf32>
      %mul3A_419 = arith.mulf %mul3A_404, %add3A_418 : vector<16xf32>
      %add3A_420 = arith.constant 1.000000e+00 : f32
      %add3A_421 = vector.broadcast %add3A_420 : f32 to vector<16xf32>
      %add3A_422 = arith.addf %add3A_421, %mul3A_419 : vector<16xf32>
      %convert_element_type3A_423 = arith.sitofp %select_n3A_396 : vector<16xi32> to vector<16xf32>
      %mul3A_424 = arith.constant 0.693147182 : f32
      %mul3A_425 = vector.broadcast %mul3A_424 : f32 to vector<16xf32>
      %mul3A_426 = arith.mulf %convert_element_type3A_423, %mul3A_425 : vector<16xf32>
      %mul3A_427 = arith.constant 2.000000e+00 : f32
      %mul3A_428 = vector.broadcast %mul3A_427 : f32 to vector<16xf32>
      %mul3A_429 = arith.mulf %mul3A_428, %div3A_403 : vector<16xf32>
      %mul3A_430 = arith.mulf %mul3A_429, %add3A_422 : vector<16xf32>
      %add3A_431 = arith.addf %mul3A_426, %mul3A_430 : vector<16xf32>
      %mul3A_432 = arith.constant 84 : i32
      %mul3A_433 = vector.broadcast %mul3A_432 : i32 to vector<16xi32>
      %mul3A_434 = arith.muli %add3A_245, %mul3A_433 : vector<16xi32>
      %mul3A_435 = arith.constant 4 : i32
      %mul3A_436 = vector.broadcast %mul3A_435 : i32 to vector<16xi32>
      %mul3A_437 = arith.muli %gather3A_247, %mul3A_436 : vector<16xi32>
      %add3A_438 = arith.addi %mul3A_434, %mul3A_437 : vector<16xi32>
      tpu.vector_store_idx %arg17[%add3A_438], %div3A : memref<10752xf32, #tpu.memory_space<vmem>>[vector<16xi32>], vector<16xf32>,
      %add3A_439 = arith.constant 1 : i32
      %add3A_440 = vector.broadcast %add3A_439 : i32 to vector<16xi32>
      %add3A_441 = arith.addi %add3A_438, %add3A_440 : vector<16xi32>
      tpu.vector_store_idx %arg17[%add3A_441], %div3A_309 : memref<10752xf32, #tpu.memory_space<vmem>>[vector<16xi32>], vector<16xf32>,
      %add3A_442 = arith.constant 2 : i32
      %add3A_443 = vector.broadcast %add3A_442 : i32 to vector<16xi32>
      %add3A_444 = arith.addi %add3A_438, %add3A_443 : vector<16xi32>
      tpu.vector_store_idx %arg17[%add3A_444], %add3A_367 : memref<10752xf32, #tpu.memory_space<vmem>>[vector<16xi32>], vector<16xf32>,
      %add3A_445 = arith.constant 3 : i32
      %add3A_446 = vector.broadcast %add3A_445 : i32 to vector<16xi32>
      %add3A_447 = arith.addi %add3A_438, %add3A_446 : vector<16xi32>
      tpu.vector_store_idx %arg17[%add3A_447], %add3A_431 : memref<10752xf32, #tpu.memory_space<vmem>>[vector<16xi32>], vector<16xf32>,
      tpu.vector_store_idx %arg18[%add3A_438], %broadcast_in_dim3A_242 : memref<10752xf32, #tpu.memory_space<vmem>>[vector<16xi32>], vector<16xf32>,
      %add3A_448 = arith.constant 1 : i32
      %add3A_449 = vector.broadcast %add3A_448 : i32 to vector<16xi32>
      %add3A_450 = arith.addi %add3A_438, %add3A_449 : vector<16xi32>
      tpu.vector_store_idx %arg18[%add3A_450], %broadcast_in_dim3A_242 : memref<10752xf32, #tpu.memory_space<vmem>>[vector<16xi32>], vector<16xf32>,
      %add3A_451 = arith.constant 2 : i32
      %add3A_452 = vector.broadcast %add3A_451 : i32 to vector<16xi32>
      %add3A_453 = arith.addi %add3A_438, %add3A_452 : vector<16xi32>
      tpu.vector_store_idx %arg18[%add3A_453], %broadcast_in_dim3A_242 : memref<10752xf32, #tpu.memory_space<vmem>>[vector<16xi32>], vector<16xf32>,
      %add3A_454 = arith.constant 3 : i32
      %add3A_455 = vector.broadcast %add3A_454 : i32 to vector<16xi32>
      %add3A_456 = arith.addi %add3A_438, %add3A_455 : vector<16xi32>
      tpu.vector_store_idx %arg18[%add3A_456], %broadcast_in_dim3A_242 : memref<10752xf32, #tpu.memory_space<vmem>>[vector<16xi32>], vector<16xf32>,
      %add3A_457 = arith.constant 16 : i32
      %add3A_458 = vector.broadcast %add3A_457 : i32 to vector<16xi32>
      %add3A_459 = arith.addi %iota3A, %add3A_458 : vector<16xi32>
      %get3A_460 = arith.constant 16 : index
      %get3A_461 = tpu.vector_load %arg12[%get3A_460] {strides = array<i32>} : memref<32xi32, #tpu.memory_space<vmem>>, vector<16xi32>,
      %gather3A_462 = tpu.vector_load_idx %arg15[%get3A_461] : memref<64xi32, #tpu.memory_space<vmem>>[vector<16xi32>], vector<16xi32>,
      %swap3A_463 = arith.constant 16 : index
      %swap3A_464 = tpu.vector_load %arg16[%swap3A_463] {strides = array<i32>} : memref<128xi32, #tpu.memory_space<vmem>>, vector<16xi32>,
      tpu.vector_store %arg16[%swap3A_463], %gather3A_462 {strides = array<i32>} : memref<128xi32, #tpu.memory_space<vmem>>, vector<16xi32>,
      %gather3A_465 = tpu.vector_load_idx %arg13[%add3A_459, %broadcast_in_dim3A_3] : memref<128x4xf32, #tpu.memory_space<vmem>>[vector<16xi32>, vector<16xi32>], vector<16xf32>,
      %add3A_466 = arith.constant 1 : i32
      %add3A_467 = vector.broadcast %add3A_466 : i32 to vector<16xi32>
      %add3A_468 = arith.addi %broadcast_in_dim3A_3, %add3A_467 : vector<16xi32>
      %gather3A_469 = tpu.vector_load_idx %arg13[%add3A_459, %add3A_468] : memref<128x4xf32, #tpu.memory_space<vmem>>[vector<16xi32>, vector<16xi32>], vector<16xf32>,
      %add3A_470 = arith.constant 2 : i32
      %add3A_471 = vector.broadcast %add3A_470 : i32 to vector<16xi32>
      %add3A_472 = arith.addi %broadcast_in_dim3A_3, %add3A_471 : vector<16xi32>
      %gather3A_473 = tpu.vector_load_idx %arg13[%add3A_459, %add3A_472] : memref<128x4xf32, #tpu.memory_space<vmem>>[vector<16xi32>, vector<16xi32>], vector<16xf32>,
      %add3A_474 = arith.constant 3 : i32
      %add3A_475 = vector.broadcast %add3A_474 : i32 to vector<16xi32>
      %add3A_476 = arith.addi %broadcast_in_dim3A_3, %add3A_475 : vector<16xi32>
      %gather3A_477 = tpu.vector_load_idx %arg13[%add3A_459, %add3A_476] : memref<128x4xf32, #tpu.memory_space<vmem>>[vector<16xi32>, vector<16xi32>], vector<16xf32>,
      %gather3A_478 = tpu.vector_load_idx %arg14[%get3A_461] : memref<256xf32, #tpu.memory_space<vmem>>[vector<16xi32>], vector<16xf32>,
      %add3A_479 = arith.constant 64 : i32
      %add3A_480 = vector.broadcast %add3A_479 : i32 to vector<16xi32>
      %add3A_481 = arith.addi %get3A_461, %add3A_480 : vector<16xi32>
      %gather3A_482 = tpu.vector_load_idx %arg14[%add3A_481] : memref<256xf32, #tpu.memory_space<vmem>>[vector<16xi32>], vector<16xf32>,
      %add3A_483 = arith.constant 128 : i32
      %add3A_484 = vector.broadcast %add3A_483 : i32 to vector<16xi32>
      %add3A_485 = arith.addi %get3A_461, %add3A_484 : vector<16xi32>
      %gather3A_486 = tpu.vector_load_idx %arg14[%add3A_485] : memref<256xf32, #tpu.memory_space<vmem>>[vector<16xi32>], vector<16xf32>,
      %add3A_487 = arith.constant 192 : i32
      %add3A_488 = vector.broadcast %add3A_487 : i32 to vector<16xi32>
      %add3A_489 = arith.addi %get3A_461, %add3A_488 : vector<16xi32>
      %gather3A_490 = tpu.vector_load_idx %arg14[%add3A_489] : memref<256xf32, #tpu.memory_space<vmem>>[vector<16xi32>], vector<16xf32>,
      %sub3A_491 = arith.subf %gather3A_473, %gather3A_465 : vector<16xf32>
      %add3A_492 = arith.constant 1.000000e+00 : f32
      %add3A_493 = vector.broadcast %add3A_492 : f32 to vector<16xf32>
      %add3A_494 = arith.addf %sub3A_491, %add3A_493 : vector<16xf32>
      %sub3A_495 = arith.subf %gather3A_477, %gather3A_469 : vector<16xf32>
      %add3A_496 = arith.constant 1.000000e+00 : f32
      %add3A_497 = vector.broadcast %add3A_496 : f32 to vector<16xf32>
      %add3A_498 = arith.addf %sub3A_495, %add3A_497 : vector<16xf32>
      %mul3A_499 = arith.constant 5.000000e-01 : f32
      %mul3A_500 = vector.broadcast %mul3A_499 : f32 to vector<16xf32>
      %mul3A_501 = arith.mulf %mul3A_500, %add3A_494 : vector<16xf32>
      %add3A_502 = arith.addf %gather3A_465, %mul3A_501 : vector<16xf32>
      %mul3A_503 = arith.constant 5.000000e-01 : f32
      %mul3A_504 = vector.broadcast %mul3A_503 : f32 to vector<16xf32>
      %mul3A_505 = arith.mulf %mul3A_504, %add3A_498 : vector<16xf32>
      %add3A_506 = arith.addf %gather3A_469, %mul3A_505 : vector<16xf32>
      %sub3A_507 = arith.subf %gather3A_486, %gather3A_478 : vector<16xf32>
      %add3A_508 = arith.constant 1.000000e+00 : f32
      %add3A_509 = vector.broadcast %add3A_508 : f32 to vector<16xf32>
      %add3A_510 = arith.addf %sub3A_507, %add3A_509 : vector<16xf32>
      %sub3A_511 = arith.subf %gather3A_490, %gather3A_482 : vector<16xf32>
      %add3A_512 = arith.constant 1.000000e+00 : f32
      %add3A_513 = vector.broadcast %add3A_512 : f32 to vector<16xf32>
      %add3A_514 = arith.addf %sub3A_511, %add3A_513 : vector<16xf32>
      %mul3A_515 = arith.constant 5.000000e-01 : f32
      %mul3A_516 = vector.broadcast %mul3A_515 : f32 to vector<16xf32>
      %mul3A_517 = arith.mulf %mul3A_516, %add3A_510 : vector<16xf32>
      %add3A_518 = arith.addf %gather3A_478, %mul3A_517 : vector<16xf32>
      %mul3A_519 = arith.constant 5.000000e-01 : f32
      %mul3A_520 = vector.broadcast %mul3A_519 : f32 to vector<16xf32>
      %mul3A_521 = arith.mulf %mul3A_520, %add3A_514 : vector<16xf32>
      %add3A_522 = arith.addf %gather3A_482, %mul3A_521 : vector<16xf32>
      %sub3A_523 = arith.subf %add3A_518, %add3A_502 : vector<16xf32>
      %div3A_524 = arith.divf %sub3A_523, %add3A_494 : vector<16xf32>
      %sub3A_525 = arith.subf %add3A_522, %add3A_506 : vector<16xf32>
      %div3A_526 = arith.divf %sub3A_525, %add3A_498 : vector<16xf32>
      %div3A_527 = arith.divf %add3A_510, %add3A_494 : vector<16xf32>
      %bitcast3A_528 = vector.bitcast %div3A_527 : vector<16xf32> to vector<16xi32>
      %shift_right_arithmetic3A_529 = arith.constant 23 : i32
      %shift_right_arithmetic3A_530 = vector.broadcast %shift_right_arithmetic3A_529 : i32 to vector<16xi32>
      %shift_right_arithmetic3A_531 = arith.shrsi %bitcast3A_528, %shift_right_arithmetic3A_530 : vector<16xi32>
      %and3A_532 = arith.constant 255 : i32
      %and3A_533 = vector.broadcast %and3A_532 : i32 to vector<16xi32>
      %and3A_534 = arith.andi %shift_right_arithmetic3A_531, %and3A_533 : vector<16xi32>
      %sub3A_535 = arith.constant 127 : i32
      %sub3A_536 = vector.broadcast %sub3A_535 : i32 to vector<16xi32>
      %sub3A_537 = arith.subi %and3A_534, %sub3A_536 : vector<16xi32>
      %and3A_538 = arith.constant 8388607 : i32
      %and3A_539 = vector.broadcast %and3A_538 : i32 to vector<16xi32>
      %and3A_540 = arith.andi %bitcast3A_528, %and3A_539 : vector<16xi32>
      %or3A_541 = arith.constant 1065353216 : i32
      %or3A_542 = vector.broadcast %or3A_541 : i32 to vector<16xi32>
      %or3A_543 = arith.ori %and3A_540, %or3A_542 : vector<16xi32>
      %bitcast3A_544 = vector.bitcast %or3A_543 : vector<16xi32> to vector<16xf32>
      %gt3A_545 = arith.constant 1.41421354 : f32
      %gt3A_546 = vector.broadcast %gt3A_545 : f32 to vector<16xf32>
      %gt3A_547 = arith.cmpf ogt, %bitcast3A_544, %gt3A_546 : vector<16xf32>
      %mul3A_548 = arith.constant 5.000000e-01 : f32
      %mul3A_549 = vector.broadcast %mul3A_548 : f32 to vector<16xf32>
      %mul3A_550 = arith.mulf %bitcast3A_544, %mul3A_549 : vector<16xf32>
      %select_n3A_551 = arith.select %gt3A_547, %mul3A_550, %bitcast3A_544 : vector<16xi1>, vector<16xf32>
      %add3A_552 = arith.constant 1 : i32
      %add3A_553 = vector.broadcast %add3A_552 : i32 to vector<16xi32>
      %add3A_554 = arith.addi %sub3A_537, %add3A_553 : vector<16xi32>
      %select_n3A_555 = arith.select %gt3A_547, %add3A_554, %sub3A_537 : vector<16xi1>, vector<16xi32>
      %sub3A_556 = arith.constant 1.000000e+00 : f32
      %sub3A_557 = vector.broadcast %sub3A_556 : f32 to vector<16xf32>
      %sub3A_558 = arith.subf %select_n3A_551, %sub3A_557 : vector<16xf32>
      %add3A_559 = arith.constant 1.000000e+00 : f32
      %add3A_560 = vector.broadcast %add3A_559 : f32 to vector<16xf32>
      %add3A_561 = arith.addf %select_n3A_551, %add3A_560 : vector<16xf32>
      %div3A_562 = arith.divf %sub3A_558, %add3A_561 : vector<16xf32>
      %mul3A_563 = arith.mulf %div3A_562, %div3A_562 : vector<16xf32>
      %mul3A_564 = arith.constant 0.111111112 : f32
      %mul3A_565 = vector.broadcast %mul3A_564 : f32 to vector<16xf32>
      %mul3A_566 = arith.mulf %mul3A_563, %mul3A_565 : vector<16xf32>
      %add3A_567 = arith.constant 0.142857149 : f32
      %add3A_568 = vector.broadcast %add3A_567 : f32 to vector<16xf32>
      %add3A_569 = arith.addf %add3A_568, %mul3A_566 : vector<16xf32>
      %mul3A_570 = arith.mulf %mul3A_563, %add3A_569 : vector<16xf32>
      %add3A_571 = arith.constant 2.000000e-01 : f32
      %add3A_572 = vector.broadcast %add3A_571 : f32 to vector<16xf32>
      %add3A_573 = arith.addf %add3A_572, %mul3A_570 : vector<16xf32>
      %mul3A_574 = arith.mulf %mul3A_563, %add3A_573 : vector<16xf32>
      %add3A_575 = arith.constant 0.333333343 : f32
      %add3A_576 = vector.broadcast %add3A_575 : f32 to vector<16xf32>
      %add3A_577 = arith.addf %add3A_576, %mul3A_574 : vector<16xf32>
      %mul3A_578 = arith.mulf %mul3A_563, %add3A_577 : vector<16xf32>
      %add3A_579 = arith.constant 1.000000e+00 : f32
      %add3A_580 = vector.broadcast %add3A_579 : f32 to vector<16xf32>
      %add3A_581 = arith.addf %add3A_580, %mul3A_578 : vector<16xf32>
      %convert_element_type3A_582 = arith.sitofp %select_n3A_555 : vector<16xi32> to vector<16xf32>
      %mul3A_583 = arith.constant 0.693147182 : f32
      %mul3A_584 = vector.broadcast %mul3A_583 : f32 to vector<16xf32>
      %mul3A_585 = arith.mulf %convert_element_type3A_582, %mul3A_584 : vector<16xf32>
      %mul3A_586 = arith.constant 2.000000e+00 : f32
      %mul3A_587 = vector.broadcast %mul3A_586 : f32 to vector<16xf32>
      %mul3A_588 = arith.mulf %mul3A_587, %div3A_562 : vector<16xf32>
      %mul3A_589 = arith.mulf %mul3A_588, %add3A_581 : vector<16xf32>
      %add3A_590 = arith.addf %mul3A_585, %mul3A_589 : vector<16xf32>
      %div3A_591 = arith.divf %add3A_514, %add3A_498 : vector<16xf32>
      %bitcast3A_592 = vector.bitcast %div3A_591 : vector<16xf32> to vector<16xi32>
      %shift_right_arithmetic3A_593 = arith.constant 23 : i32
      %shift_right_arithmetic3A_594 = vector.broadcast %shift_right_arithmetic3A_593 : i32 to vector<16xi32>
      %shift_right_arithmetic3A_595 = arith.shrsi %bitcast3A_592, %shift_right_arithmetic3A_594 : vector<16xi32>
      %and3A_596 = arith.constant 255 : i32
      %and3A_597 = vector.broadcast %and3A_596 : i32 to vector<16xi32>
      %and3A_598 = arith.andi %shift_right_arithmetic3A_595, %and3A_597 : vector<16xi32>
      %sub3A_599 = arith.constant 127 : i32
      %sub3A_600 = vector.broadcast %sub3A_599 : i32 to vector<16xi32>
      %sub3A_601 = arith.subi %and3A_598, %sub3A_600 : vector<16xi32>
      %and3A_602 = arith.constant 8388607 : i32
      %and3A_603 = vector.broadcast %and3A_602 : i32 to vector<16xi32>
      %and3A_604 = arith.andi %bitcast3A_592, %and3A_603 : vector<16xi32>
      %or3A_605 = arith.constant 1065353216 : i32
      %or3A_606 = vector.broadcast %or3A_605 : i32 to vector<16xi32>
      %or3A_607 = arith.ori %and3A_604, %or3A_606 : vector<16xi32>
      %bitcast3A_608 = vector.bitcast %or3A_607 : vector<16xi32> to vector<16xf32>
      %gt3A_609 = arith.constant 1.41421354 : f32
      %gt3A_610 = vector.broadcast %gt3A_609 : f32 to vector<16xf32>
      %gt3A_611 = arith.cmpf ogt, %bitcast3A_608, %gt3A_610 : vector<16xf32>
      %mul3A_612 = arith.constant 5.000000e-01 : f32
      %mul3A_613 = vector.broadcast %mul3A_612 : f32 to vector<16xf32>
      %mul3A_614 = arith.mulf %bitcast3A_608, %mul3A_613 : vector<16xf32>
      %select_n3A_615 = arith.select %gt3A_611, %mul3A_614, %bitcast3A_608 : vector<16xi1>, vector<16xf32>
      %add3A_616 = arith.constant 1 : i32
      %add3A_617 = vector.broadcast %add3A_616 : i32 to vector<16xi32>
      %add3A_618 = arith.addi %sub3A_601, %add3A_617 : vector<16xi32>
      %select_n3A_619 = arith.select %gt3A_611, %add3A_618, %sub3A_601 : vector<16xi1>, vector<16xi32>
      %sub3A_620 = arith.constant 1.000000e+00 : f32
      %sub3A_621 = vector.broadcast %sub3A_620 : f32 to vector<16xf32>
      %sub3A_622 = arith.subf %select_n3A_615, %sub3A_621 : vector<16xf32>
      %add3A_623 = arith.constant 1.000000e+00 : f32
      %add3A_624 = vector.broadcast %add3A_623 : f32 to vector<16xf32>
      %add3A_625 = arith.addf %select_n3A_615, %add3A_624 : vector<16xf32>
      %div3A_626 = arith.divf %sub3A_622, %add3A_625 : vector<16xf32>
      %mul3A_627 = arith.mulf %div3A_626, %div3A_626 : vector<16xf32>
      %mul3A_628 = arith.constant 0.111111112 : f32
      %mul3A_629 = vector.broadcast %mul3A_628 : f32 to vector<16xf32>
      %mul3A_630 = arith.mulf %mul3A_627, %mul3A_629 : vector<16xf32>
      %add3A_631 = arith.constant 0.142857149 : f32
      %add3A_632 = vector.broadcast %add3A_631 : f32 to vector<16xf32>
      %add3A_633 = arith.addf %add3A_632, %mul3A_630 : vector<16xf32>
      %mul3A_634 = arith.mulf %mul3A_627, %add3A_633 : vector<16xf32>
      %add3A_635 = arith.constant 2.000000e-01 : f32
      %add3A_636 = vector.broadcast %add3A_635 : f32 to vector<16xf32>
      %add3A_637 = arith.addf %add3A_636, %mul3A_634 : vector<16xf32>
      %mul3A_638 = arith.mulf %mul3A_627, %add3A_637 : vector<16xf32>
      %add3A_639 = arith.constant 0.333333343 : f32
      %add3A_640 = vector.broadcast %add3A_639 : f32 to vector<16xf32>
      %add3A_641 = arith.addf %add3A_640, %mul3A_638 : vector<16xf32>
      %mul3A_642 = arith.mulf %mul3A_627, %add3A_641 : vector<16xf32>
      %add3A_643 = arith.constant 1.000000e+00 : f32
      %add3A_644 = vector.broadcast %add3A_643 : f32 to vector<16xf32>
      %add3A_645 = arith.addf %add3A_644, %mul3A_642 : vector<16xf32>
      %convert_element_type3A_646 = arith.sitofp %select_n3A_619 : vector<16xi32> to vector<16xf32>
      %mul3A_647 = arith.constant 0.693147182 : f32
      %mul3A_648 = vector.broadcast %mul3A_647 : f32 to vector<16xf32>
      %mul3A_649 = arith.mulf %convert_element_type3A_646, %mul3A_648 : vector<16xf32>
      %mul3A_650 = arith.constant 2.000000e+00 : f32
      %mul3A_651 = vector.broadcast %mul3A_650 : f32 to vector<16xf32>
      %mul3A_652 = arith.mulf %mul3A_651, %div3A_626 : vector<16xf32>
      %mul3A_653 = arith.mulf %mul3A_652, %add3A_645 : vector<16xf32>
      %add3A_654 = arith.addf %mul3A_649, %mul3A_653 : vector<16xf32>
      %mul3A_655 = arith.constant 84 : i32
      %mul3A_656 = vector.broadcast %mul3A_655 : i32 to vector<16xi32>
      %mul3A_657 = arith.muli %add3A_459, %mul3A_656 : vector<16xi32>
      %mul3A_658 = arith.constant 4 : i32
      %mul3A_659 = vector.broadcast %mul3A_658 : i32 to vector<16xi32>
      %mul3A_660 = arith.muli %gather3A_462, %mul3A_659 : vector<16xi32>
      %add3A_661 = arith.addi %mul3A_657, %mul3A_660 : vector<16xi32>
      tpu.vector_store_idx %arg17[%add3A_661], %div3A_524 : memref<10752xf32, #tpu.memory_space<vmem>>[vector<16xi32>], vector<16xf32>,
      %add3A_662 = arith.constant 1 : i32
      %add3A_663 = vector.broadcast %add3A_662 : i32 to vector<16xi32>
      %add3A_664 = arith.addi %add3A_661, %add3A_663 : vector<16xi32>
      tpu.vector_store_idx %arg17[%add3A_664], %div3A_526 : memref<10752xf32, #tpu.memory_space<vmem>>[vector<16xi32>], vector<16xf32>,
      %add3A_665 = arith.constant 2 : i32
      %add3A_666 = vector.broadcast %add3A_665 : i32 to vector<16xi32>
      %add3A_667 = arith.addi %add3A_661, %add3A_666 : vector<16xi32>
      tpu.vector_store_idx %arg17[%add3A_667], %add3A_590 : memref<10752xf32, #tpu.memory_space<vmem>>[vector<16xi32>], vector<16xf32>,
      %add3A_668 = arith.constant 3 : i32
      %add3A_669 = vector.broadcast %add3A_668 : i32 to vector<16xi32>
      %add3A_670 = arith.addi %add3A_661, %add3A_669 : vector<16xi32>
      tpu.vector_store_idx %arg17[%add3A_670], %add3A_654 : memref<10752xf32, #tpu.memory_space<vmem>>[vector<16xi32>], vector<16xf32>,
      tpu.vector_store_idx %arg18[%add3A_661], %broadcast_in_dim3A_242 : memref<10752xf32, #tpu.memory_space<vmem>>[vector<16xi32>], vector<16xf32>,
      %add3A_671 = arith.constant 1 : i32
      %add3A_672 = vector.broadcast %add3A_671 : i32 to vector<16xi32>
      %add3A_673 = arith.addi %add3A_661, %add3A_672 : vector<16xi32>
      tpu.vector_store_idx %arg18[%add3A_673], %broadcast_in_dim3A_242 : memref<10752xf32, #tpu.memory_space<vmem>>[vector<16xi32>], vector<16xf32>,
      %add3A_674 = arith.constant 2 : i32
      %add3A_675 = vector.broadcast %add3A_674 : i32 to vector<16xi32>
      %add3A_676 = arith.addi %add3A_661, %add3A_675 : vector<16xi32>
      tpu.vector_store_idx %arg18[%add3A_676], %broadcast_in_dim3A_242 : memref<10752xf32, #tpu.memory_space<vmem>>[vector<16xi32>], vector<16xf32>,
      %add3A_677 = arith.constant 3 : i32
      %add3A_678 = vector.broadcast %add3A_677 : i32 to vector<16xi32>
      %add3A_679 = arith.addi %add3A_661, %add3A_678 : vector<16xi32>
      tpu.vector_store_idx %arg18[%add3A_679], %broadcast_in_dim3A_242 : memref<10752xf32, #tpu.memory_space<vmem>>[vector<16xi32>], vector<16xf32>,
      %swap3A_680 = arith.constant 32 : index
      %swap3A_681 = tpu.vector_load %arg16[%swap3A_680] {strides = array<i32>} : memref<128xi32, #tpu.memory_space<vmem>>, vector<16xi32>,
      tpu.vector_store %arg16[%swap3A_680], %broadcast_in_dim3A_3 {strides = array<i32>} : memref<128xi32, #tpu.memory_space<vmem>>, vector<16xi32>,
      %swap3A_682 = arith.constant 48 : index
      %swap3A_683 = tpu.vector_load %arg16[%swap3A_682] {strides = array<i32>} : memref<128xi32, #tpu.memory_space<vmem>>, vector<16xi32>,
      tpu.vector_store %arg16[%swap3A_682], %broadcast_in_dim3A_3 {strides = array<i32>} : memref<128xi32, #tpu.memory_space<vmem>>, vector<16xi32>,
      %swap3A_684 = arith.constant 64 : index
      %swap3A_685 = tpu.vector_load %arg16[%swap3A_684] {strides = array<i32>} : memref<128xi32, #tpu.memory_space<vmem>>, vector<16xi32>,
      tpu.vector_store %arg16[%swap3A_684], %broadcast_in_dim3A_3 {strides = array<i32>} : memref<128xi32, #tpu.memory_space<vmem>>, vector<16xi32>,
      %swap3A_686 = arith.constant 80 : index
      %swap3A_687 = tpu.vector_load %arg16[%swap3A_686] {strides = array<i32>} : memref<128xi32, #tpu.memory_space<vmem>>, vector<16xi32>,
      tpu.vector_store %arg16[%swap3A_686], %broadcast_in_dim3A_3 {strides = array<i32>} : memref<128xi32, #tpu.memory_space<vmem>>, vector<16xi32>,
      %swap3A_688 = arith.constant 96 : index
      %swap3A_689 = tpu.vector_load %arg16[%swap3A_688] {strides = array<i32>} : memref<128xi32, #tpu.memory_space<vmem>>, vector<16xi32>,
      tpu.vector_store %arg16[%swap3A_688], %broadcast_in_dim3A_3 {strides = array<i32>} : memref<128xi32, #tpu.memory_space<vmem>>, vector<16xi32>,
      %swap3A_690 = arith.constant 112 : index
      %swap3A_691 = tpu.vector_load %arg16[%swap3A_690] {strides = array<i32>} : memref<128xi32, #tpu.memory_space<vmem>>, vector<16xi32>,
      tpu.vector_store %arg16[%swap3A_690], %broadcast_in_dim3A_3 {strides = array<i32>} : memref<128xi32, #tpu.memory_space<vmem>>, vector<16xi32>,
      "tpu.region"() ({
        %run_scoped3A = tpu.sem_alloc : memref<!tpu.dma_semaphore, #tpu.memory_space<semaphore_mem>>
        tpu.enqueue_dma source(%arg16 : memref<128xi32, #tpu.memory_space<vmem>>) target(%arg7 : memref<128xi32, #tpu.memory_space<hbm>>) target_semaphore(%run_scoped3A : memref<!tpu.dma_semaphore, #tpu.memory_space<semaphore_mem>>)
        tpu.wait_dma2 semaphore(%run_scoped3A : memref<!tpu.dma_semaphore, #tpu.memory_space<semaphore_mem>>) src(%arg16 : memref<128xi32, #tpu.memory_space<vmem>>) dst(%arg7 : memref<128xi32, #tpu.memory_space<hbm>>)
        tpu.yield
      }) : () -> ()
      "tpu.region"() ({
        %run_scoped3A = tpu.sem_alloc : memref<!tpu.dma_semaphore, #tpu.memory_space<semaphore_mem>>
        tpu.enqueue_dma source(%arg17 : memref<10752xf32, #tpu.memory_space<vmem>>) target(%arg8 : memref<10752xf32, #tpu.memory_space<hbm>>) target_semaphore(%run_scoped3A : memref<!tpu.dma_semaphore, #tpu.memory_space<semaphore_mem>>)
        tpu.wait_dma2 semaphore(%run_scoped3A : memref<!tpu.dma_semaphore, #tpu.memory_space<semaphore_mem>>) src(%arg17 : memref<10752xf32, #tpu.memory_space<vmem>>) dst(%arg8 : memref<10752xf32, #tpu.memory_space<hbm>>)
        tpu.yield
      }) : () -> ()
      "tpu.region"() ({
        %run_scoped3A = tpu.sem_alloc : memref<!tpu.dma_semaphore, #tpu.memory_space<semaphore_mem>>
        tpu.enqueue_dma source(%arg18 : memref<10752xf32, #tpu.memory_space<vmem>>) target(%arg9 : memref<10752xf32, #tpu.memory_space<hbm>>) target_semaphore(%run_scoped3A : memref<!tpu.dma_semaphore, #tpu.memory_space<semaphore_mem>>)
        tpu.wait_dma2 semaphore(%run_scoped3A : memref<!tpu.dma_semaphore, #tpu.memory_space<semaphore_mem>>) src(%arg18 : memref<10752xf32, #tpu.memory_space<vmem>>) dst(%arg9 : memref<10752xf32, #tpu.memory_space<hbm>>)
        tpu.yield
      }) : () -> ()
    } else {
    }
    return
  }
}

#map = affine_map<(d0, d1) -> (0)>
module attributes {stable_mosaic.version = 14 : i64} {
  func.func @_phase1(%arg0: i32, %arg1: i32, %arg2: memref<20480xf32, #tpu.memory_space<hbm>>, %arg3: memref<20480xf32, #tpu.memory_space<hbm>>, %arg4: memref<20480xf32, #tpu.memory_space<hbm>>, %arg5: memref<20480xf32, #tpu.memory_space<hbm>>, %arg6: memref<256xf32, #tpu.memory_space<hbm>>, %arg7: memref<2048xi32, #tpu.memory_space<hbm>>, %arg8: memref<16896xf32, #tpu.memory_space<hbm>>, %arg9: memref<640xf32, #tpu.memory_space<vmem>>, %arg10: memref<640xf32, #tpu.memory_space<vmem>>, %arg11: memref<640xf32, #tpu.memory_space<vmem>>, %arg12: memref<640xf32, #tpu.memory_space<vmem>>, %arg13: memref<256xf32, #tpu.memory_space<vmem>>, %arg14: memref<64xf32, #tpu.memory_space<vmem>>, %arg15: memref<640xf32, #tpu.memory_space<vmem>>, %arg16: memref<640xf32, #tpu.memory_space<vmem>>, %arg17: memref<640xi32, #tpu.memory_space<vmem>>, %arg18: memref<64xi32, #tpu.memory_space<vmem>>, %arg19: memref<528xf32, #tpu.memory_space<vmem>>) attributes {dimension_semantics = [#tpu.dimension_semantics<core_parallel>, #tpu.dimension_semantics<subcore_parallel>], iteration_bounds = array<i64: 2, 16>, scalar_prefetch = 0 : i64, scratch_operands = 11 : i64, tpu.core_type = #tpu.core_type<sc_vector_subcore>, window_params = [{transform_indices = #map}, {transform_indices = #map}, {transform_indices = #map}, {transform_indices = #map}, {transform_indices = #map}, {transform_indices = #map}, {transform_indices = #map}]} {
    %mul3A = arith.constant 2 : i32
    %mul3A_0 = arith.muli %arg1, %mul3A : i32
    %add3A = arith.addi %mul3A_0, %arg0 : i32
    %mul3A_1 = arith.constant 640 : i32
    %mul3A_2 = arith.muli %add3A, %mul3A_1 : i32
    "tpu.region"() ({
      %run_scoped3A = tpu.sem_alloc : memref<!tpu.dma_semaphore, #tpu.memory_space<semaphore_mem>>
      %dma_start3A = tpu.memref_slice %arg2[%mul3A_2] : memref<20480xf32, #tpu.memory_space<hbm>> -> memref<640xf32, #tpu.memory_space<hbm>>
      %dma_start3A_118 = tpu.memref_slice %arg2[%mul3A_2] : memref<20480xf32, #tpu.memory_space<hbm>> -> memref<640xf32, #tpu.memory_space<hbm>>
      tpu.enqueue_dma source(%dma_start3A_118 : memref<640xf32, #tpu.memory_space<hbm>>) target(%arg9 : memref<640xf32, #tpu.memory_space<vmem>>) target_semaphore(%run_scoped3A : memref<!tpu.dma_semaphore, #tpu.memory_space<semaphore_mem>>)
      %dma_wait3A = tpu.memref_slice %arg2[%mul3A_2] : memref<20480xf32, #tpu.memory_space<hbm>> -> memref<640xf32, #tpu.memory_space<hbm>>
      %dma_wait3A_119 = tpu.memref_slice %arg2[%mul3A_2] : memref<20480xf32, #tpu.memory_space<hbm>> -> memref<640xf32, #tpu.memory_space<hbm>>
      tpu.wait_dma2 semaphore(%run_scoped3A : memref<!tpu.dma_semaphore, #tpu.memory_space<semaphore_mem>>) src(%dma_wait3A_119 : memref<640xf32, #tpu.memory_space<hbm>>) dst(%arg9 : memref<640xf32, #tpu.memory_space<vmem>>)
      tpu.yield
    }) : () -> ()
    "tpu.region"() ({
      %run_scoped3A = tpu.sem_alloc : memref<!tpu.dma_semaphore, #tpu.memory_space<semaphore_mem>>
      %dma_start3A = tpu.memref_slice %arg3[%mul3A_2] : memref<20480xf32, #tpu.memory_space<hbm>> -> memref<640xf32, #tpu.memory_space<hbm>>
      %dma_start3A_118 = tpu.memref_slice %arg3[%mul3A_2] : memref<20480xf32, #tpu.memory_space<hbm>> -> memref<640xf32, #tpu.memory_space<hbm>>
      tpu.enqueue_dma source(%dma_start3A_118 : memref<640xf32, #tpu.memory_space<hbm>>) target(%arg10 : memref<640xf32, #tpu.memory_space<vmem>>) target_semaphore(%run_scoped3A : memref<!tpu.dma_semaphore, #tpu.memory_space<semaphore_mem>>)
      %dma_wait3A = tpu.memref_slice %arg3[%mul3A_2] : memref<20480xf32, #tpu.memory_space<hbm>> -> memref<640xf32, #tpu.memory_space<hbm>>
      %dma_wait3A_119 = tpu.memref_slice %arg3[%mul3A_2] : memref<20480xf32, #tpu.memory_space<hbm>> -> memref<640xf32, #tpu.memory_space<hbm>>
      tpu.wait_dma2 semaphore(%run_scoped3A : memref<!tpu.dma_semaphore, #tpu.memory_space<semaphore_mem>>) src(%dma_wait3A_119 : memref<640xf32, #tpu.memory_space<hbm>>) dst(%arg10 : memref<640xf32, #tpu.memory_space<vmem>>)
      tpu.yield
    }) : () -> ()
    "tpu.region"() ({
      %run_scoped3A = tpu.sem_alloc : memref<!tpu.dma_semaphore, #tpu.memory_space<semaphore_mem>>
      %dma_start3A = tpu.memref_slice %arg4[%mul3A_2] : memref<20480xf32, #tpu.memory_space<hbm>> -> memref<640xf32, #tpu.memory_space<hbm>>
      %dma_start3A_118 = tpu.memref_slice %arg4[%mul3A_2] : memref<20480xf32, #tpu.memory_space<hbm>> -> memref<640xf32, #tpu.memory_space<hbm>>
      tpu.enqueue_dma source(%dma_start3A_118 : memref<640xf32, #tpu.memory_space<hbm>>) target(%arg11 : memref<640xf32, #tpu.memory_space<vmem>>) target_semaphore(%run_scoped3A : memref<!tpu.dma_semaphore, #tpu.memory_space<semaphore_mem>>)
      %dma_wait3A = tpu.memref_slice %arg4[%mul3A_2] : memref<20480xf32, #tpu.memory_space<hbm>> -> memref<640xf32, #tpu.memory_space<hbm>>
      %dma_wait3A_119 = tpu.memref_slice %arg4[%mul3A_2] : memref<20480xf32, #tpu.memory_space<hbm>> -> memref<640xf32, #tpu.memory_space<hbm>>
      tpu.wait_dma2 semaphore(%run_scoped3A : memref<!tpu.dma_semaphore, #tpu.memory_space<semaphore_mem>>) src(%dma_wait3A_119 : memref<640xf32, #tpu.memory_space<hbm>>) dst(%arg11 : memref<640xf32, #tpu.memory_space<vmem>>)
      tpu.yield
    }) : () -> ()
    "tpu.region"() ({
      %run_scoped3A = tpu.sem_alloc : memref<!tpu.dma_semaphore, #tpu.memory_space<semaphore_mem>>
      %dma_start3A = tpu.memref_slice %arg5[%mul3A_2] : memref<20480xf32, #tpu.memory_space<hbm>> -> memref<640xf32, #tpu.memory_space<hbm>>
      %dma_start3A_118 = tpu.memref_slice %arg5[%mul3A_2] : memref<20480xf32, #tpu.memory_space<hbm>> -> memref<640xf32, #tpu.memory_space<hbm>>
      tpu.enqueue_dma source(%dma_start3A_118 : memref<640xf32, #tpu.memory_space<hbm>>) target(%arg12 : memref<640xf32, #tpu.memory_space<vmem>>) target_semaphore(%run_scoped3A : memref<!tpu.dma_semaphore, #tpu.memory_space<semaphore_mem>>)
      %dma_wait3A = tpu.memref_slice %arg5[%mul3A_2] : memref<20480xf32, #tpu.memory_space<hbm>> -> memref<640xf32, #tpu.memory_space<hbm>>
      %dma_wait3A_119 = tpu.memref_slice %arg5[%mul3A_2] : memref<20480xf32, #tpu.memory_space<hbm>> -> memref<640xf32, #tpu.memory_space<hbm>>
      tpu.wait_dma2 semaphore(%run_scoped3A : memref<!tpu.dma_semaphore, #tpu.memory_space<semaphore_mem>>) src(%dma_wait3A_119 : memref<640xf32, #tpu.memory_space<hbm>>) dst(%arg12 : memref<640xf32, #tpu.memory_space<vmem>>)
      tpu.yield
    }) : () -> ()
    "tpu.region"() ({
      %run_scoped3A = tpu.sem_alloc : memref<!tpu.dma_semaphore, #tpu.memory_space<semaphore_mem>>
      tpu.enqueue_dma source(%arg6 : memref<256xf32, #tpu.memory_space<hbm>>) target(%arg13 : memref<256xf32, #tpu.memory_space<vmem>>) target_semaphore(%run_scoped3A : memref<!tpu.dma_semaphore, #tpu.memory_space<semaphore_mem>>)
      tpu.wait_dma2 semaphore(%run_scoped3A : memref<!tpu.dma_semaphore, #tpu.memory_space<semaphore_mem>>) src(%arg6 : memref<256xf32, #tpu.memory_space<hbm>>) dst(%arg13 : memref<256xf32, #tpu.memory_space<vmem>>)
      tpu.yield
    }) : () -> ()
    %iota3A = tpu.iota {dimensions = array<i32: 0>} : vector<16xi32>
    %get3A = arith.constant 0 : index
    %get3A_3 = tpu.vector_load %arg13[%get3A] {strides = array<i32>} : memref<256xf32, #tpu.memory_space<vmem>>, vector<16xf32>,
    %get3A_4 = arith.constant 64 : index
    %get3A_5 = tpu.vector_load %arg13[%get3A_4] {strides = array<i32>} : memref<256xf32, #tpu.memory_space<vmem>>, vector<16xf32>,
    %get3A_6 = arith.constant 128 : index
    %get3A_7 = tpu.vector_load %arg13[%get3A_6] {strides = array<i32>} : memref<256xf32, #tpu.memory_space<vmem>>, vector<16xf32>,
    %get3A_8 = arith.constant 192 : index
    %get3A_9 = tpu.vector_load %arg13[%get3A_8] {strides = array<i32>} : memref<256xf32, #tpu.memory_space<vmem>>, vector<16xf32>,
    %sub3A = arith.subf %get3A_7, %get3A_3 : vector<16xf32>
    %sub3A_10 = arith.subf %get3A_9, %get3A_5 : vector<16xf32>
    %mul3A_11 = arith.mulf %sub3A, %sub3A_10 : vector<16xf32>
    %swap3A = arith.constant 0 : index
    %swap3A_12 = tpu.vector_load %arg14[%swap3A] {strides = array<i32>} : memref<64xf32, #tpu.memory_space<vmem>>, vector<16xf32>,
    tpu.vector_store %arg14[%swap3A], %mul3A_11 {strides = array<i32>} : memref<64xf32, #tpu.memory_space<vmem>>, vector<16xf32>,
    %get3A_13 = arith.constant 16 : index
    %get3A_14 = tpu.vector_load %arg13[%get3A_13] {strides = array<i32>} : memref<256xf32, #tpu.memory_space<vmem>>, vector<16xf32>,
    %get3A_15 = arith.constant 80 : index
    %get3A_16 = tpu.vector_load %arg13[%get3A_15] {strides = array<i32>} : memref<256xf32, #tpu.memory_space<vmem>>, vector<16xf32>,
    %get3A_17 = arith.constant 144 : index
    %get3A_18 = tpu.vector_load %arg13[%get3A_17] {strides = array<i32>} : memref<256xf32, #tpu.memory_space<vmem>>, vector<16xf32>,
    %get3A_19 = arith.constant 208 : index
    %get3A_20 = tpu.vector_load %arg13[%get3A_19] {strides = array<i32>} : memref<256xf32, #tpu.memory_space<vmem>>, vector<16xf32>,
    %sub3A_21 = arith.subf %get3A_18, %get3A_14 : vector<16xf32>
    %sub3A_22 = arith.subf %get3A_20, %get3A_16 : vector<16xf32>
    %mul3A_23 = arith.mulf %sub3A_21, %sub3A_22 : vector<16xf32>
    %swap3A_24 = arith.constant 16 : index
    %swap3A_25 = tpu.vector_load %arg14[%swap3A_24] {strides = array<i32>} : memref<64xf32, #tpu.memory_space<vmem>>, vector<16xf32>,
    tpu.vector_store %arg14[%swap3A_24], %mul3A_23 {strides = array<i32>} : memref<64xf32, #tpu.memory_space<vmem>>, vector<16xf32>,
    %get3A_26 = arith.constant 32 : index
    %get3A_27 = tpu.vector_load %arg13[%get3A_26] {strides = array<i32>} : memref<256xf32, #tpu.memory_space<vmem>>, vector<16xf32>,
    %get3A_28 = arith.constant 96 : index
    %get3A_29 = tpu.vector_load %arg13[%get3A_28] {strides = array<i32>} : memref<256xf32, #tpu.memory_space<vmem>>, vector<16xf32>,
    %get3A_30 = arith.constant 160 : index
    %get3A_31 = tpu.vector_load %arg13[%get3A_30] {strides = array<i32>} : memref<256xf32, #tpu.memory_space<vmem>>, vector<16xf32>,
    %get3A_32 = arith.constant 224 : index
    %get3A_33 = tpu.vector_load %arg13[%get3A_32] {strides = array<i32>} : memref<256xf32, #tpu.memory_space<vmem>>, vector<16xf32>,
    %sub3A_34 = arith.subf %get3A_31, %get3A_27 : vector<16xf32>
    %sub3A_35 = arith.subf %get3A_33, %get3A_29 : vector<16xf32>
    %mul3A_36 = arith.mulf %sub3A_34, %sub3A_35 : vector<16xf32>
    %swap3A_37 = arith.constant 32 : index
    %swap3A_38 = tpu.vector_load %arg14[%swap3A_37] {strides = array<i32>} : memref<64xf32, #tpu.memory_space<vmem>>, vector<16xf32>,
    tpu.vector_store %arg14[%swap3A_37], %mul3A_36 {strides = array<i32>} : memref<64xf32, #tpu.memory_space<vmem>>, vector<16xf32>,
    %get3A_39 = arith.constant 48 : index
    %get3A_40 = tpu.vector_load %arg13[%get3A_39] {strides = array<i32>} : memref<256xf32, #tpu.memory_space<vmem>>, vector<16xf32>,
    %get3A_41 = arith.constant 112 : index
    %get3A_42 = tpu.vector_load %arg13[%get3A_41] {strides = array<i32>} : memref<256xf32, #tpu.memory_space<vmem>>, vector<16xf32>,
    %get3A_43 = arith.constant 176 : index
    %get3A_44 = tpu.vector_load %arg13[%get3A_43] {strides = array<i32>} : memref<256xf32, #tpu.memory_space<vmem>>, vector<16xf32>,
    %get3A_45 = arith.constant 240 : index
    %get3A_46 = tpu.vector_load %arg13[%get3A_45] {strides = array<i32>} : memref<256xf32, #tpu.memory_space<vmem>>, vector<16xf32>,
    %sub3A_47 = arith.subf %get3A_44, %get3A_40 : vector<16xf32>
    %sub3A_48 = arith.subf %get3A_46, %get3A_42 : vector<16xf32>
    %mul3A_49 = arith.mulf %sub3A_47, %sub3A_48 : vector<16xf32>
    %swap3A_50 = arith.constant 48 : index
    %swap3A_51 = tpu.vector_load %arg14[%swap3A_50] {strides = array<i32>} : memref<64xf32, #tpu.memory_space<vmem>>, vector<16xf32>,
    tpu.vector_store %arg14[%swap3A_50], %mul3A_49 {strides = array<i32>} : memref<64xf32, #tpu.memory_space<vmem>>, vector<16xf32>,
    %scan3A = arith.constant 0 : i32
    %scan3A_52 = arith.constant 0 : i32
    %scan3A_53 = arith.constant 10 : i32
    %scan3A_54 = arith.addi %scan3A_52, %scan3A_53 : i32
    %scan3A_55 = arith.constant 1 : i32
    %scan3A_56 = scf.for %scan3A_118 = %scan3A_52 to %scan3A_54 step %scan3A_55 iter_args(%scan3A_119 = %scan3A) -> (i32)  : i32 {
      %mul3A_120 = arith.constant 64 : i32
      %mul3A_121 = arith.muli %scan3A_118, %mul3A_120 : i32
      %add3A_122 = arith.constant 0 : i32
      %add3A_123 = arith.addi %mul3A_121, %add3A_122 : i32
      %get3A_124 = arith.index_cast %add3A_123 : i32 to index
      %get3A_125 = tpu.vector_load %arg9[%get3A_124] {strides = array<i32>} : memref<640xf32, #tpu.memory_space<vmem>>, vector<16xf32>,
      %add3A_126 = arith.constant 16 : i32
      %add3A_127 = arith.addi %mul3A_121, %add3A_126 : i32
      %get3A_128 = arith.index_cast %add3A_127 : i32 to index
      %get3A_129 = tpu.vector_load %arg9[%get3A_128] {strides = array<i32>} : memref<640xf32, #tpu.memory_space<vmem>>, vector<16xf32>,
      %add3A_130 = arith.constant 32 : i32
      %add3A_131 = arith.addi %mul3A_121, %add3A_130 : i32
      %get3A_132 = arith.index_cast %add3A_131 : i32 to index
      %get3A_133 = tpu.vector_load %arg9[%get3A_132] {strides = array<i32>} : memref<640xf32, #tpu.memory_space<vmem>>, vector<16xf32>,
      %add3A_134 = arith.constant 48 : i32
      %add3A_135 = arith.addi %mul3A_121, %add3A_134 : i32
      %get3A_136 = arith.index_cast %add3A_135 : i32 to index
      %get3A_137 = tpu.vector_load %arg9[%get3A_136] {strides = array<i32>} : memref<640xf32, #tpu.memory_space<vmem>>, vector<16xf32>,
      %add3A_138 = arith.constant 0 : i32
      %add3A_139 = arith.addi %mul3A_121, %add3A_138 : i32
      %get3A_140 = arith.index_cast %add3A_139 : i32 to index
      %get3A_141 = tpu.vector_load %arg10[%get3A_140] {strides = array<i32>} : memref<640xf32, #tpu.memory_space<vmem>>, vector<16xf32>,
      %add3A_142 = arith.constant 16 : i32
      %add3A_143 = arith.addi %mul3A_121, %add3A_142 : i32
      %get3A_144 = arith.index_cast %add3A_143 : i32 to index
      %get3A_145 = tpu.vector_load %arg10[%get3A_144] {strides = array<i32>} : memref<640xf32, #tpu.memory_space<vmem>>, vector<16xf32>,
      %add3A_146 = arith.constant 32 : i32
      %add3A_147 = arith.addi %mul3A_121, %add3A_146 : i32
      %get3A_148 = arith.index_cast %add3A_147 : i32 to index
      %get3A_149 = tpu.vector_load %arg10[%get3A_148] {strides = array<i32>} : memref<640xf32, #tpu.memory_space<vmem>>, vector<16xf32>,
      %add3A_150 = arith.constant 48 : i32
      %add3A_151 = arith.addi %mul3A_121, %add3A_150 : i32
      %get3A_152 = arith.index_cast %add3A_151 : i32 to index
      %get3A_153 = tpu.vector_load %arg10[%get3A_152] {strides = array<i32>} : memref<640xf32, #tpu.memory_space<vmem>>, vector<16xf32>,
      %add3A_154 = arith.constant 0 : i32
      %add3A_155 = arith.addi %mul3A_121, %add3A_154 : i32
      %get3A_156 = arith.index_cast %add3A_155 : i32 to index
      %get3A_157 = tpu.vector_load %arg11[%get3A_156] {strides = array<i32>} : memref<640xf32, #tpu.memory_space<vmem>>, vector<16xf32>,
      %add3A_158 = arith.constant 16 : i32
      %add3A_159 = arith.addi %mul3A_121, %add3A_158 : i32
      %get3A_160 = arith.index_cast %add3A_159 : i32 to index
      %get3A_161 = tpu.vector_load %arg11[%get3A_160] {strides = array<i32>} : memref<640xf32, #tpu.memory_space<vmem>>, vector<16xf32>,
      %add3A_162 = arith.constant 32 : i32
      %add3A_163 = arith.addi %mul3A_121, %add3A_162 : i32
      %get3A_164 = arith.index_cast %add3A_163 : i32 to index
      %get3A_165 = tpu.vector_load %arg11[%get3A_164] {strides = array<i32>} : memref<640xf32, #tpu.memory_space<vmem>>, vector<16xf32>,
      %add3A_166 = arith.constant 48 : i32
      %add3A_167 = arith.addi %mul3A_121, %add3A_166 : i32
      %get3A_168 = arith.index_cast %add3A_167 : i32 to index
      %get3A_169 = tpu.vector_load %arg11[%get3A_168] {strides = array<i32>} : memref<640xf32, #tpu.memory_space<vmem>>, vector<16xf32>,
      %add3A_170 = arith.constant 0 : i32
      %add3A_171 = arith.addi %mul3A_121, %add3A_170 : i32
      %get3A_172 = arith.index_cast %add3A_171 : i32 to index
      %get3A_173 = tpu.vector_load %arg12[%get3A_172] {strides = array<i32>} : memref<640xf32, #tpu.memory_space<vmem>>, vector<16xf32>,
      %add3A_174 = arith.constant 16 : i32
      %add3A_175 = arith.addi %mul3A_121, %add3A_174 : i32
      %get3A_176 = arith.index_cast %add3A_175 : i32 to index
      %get3A_177 = tpu.vector_load %arg12[%get3A_176] {strides = array<i32>} : memref<640xf32, #tpu.memory_space<vmem>>, vector<16xf32>,
      %add3A_178 = arith.constant 32 : i32
      %add3A_179 = arith.addi %mul3A_121, %add3A_178 : i32
      %get3A_180 = arith.index_cast %add3A_179 : i32 to index
      %get3A_181 = tpu.vector_load %arg12[%get3A_180] {strides = array<i32>} : memref<640xf32, #tpu.memory_space<vmem>>, vector<16xf32>,
      %add3A_182 = arith.constant 48 : i32
      %add3A_183 = arith.addi %mul3A_121, %add3A_182 : i32
      %get3A_184 = arith.index_cast %add3A_183 : i32 to index
      %get3A_185 = tpu.vector_load %arg12[%get3A_184] {strides = array<i32>} : memref<640xf32, #tpu.memory_space<vmem>>, vector<16xf32>,
      %sub3A_186 = arith.subf %get3A_157, %get3A_125 : vector<16xf32>
      %sub3A_187 = arith.subf %get3A_173, %get3A_141 : vector<16xf32>
      %mul3A_188 = arith.mulf %sub3A_186, %sub3A_187 : vector<16xf32>
      %sub3A_189 = arith.subf %get3A_161, %get3A_129 : vector<16xf32>
      %sub3A_190 = arith.subf %get3A_177, %get3A_145 : vector<16xf32>
      %mul3A_191 = arith.mulf %sub3A_189, %sub3A_190 : vector<16xf32>
      %sub3A_192 = arith.subf %get3A_165, %get3A_133 : vector<16xf32>
      %sub3A_193 = arith.subf %get3A_181, %get3A_149 : vector<16xf32>
      %mul3A_194 = arith.mulf %sub3A_192, %sub3A_193 : vector<16xf32>
      %sub3A_195 = arith.subf %get3A_169, %get3A_137 : vector<16xf32>
      %sub3A_196 = arith.subf %get3A_185, %get3A_153 : vector<16xf32>
      %mul3A_197 = arith.mulf %sub3A_195, %sub3A_196 : vector<16xf32>
      %broadcast_in_dim3A_198 = arith.constant -1.000000e+00 : f32
      %broadcast_in_dim3A_199 = vector.broadcast %broadcast_in_dim3A_198 : f32 to vector<16xf32>
      %broadcast_in_dim3A_200 = arith.constant -1.000000e+00 : f32
      %broadcast_in_dim3A_201 = vector.broadcast %broadcast_in_dim3A_200 : f32 to vector<16xf32>
      %broadcast_in_dim3A_202 = arith.constant -1.000000e+00 : f32
      %broadcast_in_dim3A_203 = vector.broadcast %broadcast_in_dim3A_202 : f32 to vector<16xf32>
      %broadcast_in_dim3A_204 = arith.constant -1.000000e+00 : f32
      %broadcast_in_dim3A_205 = vector.broadcast %broadcast_in_dim3A_204 : f32 to vector<16xf32>
      %broadcast_in_dim3A_206 = arith.constant 1.000000e+00 : f32
      %broadcast_in_dim3A_207 = vector.broadcast %broadcast_in_dim3A_206 : f32 to vector<16xf32>
      %broadcast_in_dim3A_208 = arith.constant 1.000000e+00 : f32
      %broadcast_in_dim3A_209 = vector.broadcast %broadcast_in_dim3A_208 : f32 to vector<16xf32>
      %broadcast_in_dim3A_210 = arith.constant 1.000000e+00 : f32
      %broadcast_in_dim3A_211 = vector.broadcast %broadcast_in_dim3A_210 : f32 to vector<16xf32>
      %broadcast_in_dim3A_212 = arith.constant 1.000000e+00 : f32
      %broadcast_in_dim3A_213 = vector.broadcast %broadcast_in_dim3A_212 : f32 to vector<16xf32>
      %broadcast_in_dim3A_214 = arith.constant 0 : i32
      %broadcast_in_dim3A_215 = vector.broadcast %broadcast_in_dim3A_214 : i32 to vector<16xi32>
      %broadcast_in_dim3A_216 = arith.constant 0 : i32
      %broadcast_in_dim3A_217 = vector.broadcast %broadcast_in_dim3A_216 : i32 to vector<16xi32>
      %broadcast_in_dim3A_218 = arith.constant 0 : i32
      %broadcast_in_dim3A_219 = vector.broadcast %broadcast_in_dim3A_218 : i32 to vector<16xi32>
      %broadcast_in_dim3A_220 = arith.constant 0 : i32
      %broadcast_in_dim3A_221 = vector.broadcast %broadcast_in_dim3A_220 : i32 to vector<16xi32>
      %scan3A_222 = arith.constant 0 : i32
      %scan3A_223 = arith.constant 64 : i32
      %scan3A_224 = arith.addi %scan3A_222, %scan3A_223 : i32
      %scan3A_225 = arith.constant 1 : i32
      %scan3A_226:12 = scf.for %scan3A_277 = %scan3A_222 to %scan3A_224 step %scan3A_225 iter_args(%scan3A_278 = %broadcast_in_dim3A_199, %scan3A_279 = %broadcast_in_dim3A_201, %scan3A_280 = %broadcast_in_dim3A_203, %scan3A_281 = %broadcast_in_dim3A_205, %scan3A_282 = %broadcast_in_dim3A_207, %scan3A_283 = %broadcast_in_dim3A_209, %scan3A_284 = %broadcast_in_dim3A_211, %scan3A_285 = %broadcast_in_dim3A_213, %scan3A_286 = %broadcast_in_dim3A_215, %scan3A_287 = %broadcast_in_dim3A_217, %scan3A_288 = %broadcast_in_dim3A_219, %scan3A_289 = %broadcast_in_dim3A_221) -> (vector<16xf32>, vector<16xf32>, vector<16xf32>, vector<16xf32>, vector<16xf32>, vector<16xf32>, vector<16xf32>, vector<16xf32>, vector<16xi32>, vector<16xi32>, vector<16xi32>, vector<16xi32>)  : i32 {
        %broadcast_in_dim3A_290 = vector.broadcast %scan3A_277 : i32 to vector<16xi32>
        %gather3A_291 = tpu.vector_load_idx %arg13[%broadcast_in_dim3A_290] : memref<256xf32, #tpu.memory_space<vmem>>[vector<16xi32>], vector<16xf32>,
        %add3A_292 = arith.constant 64 : i32
        %add3A_293 = vector.broadcast %add3A_292 : i32 to vector<16xi32>
        %add3A_294 = arith.addi %broadcast_in_dim3A_290, %add3A_293 : vector<16xi32>
        %gather3A_295 = tpu.vector_load_idx %arg13[%add3A_294] : memref<256xf32, #tpu.memory_space<vmem>>[vector<16xi32>], vector<16xf32>,
        %add3A_296 = arith.constant 128 : i32
        %add3A_297 = vector.broadcast %add3A_296 : i32 to vector<16xi32>
        %add3A_298 = arith.addi %broadcast_in_dim3A_290, %add3A_297 : vector<16xi32>
        %gather3A_299 = tpu.vector_load_idx %arg13[%add3A_298] : memref<256xf32, #tpu.memory_space<vmem>>[vector<16xi32>], vector<16xf32>,
        %add3A_300 = arith.constant 192 : i32
        %add3A_301 = vector.broadcast %add3A_300 : i32 to vector<16xi32>
        %add3A_302 = arith.addi %broadcast_in_dim3A_290, %add3A_301 : vector<16xi32>
        %gather3A_303 = tpu.vector_load_idx %arg13[%add3A_302] : memref<256xf32, #tpu.memory_space<vmem>>[vector<16xi32>], vector<16xf32>,
        %gather3A_304 = tpu.vector_load_idx %arg14[%broadcast_in_dim3A_290] : memref<64xf32, #tpu.memory_space<vmem>>[vector<16xi32>], vector<16xf32>,
        %min3A_305 = arith.minimumf %get3A_157, %gather3A_299 : vector<16xf32>
        %max3A = arith.maximumf %get3A_125, %gather3A_291 : vector<16xf32>
        %sub3A_306 = arith.subf %min3A_305, %max3A : vector<16xf32>
        %min3A_307 = arith.minimumf %get3A_173, %gather3A_303 : vector<16xf32>
        %max3A_308 = arith.maximumf %get3A_141, %gather3A_295 : vector<16xf32>
        %sub3A_309 = arith.subf %min3A_307, %max3A_308 : vector<16xf32>
        %max3A_310 = arith.constant 0.000000e+00 : f32
        %max3A_311 = vector.broadcast %max3A_310 : f32 to vector<16xf32>
        %max3A_312 = arith.maximumf %sub3A_306, %max3A_311 : vector<16xf32>
        %max3A_313 = arith.constant 0.000000e+00 : f32
        %max3A_314 = vector.broadcast %max3A_313 : f32 to vector<16xf32>
        %max3A_315 = arith.maximumf %sub3A_309, %max3A_314 : vector<16xf32>
        %mul3A_316 = arith.mulf %max3A_312, %max3A_315 : vector<16xf32>
        %add3A_317 = arith.addf %mul3A_188, %gather3A_304 : vector<16xf32>
        %sub3A_318 = arith.subf %add3A_317, %mul3A_316 : vector<16xf32>
        %max3A_319 = arith.constant 9.99999993E-9 : f32
        %max3A_320 = vector.broadcast %max3A_319 : f32 to vector<16xf32>
        %max3A_321 = arith.maximumf %sub3A_318, %max3A_320 : vector<16xf32>
        %mul3A_322 = arith.mulf %mul3A_316, %scan3A_282 : vector<16xf32>
        %mul3A_323 = arith.mulf %scan3A_278, %max3A_321 : vector<16xf32>
        %gt3A = arith.cmpf ogt, %mul3A_322, %mul3A_323 : vector<16xf32>
        %select_n3A_324 = arith.select %gt3A, %mul3A_316, %scan3A_278 : vector<16xi1>, vector<16xf32>
        %select_n3A_325 = arith.select %gt3A, %max3A_321, %scan3A_282 : vector<16xi1>, vector<16xf32>
        %select_n3A_326 = arith.select %gt3A, %broadcast_in_dim3A_290, %scan3A_286 : vector<16xi1>, vector<16xi32>
        %min3A_327 = arith.minimumf %get3A_161, %gather3A_299 : vector<16xf32>
        %max3A_328 = arith.maximumf %get3A_129, %gather3A_291 : vector<16xf32>
        %sub3A_329 = arith.subf %min3A_327, %max3A_328 : vector<16xf32>
        %min3A_330 = arith.minimumf %get3A_177, %gather3A_303 : vector<16xf32>
        %max3A_331 = arith.maximumf %get3A_145, %gather3A_295 : vector<16xf32>
        %sub3A_332 = arith.subf %min3A_330, %max3A_331 : vector<16xf32>
        %max3A_333 = arith.constant 0.000000e+00 : f32
        %max3A_334 = vector.broadcast %max3A_333 : f32 to vector<16xf32>
        %max3A_335 = arith.maximumf %sub3A_329, %max3A_334 : vector<16xf32>
        %max3A_336 = arith.constant 0.000000e+00 : f32
        %max3A_337 = vector.broadcast %max3A_336 : f32 to vector<16xf32>
        %max3A_338 = arith.maximumf %sub3A_332, %max3A_337 : vector<16xf32>
        %mul3A_339 = arith.mulf %max3A_335, %max3A_338 : vector<16xf32>
        %add3A_340 = arith.addf %mul3A_191, %gather3A_304 : vector<16xf32>
        %sub3A_341 = arith.subf %add3A_340, %mul3A_339 : vector<16xf32>
        %max3A_342 = arith.constant 9.99999993E-9 : f32
        %max3A_343 = vector.broadcast %max3A_342 : f32 to vector<16xf32>
        %max3A_344 = arith.maximumf %sub3A_341, %max3A_343 : vector<16xf32>
        %mul3A_345 = arith.mulf %mul3A_339, %scan3A_283 : vector<16xf32>
        %mul3A_346 = arith.mulf %scan3A_279, %max3A_344 : vector<16xf32>
        %gt3A_347 = arith.cmpf ogt, %mul3A_345, %mul3A_346 : vector<16xf32>
        %select_n3A_348 = arith.select %gt3A_347, %mul3A_339, %scan3A_279 : vector<16xi1>, vector<16xf32>
        %select_n3A_349 = arith.select %gt3A_347, %max3A_344, %scan3A_283 : vector<16xi1>, vector<16xf32>
        %select_n3A_350 = arith.select %gt3A_347, %broadcast_in_dim3A_290, %scan3A_287 : vector<16xi1>, vector<16xi32>
        %min3A_351 = arith.minimumf %get3A_165, %gather3A_299 : vector<16xf32>
        %max3A_352 = arith.maximumf %get3A_133, %gather3A_291 : vector<16xf32>
        %sub3A_353 = arith.subf %min3A_351, %max3A_352 : vector<16xf32>
        %min3A_354 = arith.minimumf %get3A_181, %gather3A_303 : vector<16xf32>
        %max3A_355 = arith.maximumf %get3A_149, %gather3A_295 : vector<16xf32>
        %sub3A_356 = arith.subf %min3A_354, %max3A_355 : vector<16xf32>
        %max3A_357 = arith.constant 0.000000e+00 : f32
        %max3A_358 = vector.broadcast %max3A_357 : f32 to vector<16xf32>
        %max3A_359 = arith.maximumf %sub3A_353, %max3A_358 : vector<16xf32>
        %max3A_360 = arith.constant 0.000000e+00 : f32
        %max3A_361 = vector.broadcast %max3A_360 : f32 to vector<16xf32>
        %max3A_362 = arith.maximumf %sub3A_356, %max3A_361 : vector<16xf32>
        %mul3A_363 = arith.mulf %max3A_359, %max3A_362 : vector<16xf32>
        %add3A_364 = arith.addf %mul3A_194, %gather3A_304 : vector<16xf32>
        %sub3A_365 = arith.subf %add3A_364, %mul3A_363 : vector<16xf32>
        %max3A_366 = arith.constant 9.99999993E-9 : f32
        %max3A_367 = vector.broadcast %max3A_366 : f32 to vector<16xf32>
        %max3A_368 = arith.maximumf %sub3A_365, %max3A_367 : vector<16xf32>
        %mul3A_369 = arith.mulf %mul3A_363, %scan3A_284 : vector<16xf32>
        %mul3A_370 = arith.mulf %scan3A_280, %max3A_368 : vector<16xf32>
        %gt3A_371 = arith.cmpf ogt, %mul3A_369, %mul3A_370 : vector<16xf32>
        %select_n3A_372 = arith.select %gt3A_371, %mul3A_363, %scan3A_280 : vector<16xi1>, vector<16xf32>
        %select_n3A_373 = arith.select %gt3A_371, %max3A_368, %scan3A_284 : vector<16xi1>, vector<16xf32>
        %select_n3A_374 = arith.select %gt3A_371, %broadcast_in_dim3A_290, %scan3A_288 : vector<16xi1>, vector<16xi32>
        %min3A_375 = arith.minimumf %get3A_169, %gather3A_299 : vector<16xf32>
        %max3A_376 = arith.maximumf %get3A_137, %gather3A_291 : vector<16xf32>
        %sub3A_377 = arith.subf %min3A_375, %max3A_376 : vector<16xf32>
        %min3A_378 = arith.minimumf %get3A_185, %gather3A_303 : vector<16xf32>
        %max3A_379 = arith.maximumf %get3A_153, %gather3A_295 : vector<16xf32>
        %sub3A_380 = arith.subf %min3A_378, %max3A_379 : vector<16xf32>
        %max3A_381 = arith.constant 0.000000e+00 : f32
        %max3A_382 = vector.broadcast %max3A_381 : f32 to vector<16xf32>
        %max3A_383 = arith.maximumf %sub3A_377, %max3A_382 : vector<16xf32>
        %max3A_384 = arith.constant 0.000000e+00 : f32
        %max3A_385 = vector.broadcast %max3A_384 : f32 to vector<16xf32>
        %max3A_386 = arith.maximumf %sub3A_380, %max3A_385 : vector<16xf32>
        %mul3A_387 = arith.mulf %max3A_383, %max3A_386 : vector<16xf32>
        %add3A_388 = arith.addf %mul3A_197, %gather3A_304 : vector<16xf32>
        %sub3A_389 = arith.subf %add3A_388, %mul3A_387 : vector<16xf32>
        %max3A_390 = arith.constant 9.99999993E-9 : f32
        %max3A_391 = vector.broadcast %max3A_390 : f32 to vector<16xf32>
        %max3A_392 = arith.maximumf %sub3A_389, %max3A_391 : vector<16xf32>
        %mul3A_393 = arith.mulf %mul3A_387, %scan3A_285 : vector<16xf32>
        %mul3A_394 = arith.mulf %scan3A_281, %max3A_392 : vector<16xf32>
        %gt3A_395 = arith.cmpf ogt, %mul3A_393, %mul3A_394 : vector<16xf32>
        %select_n3A_396 = arith.select %gt3A_395, %mul3A_387, %scan3A_281 : vector<16xi1>, vector<16xf32>
        %select_n3A_397 = arith.select %gt3A_395, %max3A_392, %scan3A_285 : vector<16xi1>, vector<16xf32>
        %select_n3A_398 = arith.select %gt3A_395, %broadcast_in_dim3A_290, %scan3A_289 : vector<16xi1>, vector<16xi32>
        scf.yield %select_n3A_324, %select_n3A_348, %select_n3A_372, %select_n3A_396, %select_n3A_325, %select_n3A_349, %select_n3A_373, %select_n3A_397, %select_n3A_326, %select_n3A_350, %select_n3A_374, %select_n3A_398 : vector<16xf32>, vector<16xf32>, vector<16xf32>, vector<16xf32>, vector<16xf32>, vector<16xf32>, vector<16xf32>, vector<16xf32>, vector<16xi32>, vector<16xi32>, vector<16xi32>, vector<16xi32>
      }
      %scan3A_227 = arith.constant 64 : i32
      %add3A_228 = arith.constant 0 : i32
      %add3A_229 = arith.addi %mul3A_121, %add3A_228 : i32
      %swap3A_230 = arith.index_cast %add3A_229 : i32 to index
      %swap3A_231 = tpu.vector_load %arg15[%swap3A_230] {strides = array<i32>} : memref<640xf32, #tpu.memory_space<vmem>>, vector<16xf32>,
      tpu.vector_store %arg15[%swap3A_230], %scan3A_226#0 {strides = array<i32>} : memref<640xf32, #tpu.memory_space<vmem>>, vector<16xf32>,
      %add3A_232 = arith.constant 0 : i32
      %add3A_233 = arith.addi %mul3A_121, %add3A_232 : i32
      %swap3A_234 = arith.index_cast %add3A_233 : i32 to index
      %swap3A_235 = tpu.vector_load %arg16[%swap3A_234] {strides = array<i32>} : memref<640xf32, #tpu.memory_space<vmem>>, vector<16xf32>,
      tpu.vector_store %arg16[%swap3A_234], %scan3A_226#4 {strides = array<i32>} : memref<640xf32, #tpu.memory_space<vmem>>, vector<16xf32>,
      %add3A_236 = arith.constant 0 : i32
      %add3A_237 = arith.addi %mul3A_121, %add3A_236 : i32
      %swap3A_238 = arith.index_cast %add3A_237 : i32 to index
      %swap3A_239 = tpu.vector_load %arg17[%swap3A_238] {strides = array<i32>} : memref<640xi32, #tpu.memory_space<vmem>>, vector<16xi32>,
      tpu.vector_store %arg17[%swap3A_238], %scan3A_226#8 {strides = array<i32>} : memref<640xi32, #tpu.memory_space<vmem>>, vector<16xi32>,
      %add3A_240 = arith.constant 16 : i32
      %add3A_241 = arith.addi %mul3A_121, %add3A_240 : i32
      %swap3A_242 = arith.index_cast %add3A_241 : i32 to index
      %swap3A_243 = tpu.vector_load %arg15[%swap3A_242] {strides = array<i32>} : memref<640xf32, #tpu.memory_space<vmem>>, vector<16xf32>,
      tpu.vector_store %arg15[%swap3A_242], %scan3A_226#1 {strides = array<i32>} : memref<640xf32, #tpu.memory_space<vmem>>, vector<16xf32>,
      %add3A_244 = arith.constant 16 : i32
      %add3A_245 = arith.addi %mul3A_121, %add3A_244 : i32
      %swap3A_246 = arith.index_cast %add3A_245 : i32 to index
      %swap3A_247 = tpu.vector_load %arg16[%swap3A_246] {strides = array<i32>} : memref<640xf32, #tpu.memory_space<vmem>>, vector<16xf32>,
      tpu.vector_store %arg16[%swap3A_246], %scan3A_226#5 {strides = array<i32>} : memref<640xf32, #tpu.memory_space<vmem>>, vector<16xf32>,
      %add3A_248 = arith.constant 16 : i32
      %add3A_249 = arith.addi %mul3A_121, %add3A_248 : i32
      %swap3A_250 = arith.index_cast %add3A_249 : i32 to index
      %swap3A_251 = tpu.vector_load %arg17[%swap3A_250] {strides = array<i32>} : memref<640xi32, #tpu.memory_space<vmem>>, vector<16xi32>,
      tpu.vector_store %arg17[%swap3A_250], %scan3A_226#9 {strides = array<i32>} : memref<640xi32, #tpu.memory_space<vmem>>, vector<16xi32>,
      %add3A_252 = arith.constant 32 : i32
      %add3A_253 = arith.addi %mul3A_121, %add3A_252 : i32
      %swap3A_254 = arith.index_cast %add3A_253 : i32 to index
      %swap3A_255 = tpu.vector_load %arg15[%swap3A_254] {strides = array<i32>} : memref<640xf32, #tpu.memory_space<vmem>>, vector<16xf32>,
      tpu.vector_store %arg15[%swap3A_254], %scan3A_226#2 {strides = array<i32>} : memref<640xf32, #tpu.memory_space<vmem>>, vector<16xf32>,
      %add3A_256 = arith.constant 32 : i32
      %add3A_257 = arith.addi %mul3A_121, %add3A_256 : i32
      %swap3A_258 = arith.index_cast %add3A_257 : i32 to index
      %swap3A_259 = tpu.vector_load %arg16[%swap3A_258] {strides = array<i32>} : memref<640xf32, #tpu.memory_space<vmem>>, vector<16xf32>,
      tpu.vector_store %arg16[%swap3A_258], %scan3A_226#6 {strides = array<i32>} : memref<640xf32, #tpu.memory_space<vmem>>, vector<16xf32>,
      %add3A_260 = arith.constant 32 : i32
      %add3A_261 = arith.addi %mul3A_121, %add3A_260 : i32
      %swap3A_262 = arith.index_cast %add3A_261 : i32 to index
      %swap3A_263 = tpu.vector_load %arg17[%swap3A_262] {strides = array<i32>} : memref<640xi32, #tpu.memory_space<vmem>>, vector<16xi32>,
      tpu.vector_store %arg17[%swap3A_262], %scan3A_226#10 {strides = array<i32>} : memref<640xi32, #tpu.memory_space<vmem>>, vector<16xi32>,
      %add3A_264 = arith.constant 48 : i32
      %add3A_265 = arith.addi %mul3A_121, %add3A_264 : i32
      %swap3A_266 = arith.index_cast %add3A_265 : i32 to index
      %swap3A_267 = tpu.vector_load %arg15[%swap3A_266] {strides = array<i32>} : memref<640xf32, #tpu.memory_space<vmem>>, vector<16xf32>,
      tpu.vector_store %arg15[%swap3A_266], %scan3A_226#3 {strides = array<i32>} : memref<640xf32, #tpu.memory_space<vmem>>, vector<16xf32>,
      %add3A_268 = arith.constant 48 : i32
      %add3A_269 = arith.addi %mul3A_121, %add3A_268 : i32
      %swap3A_270 = arith.index_cast %add3A_269 : i32 to index
      %swap3A_271 = tpu.vector_load %arg16[%swap3A_270] {strides = array<i32>} : memref<640xf32, #tpu.memory_space<vmem>>, vector<16xf32>,
      tpu.vector_store %arg16[%swap3A_270], %scan3A_226#7 {strides = array<i32>} : memref<640xf32, #tpu.memory_space<vmem>>, vector<16xf32>,
      %add3A_272 = arith.constant 48 : i32
      %add3A_273 = arith.addi %mul3A_121, %add3A_272 : i32
      %swap3A_274 = arith.index_cast %add3A_273 : i32 to index
      %swap3A_275 = tpu.vector_load %arg17[%swap3A_274] {strides = array<i32>} : memref<640xi32, #tpu.memory_space<vmem>>, vector<16xi32>,
      tpu.vector_store %arg17[%swap3A_274], %scan3A_226#11 {strides = array<i32>} : memref<640xi32, #tpu.memory_space<vmem>>, vector<16xi32>,
      %scan3A_276 = arith.constant 0 : i32
      scf.yield %scan3A_276 : i32
    }
    %scan3A_57 = arith.constant 10 : i32
    %broadcast_in_dim3A = arith.constant 0 : i32
    %broadcast_in_dim3A_58 = vector.broadcast %broadcast_in_dim3A : i32 to vector<16xi32>
    %broadcast_in_dim3A_59 = arith.constant 0.000000e+00 : f32
    %broadcast_in_dim3A_60 = vector.broadcast %broadcast_in_dim3A_59 : f32 to vector<16xf32>
    %swap3A_61 = arith.constant 0 : index
    %swap3A_62 = tpu.vector_load %arg18[%swap3A_61] {strides = array<i32>} : memref<64xi32, #tpu.memory_space<vmem>>, vector<16xi32>,
    tpu.vector_store %arg18[%swap3A_61], %broadcast_in_dim3A_58 {strides = array<i32>} : memref<64xi32, #tpu.memory_space<vmem>>, vector<16xi32>,
    %swap3A_63 = arith.constant 16 : index
    %swap3A_64 = tpu.vector_load %arg18[%swap3A_63] {strides = array<i32>} : memref<64xi32, #tpu.memory_space<vmem>>, vector<16xi32>,
    tpu.vector_store %arg18[%swap3A_63], %broadcast_in_dim3A_58 {strides = array<i32>} : memref<64xi32, #tpu.memory_space<vmem>>, vector<16xi32>,
    %swap3A_65 = arith.constant 32 : index
    %swap3A_66 = tpu.vector_load %arg18[%swap3A_65] {strides = array<i32>} : memref<64xi32, #tpu.memory_space<vmem>>, vector<16xi32>,
    tpu.vector_store %arg18[%swap3A_65], %broadcast_in_dim3A_58 {strides = array<i32>} : memref<64xi32, #tpu.memory_space<vmem>>, vector<16xi32>,
    %swap3A_67 = arith.constant 48 : index
    %swap3A_68 = tpu.vector_load %arg18[%swap3A_67] {strides = array<i32>} : memref<64xi32, #tpu.memory_space<vmem>>, vector<16xi32>,
    tpu.vector_store %arg18[%swap3A_67], %broadcast_in_dim3A_58 {strides = array<i32>} : memref<64xi32, #tpu.memory_space<vmem>>, vector<16xi32>,
    %scan3A_69 = arith.constant 0 : i32
    %scan3A_70 = arith.constant 40 : i32
    %scan3A_71 = arith.addi %scan3A_69, %scan3A_70 : i32
    %scan3A_72 = arith.constant 1 : i32
    %scan3A_73:2 = scf.for %scan3A_118 = %scan3A_69 to %scan3A_71 step %scan3A_72 iter_args(%scan3A_119 = %broadcast_in_dim3A_58, %scan3A_120 = %broadcast_in_dim3A_58) -> (vector<16xi32>, vector<16xi32>)  : i32 {
      %mul3A_121 = arith.constant 16 : i32
      %mul3A_122 = arith.muli %scan3A_118, %mul3A_121 : i32
      %add3A_123 = arith.addi %mul3A_2, %mul3A_122 : i32
      %add3A_124 = vector.broadcast %add3A_123 : i32 to vector<16xi32>
      %add3A_125 = arith.addi %add3A_124, %iota3A : vector<16xi32>
      %lt3A = arith.constant 20000 : i32
      %lt3A_126 = vector.broadcast %lt3A : i32 to vector<16xi32>
      %lt3A_127 = arith.cmpi slt, %add3A_125, %lt3A_126 : vector<16xi32>
      %get3A_128 = arith.index_cast %mul3A_122 : i32 to index
      %get3A_129 = tpu.vector_load %arg15[%get3A_128] {strides = array<i32>} : memref<640xf32, #tpu.memory_space<vmem>>, vector<16xf32>,
      %get3A_130 = arith.index_cast %mul3A_122 : i32 to index
      %get3A_131 = tpu.vector_load %arg16[%get3A_130] {strides = array<i32>} : memref<640xf32, #tpu.memory_space<vmem>>, vector<16xf32>,
      %get3A_132 = arith.index_cast %mul3A_122 : i32 to index
      %get3A_133 = tpu.vector_load %arg17[%get3A_132] {strides = array<i32>} : memref<640xi32, #tpu.memory_space<vmem>>, vector<16xi32>,
      %get3A_134 = arith.index_cast %mul3A_122 : i32 to index
      %get3A_135 = tpu.vector_load %arg9[%get3A_134] {strides = array<i32>} : memref<640xf32, #tpu.memory_space<vmem>>, vector<16xf32>,
      %get3A_136 = arith.index_cast %mul3A_122 : i32 to index
      %get3A_137 = tpu.vector_load %arg10[%get3A_136] {strides = array<i32>} : memref<640xf32, #tpu.memory_space<vmem>>, vector<16xf32>,
      %get3A_138 = arith.index_cast %mul3A_122 : i32 to index
      %get3A_139 = tpu.vector_load %arg11[%get3A_138] {strides = array<i32>} : memref<640xf32, #tpu.memory_space<vmem>>, vector<16xf32>,
      %get3A_140 = arith.index_cast %mul3A_122 : i32 to index
      %get3A_141 = tpu.vector_load %arg12[%get3A_140] {strides = array<i32>} : memref<640xf32, #tpu.memory_space<vmem>>, vector<16xf32>,
      %add3A_142 = arith.addf %get3A_129, %get3A_129 : vector<16xf32>
      %gt3A = arith.cmpf ogt, %add3A_142, %get3A_131 : vector<16xf32>
      %and3A = arith.andi %gt3A, %lt3A_127 : vector<16xi1>
      %lt3A_143 = arith.cmpf olt, %add3A_142, %get3A_131 : vector<16xf32>
      %and3A_144 = arith.andi %lt3A_143, %lt3A_127 : vector<16xi1>
      %convert_element_type3A = arith.extui %and3A : vector<16xi1> to vector<16xi32>
      %broadcast_in_dim3A_145 = arith.constant true
      %broadcast_in_dim3A_146 = vector.broadcast %broadcast_in_dim3A_145 : i1 to vector<16xi1>
      %masked_cumsum3A = tpu.scan <sum>, %convert_element_type3A masked %broadcast_in_dim3A_146 : vector<16xi32>, vector<16xi1> -> vector<16xi32>
      %sub3A_147 = arith.constant 1 : i32
      %sub3A_148 = vector.broadcast %sub3A_147 : i32 to vector<16xi32>
      %sub3A_149 = arith.subi %masked_cumsum3A, %sub3A_148 : vector<16xi32>
      %add3A_150 = arith.addi %sub3A_149, %scan3A_119 : vector<16xi32>
      %lt3A_151 = arith.constant 32 : i32
      %lt3A_152 = vector.broadcast %lt3A_151 : i32 to vector<16xi32>
      %lt3A_153 = arith.cmpi slt, %add3A_150, %lt3A_152 : vector<16xi32>
      %and3A_154 = arith.andi %and3A, %lt3A_153 : vector<16xi1>
      %add3A_155 = arith.constant 16 : i32
      %add3A_156 = vector.broadcast %add3A_155 : i32 to vector<16xi32>
      %add3A_157 = arith.addi %add3A_150, %add3A_156 : vector<16xi32>
      tpu.vector_store_idx %arg18[%add3A_157], %get3A_133 masked %and3A_154 : memref<64xi32, #tpu.memory_space<vmem>>[vector<16xi32>], vector<16xi32>, vector<16xi1>
      tpu.vector_store_idx %arg19[%add3A_150], %get3A_135 masked %and3A_154 : memref<528xf32, #tpu.memory_space<vmem>>[vector<16xi32>], vector<16xf32>, vector<16xi1>
      %add3A_158 = arith.constant 32 : i32
      %add3A_159 = vector.broadcast %add3A_158 : i32 to vector<16xi32>
      %add3A_160 = arith.addi %add3A_150, %add3A_159 : vector<16xi32>
      tpu.vector_store_idx %arg19[%add3A_160], %get3A_137 masked %and3A_154 : memref<528xf32, #tpu.memory_space<vmem>>[vector<16xi32>], vector<16xf32>, vector<16xi1>
      %add3A_161 = arith.constant 64 : i32
      %add3A_162 = vector.broadcast %add3A_161 : i32 to vector<16xi32>
      %add3A_163 = arith.addi %add3A_150, %add3A_162 : vector<16xi32>
      tpu.vector_store_idx %arg19[%add3A_163], %get3A_139 masked %and3A_154 : memref<528xf32, #tpu.memory_space<vmem>>[vector<16xi32>], vector<16xf32>, vector<16xi1>
      %add3A_164 = arith.constant 96 : i32
      %add3A_165 = vector.broadcast %add3A_164 : i32 to vector<16xi32>
      %add3A_166 = arith.addi %add3A_150, %add3A_165 : vector<16xi32>
      tpu.vector_store_idx %arg19[%add3A_166], %get3A_141 masked %and3A_154 : memref<528xf32, #tpu.memory_space<vmem>>[vector<16xi32>], vector<16xf32>, vector<16xi1>
      %convert_element_type3A_167 = arith.extui %and3A_144 : vector<16xi1> to vector<16xi32>
      %broadcast_in_dim3A_168 = arith.constant true
      %broadcast_in_dim3A_169 = vector.broadcast %broadcast_in_dim3A_168 : i1 to vector<16xi1>
      %masked_cumsum3A_170 = tpu.scan <sum>, %convert_element_type3A_167 masked %broadcast_in_dim3A_169 : vector<16xi32>, vector<16xi1> -> vector<16xi32>
      %sub3A_171 = arith.constant 1 : i32
      %sub3A_172 = vector.broadcast %sub3A_171 : i32 to vector<16xi32>
      %sub3A_173 = arith.subi %masked_cumsum3A_170, %sub3A_172 : vector<16xi32>
      %add3A_174 = arith.addi %sub3A_173, %scan3A_120 : vector<16xi32>
      %lt3A_175 = arith.constant 96 : i32
      %lt3A_176 = vector.broadcast %lt3A_175 : i32 to vector<16xi32>
      %lt3A_177 = arith.cmpi slt, %add3A_174, %lt3A_176 : vector<16xi32>
      %and3A_178 = arith.andi %and3A_144, %lt3A_177 : vector<16xi1>
      %add3A_179 = arith.constant 128 : i32
      %add3A_180 = vector.broadcast %add3A_179 : i32 to vector<16xi32>
      %add3A_181 = arith.addi %add3A_174, %add3A_180 : vector<16xi32>
      tpu.vector_store_idx %arg19[%add3A_181], %get3A_135 masked %and3A_178 : memref<528xf32, #tpu.memory_space<vmem>>[vector<16xi32>], vector<16xf32>, vector<16xi1>
      %add3A_182 = arith.constant 128 : i32
      %add3A_183 = vector.broadcast %add3A_182 : i32 to vector<16xi32>
      %add3A_184 = arith.addi %add3A_174, %add3A_183 : vector<16xi32>
      %add3A_185 = arith.constant 96 : i32
      %add3A_186 = vector.broadcast %add3A_185 : i32 to vector<16xi32>
      %add3A_187 = arith.addi %add3A_184, %add3A_186 : vector<16xi32>
      tpu.vector_store_idx %arg19[%add3A_187], %get3A_137 masked %and3A_178 : memref<528xf32, #tpu.memory_space<vmem>>[vector<16xi32>], vector<16xf32>, vector<16xi1>
      %add3A_188 = arith.constant 128 : i32
      %add3A_189 = vector.broadcast %add3A_188 : i32 to vector<16xi32>
      %add3A_190 = arith.addi %add3A_174, %add3A_189 : vector<16xi32>
      %add3A_191 = arith.constant 192 : i32
      %add3A_192 = vector.broadcast %add3A_191 : i32 to vector<16xi32>
      %add3A_193 = arith.addi %add3A_190, %add3A_192 : vector<16xi32>
      tpu.vector_store_idx %arg19[%add3A_193], %get3A_139 masked %and3A_178 : memref<528xf32, #tpu.memory_space<vmem>>[vector<16xi32>], vector<16xf32>, vector<16xi1>
      %add3A_194 = arith.constant 128 : i32
      %add3A_195 = vector.broadcast %add3A_194 : i32 to vector<16xi32>
      %add3A_196 = arith.addi %add3A_174, %add3A_195 : vector<16xi32>
      %add3A_197 = arith.constant 288 : i32
      %add3A_198 = vector.broadcast %add3A_197 : i32 to vector<16xi32>
      %add3A_199 = arith.addi %add3A_196, %add3A_198 : vector<16xi32>
      tpu.vector_store_idx %arg19[%add3A_199], %get3A_141 masked %and3A_178 : memref<528xf32, #tpu.memory_space<vmem>>[vector<16xi32>], vector<16xf32>, vector<16xi1>
      %all_reduce_population_count3A = tpu.all_reduce %and3A {dim = 0 : i64, kind = #tpu.reduction_kind<sum>} : vector<16xi1> -> vector<16xi32>
      %add3A_200 = arith.addi %scan3A_119, %all_reduce_population_count3A : vector<16xi32>
      %all_reduce_population_count3A_201 = tpu.all_reduce %and3A_144 {dim = 0 : i64, kind = #tpu.reduction_kind<sum>} : vector<16xi1> -> vector<16xi32>
      %add3A_202 = arith.addi %scan3A_120, %all_reduce_population_count3A_201 : vector<16xi32>
      scf.yield %add3A_200, %add3A_202 : vector<16xi32>, vector<16xi32>
    }
    %scan3A_74 = arith.constant 40 : i32
    %min3A = arith.constant 32 : i32
    %min3A_75 = vector.broadcast %min3A : i32 to vector<16xi32>
    %min3A_76 = arith.minsi %scan3A_73#0, %min3A_75 : vector<16xi32>
    %min3A_77 = arith.constant 96 : i32
    %min3A_78 = vector.broadcast %min3A_77 : i32 to vector<16xi32>
    %min3A_79 = arith.minsi %scan3A_73#1, %min3A_78 : vector<16xi32>
    %gather3A = tpu.vector_load_idx %arg17[%broadcast_in_dim3A_58] : memref<640xi32, #tpu.memory_space<vmem>>[vector<16xi32>], vector<16xi32>,
    %eq3A = arith.constant 0 : i32
    %eq3A_80 = vector.broadcast %eq3A : i32 to vector<16xi32>
    %eq3A_81 = arith.cmpi eq, %iota3A, %eq3A_80 : vector<16xi32>
    %eq3A_82 = arith.constant 1 : i32
    %eq3A_83 = vector.broadcast %eq3A_82 : i32 to vector<16xi32>
    %eq3A_84 = arith.cmpi eq, %iota3A, %eq3A_83 : vector<16xi32>
    %eq3A_85 = arith.constant 2 : i32
    %eq3A_86 = vector.broadcast %eq3A_85 : i32 to vector<16xi32>
    %eq3A_87 = arith.cmpi eq, %iota3A, %eq3A_86 : vector<16xi32>
    %select_n3A = arith.select %eq3A_87, %gather3A, %broadcast_in_dim3A_58 : vector<16xi1>, vector<16xi32>
    %select_n3A_88 = arith.select %eq3A_84, %min3A_79, %select_n3A : vector<16xi1>, vector<16xi32>
    %select_n3A_89 = arith.select %eq3A_81, %min3A_76, %select_n3A_88 : vector<16xi1>, vector<16xi32>
    %swap3A_90 = arith.constant 0 : index
    %swap3A_91 = tpu.vector_load %arg18[%swap3A_90] {strides = array<i32>} : memref<64xi32, #tpu.memory_space<vmem>>, vector<16xi32>,
    tpu.vector_store %arg18[%swap3A_90], %select_n3A_89 {strides = array<i32>} : memref<64xi32, #tpu.memory_space<vmem>>, vector<16xi32>,
    %gather3A_92 = tpu.vector_load_idx %arg9[%broadcast_in_dim3A_58] : memref<640xf32, #tpu.memory_space<vmem>>[vector<16xi32>], vector<16xf32>,
    %gather3A_93 = tpu.vector_load_idx %arg10[%broadcast_in_dim3A_58] : memref<640xf32, #tpu.memory_space<vmem>>[vector<16xi32>], vector<16xf32>,
    %gather3A_94 = tpu.vector_load_idx %arg11[%broadcast_in_dim3A_58] : memref<640xf32, #tpu.memory_space<vmem>>[vector<16xi32>], vector<16xf32>,
    %gather3A_95 = tpu.vector_load_idx %arg12[%broadcast_in_dim3A_58] : memref<640xf32, #tpu.memory_space<vmem>>[vector<16xi32>], vector<16xf32>,
    %eq3A_96 = arith.constant 0 : i32
    %eq3A_97 = vector.broadcast %eq3A_96 : i32 to vector<16xi32>
    %eq3A_98 = arith.cmpi eq, %iota3A, %eq3A_97 : vector<16xi32>
    %eq3A_99 = arith.constant 1 : i32
    %eq3A_100 = vector.broadcast %eq3A_99 : i32 to vector<16xi32>
    %eq3A_101 = arith.cmpi eq, %iota3A, %eq3A_100 : vector<16xi32>
    %eq3A_102 = arith.constant 2 : i32
    %eq3A_103 = vector.broadcast %eq3A_102 : i32 to vector<16xi32>
    %eq3A_104 = arith.cmpi eq, %iota3A, %eq3A_103 : vector<16xi32>
    %eq3A_105 = arith.constant 3 : i32
    %eq3A_106 = vector.broadcast %eq3A_105 : i32 to vector<16xi32>
    %eq3A_107 = arith.cmpi eq, %iota3A, %eq3A_106 : vector<16xi32>
    %select_n3A_108 = arith.select %eq3A_107, %gather3A_95, %broadcast_in_dim3A_60 : vector<16xi1>, vector<16xf32>
    %select_n3A_109 = arith.select %eq3A_104, %gather3A_94, %select_n3A_108 : vector<16xi1>, vector<16xf32>
    %select_n3A_110 = arith.select %eq3A_101, %gather3A_93, %select_n3A_109 : vector<16xi1>, vector<16xf32>
    %select_n3A_111 = arith.select %eq3A_98, %gather3A_92, %select_n3A_110 : vector<16xi1>, vector<16xf32>
    %swap3A_112 = arith.constant 512 : index
    %swap3A_113 = tpu.vector_load %arg19[%swap3A_112] {strides = array<i32>} : memref<528xf32, #tpu.memory_space<vmem>>, vector<16xf32>,
    tpu.vector_store %arg19[%swap3A_112], %select_n3A_111 {strides = array<i32>} : memref<528xf32, #tpu.memory_space<vmem>>, vector<16xf32>,
    %mul3A_114 = arith.constant 64 : i32
    %mul3A_115 = arith.muli %add3A, %mul3A_114 : i32
    "tpu.region"() ({
      %run_scoped3A = tpu.sem_alloc : memref<!tpu.dma_semaphore, #tpu.memory_space<semaphore_mem>>
      %dma_start3A = tpu.memref_slice %arg7[%mul3A_115] : memref<2048xi32, #tpu.memory_space<hbm>> -> memref<64xi32, #tpu.memory_space<hbm>>
      %dma_start3A_118 = tpu.memref_slice %arg7[%mul3A_115] : memref<2048xi32, #tpu.memory_space<hbm>> -> memref<64xi32, #tpu.memory_space<hbm>>
      tpu.enqueue_dma source(%arg18 : memref<64xi32, #tpu.memory_space<vmem>>) target(%dma_start3A_118 : memref<64xi32, #tpu.memory_space<hbm>>) target_semaphore(%run_scoped3A : memref<!tpu.dma_semaphore, #tpu.memory_space<semaphore_mem>>)
      %dma_wait3A = tpu.memref_slice %arg7[%mul3A_115] : memref<2048xi32, #tpu.memory_space<hbm>> -> memref<64xi32, #tpu.memory_space<hbm>>
      %dma_wait3A_119 = tpu.memref_slice %arg7[%mul3A_115] : memref<2048xi32, #tpu.memory_space<hbm>> -> memref<64xi32, #tpu.memory_space<hbm>>
      tpu.wait_dma2 semaphore(%run_scoped3A : memref<!tpu.dma_semaphore, #tpu.memory_space<semaphore_mem>>) src(%arg18 : memref<64xi32, #tpu.memory_space<vmem>>) dst(%dma_wait3A_119 : memref<64xi32, #tpu.memory_space<hbm>>)
      tpu.yield
    }) : () -> ()
    %mul3A_116 = arith.constant 528 : i32
    %mul3A_117 = arith.muli %add3A, %mul3A_116 : i32
    "tpu.region"() ({
      %run_scoped3A = tpu.sem_alloc : memref<!tpu.dma_semaphore, #tpu.memory_space<semaphore_mem>>
      %dma_start3A = tpu.memref_slice %arg8[%mul3A_117] : memref<16896xf32, #tpu.memory_space<hbm>> -> memref<528xf32, #tpu.memory_space<hbm>>
      %dma_start3A_118 = tpu.memref_slice %arg8[%mul3A_117] : memref<16896xf32, #tpu.memory_space<hbm>> -> memref<528xf32, #tpu.memory_space<hbm>>
      tpu.enqueue_dma source(%arg19 : memref<528xf32, #tpu.memory_space<vmem>>) target(%dma_start3A_118 : memref<528xf32, #tpu.memory_space<hbm>>) target_semaphore(%run_scoped3A : memref<!tpu.dma_semaphore, #tpu.memory_space<semaphore_mem>>)
      %dma_wait3A = tpu.memref_slice %arg8[%mul3A_117] : memref<16896xf32, #tpu.memory_space<hbm>> -> memref<528xf32, #tpu.memory_space<hbm>>
      %dma_wait3A_119 = tpu.memref_slice %arg8[%mul3A_117] : memref<16896xf32, #tpu.memory_space<hbm>> -> memref<528xf32, #tpu.memory_space<hbm>>
      tpu.wait_dma2 semaphore(%run_scoped3A : memref<!tpu.dma_semaphore, #tpu.memory_space<semaphore_mem>>) src(%arg19 : memref<528xf32, #tpu.memory_space<vmem>>) dst(%dma_wait3A_119 : memref<528xf32, #tpu.memory_space<hbm>>)
      tpu.yield
    }) : () -> ()
    return
  }
}

</mosaic_0001>

<sc_bundles>
// kernel: kernel.4.cloned.1.call-start
scs
__scs_entry_jumppad:
0x0: {  	(pc) =	sbr.rel $0x88, $3  }
0x1: {  	(tag) =	ssettag $0x0;
	lr =	simm.s32 $0x1  }
0x2: {  	[smem:$0x3F9E] =	sst lr;
	_ =	strace $0xD0000000  }
0x3: {  	_ = 	snop  }
0x4: {  	_ = 	snop  }
0x5: {  	_ = 	snop  }
0x6: {  	_ = 	snop  }
0x7: {  	_ = 	snop  }
__scs_overlays_trampoline_lowered:
0x8: {  	[smem:$0x3FAD] =	sst s0  }
0x9: {  	[smem:$0x3FAE] =	sst s1  }
0xa: {  	[smem:$0x3FAF] =	sst s2  }
0xb: {  	[smem:$0x3FB0] =	sst s3  }
0xc: {  	[smem:$0x3FB1] =	sst s4  }
0xd: {  	[smem:$0x3FB2] =	sst s5  }
0xe: {  	[smem:$0x3FB3] =	sst s6  }
0xf: {  	[smem:$0x3FB4] =	sst s7  }
0x10: {  	[smem:$0x3FB5] =	sst s8  }
0x11: {  	[smem:$0x3FB6] =	sst s9;
	s0 =	simm.s32 @!p0 $0x0  }
0x12: {  	s1 =	sld [smem:$0x3F9C];
	s0 =	simm.s32 @p0 $0x1  }
0x13: {  	[smem:$0x3FB7] =	sst s0;
	s0 =	simm.s32 @!p1 $0x0  }
0x14: {  	s2 =	sld [smem:$0x3F9B];
	s0 =	simm.s32 @p1 $0x1  }
0x15: {  	[smem:$0x3FB8] =	sst s0;
	s0 =	simm.s32 @!p2 $0x0  }
0x16: {  	s3 =	sld [smem:$0x3FDB];
	s0 =	simm.s32 @p2 $0x1  }
0x17: {  	s4 =	simm.s32 $0x1BF5;
	[smem:$0x3FBA] =	sst s0  }
0x18: {  	s0 =	sld [smem:$0x3F9D];
	_ =	swait.ge [sflag:s4], $0x0  }
0x19: {  	s7 =	sld [smem:$0x3F9E]  }
0x1a: {  	s8 =	sadd.s32 $0xFFFFE003, lr  }
0x1b: {  	s9 =	sadd.s32 $0xFFFFFEF7, lr;
	s5 =	simm.s32 $0xFFFFFFFF;
	p2 =	slt.u32 s8, $0xFFFFF086  }
0x1c: {  	p1 =	slt.u32 s9, $0xF7A;
	s5 =	simm.s32 @!p2 $0x0  }
0x1d: {  	s5 =	simm.s32 @p1 $0x1;
	p0 =	seq.s32 s7, s2  }
0x1e: {  	s7 =	smul.u32 @!p0 $0xF7A, s2;
	p2 =	seq.s32 @!p0 s5, $0x0  }
0x1f: {  	s9 =	smul.u32 $0xF7A, s1;
	s8 =	simm.s32 @!p0 $0x1BF5;
	p2 =	por !p2, p0  }
0x20: {  	[sflag:s8] =	ssyncset.s32 @!p0 $0xFFFFF086;
	s6 =	sadd.s32 @!p0 s3, s7;
	s7 =	simm.s32 @!p0 $0x108  }
0x21: {  	s3 =	sadd.s32 s3, s9;
	s6 =	sadd.s32 @!p0 $0x88, s6;
	s7 =	simm.s32 @p2 $0x1082  }
0x22: {  	[simem:s7], [sflag:s8] =	dma.local @!p0 [hbm:s6], $0xF7A  }
0x23: {  	s9 =	sor.u32 $0xD0000000, s2;
	s6 =	simm.s32 $0x108;
	_ =	swait.ge @!p0 [sflag:s8], $0x0  }
0x24: {  	s3 =	sadd.s32 $0x88, s3;
	s6 =	simm.s32 @!p1 $0x1082;
	[sflag:s4] =	ssyncset.s32 $0xFFFFF086  }
0x25: {  	[simem:s6], [sflag:s4] =	dma.local [hbm:s3], $0xF7A  }
0x26: {  	[smem:$0x3F9E] =	sst s1;
	(tag) =	ssettag s2;
	_ =	strace s9  }
0x27: {  	s1 =	sld [smem:$0x3FAE]  }
0x28: {  	s2 =	sld [smem:$0x3FAF]  }
0x29: {  	s4 =	sld [smem:$0x3FB1]  }
0x2a: {  	p0 =	seq.s32 s5, $0x0;
	s5 =	sld [smem:$0x3FB2]  }
0x2b: {  	s6 =	sld [smem:$0x3FB3]  }
0x2c: {  	s7 =	sld [smem:$0x3FB4]  }
0x2d: {  	s3 =	simm.s32 $0x108;
	s8 =	sld [smem:$0x3FB5]  }
0x2e: {  	s3 =	simm.s32 @!p0 $0x1082;
	s9 =	sld [smem:$0x3FB6]  }
0x2f: {  	lr =	sadd.s32 s0, s3;
	s0 =	sld [smem:$0x3FAD]  }
0x30: {  	s3 =	sld [smem:$0x3FB0]  }
0x31: {  	[smem:$0x3FB9] =	sst s10  }
0x32: {  	s10 =	sld [smem:$0x3FB7];
	_ =	sdelay $0x3  }
0x33: {  	p0 =	seq.s32 s10, $0x1;
	s10 =	sld [smem:$0x3FB9];
	_ =	sdelay $0x3  }
0x34: {  	[smem:$0x3FB9] =	sst s10  }
0x35: {  	s10 =	sld [smem:$0x3FB8];
	_ =	sdelay $0x3  }
0x36: {  	p1 =	seq.s32 s10, $0x1;
	s10 =	sld [smem:$0x3FB9];
	_ =	sdelay $0x3  }
0x37: {  	[smem:$0x3FB9] =	sst s10  }
0x38: {  	s10 =	sld [smem:$0x3FBA]  }
0x39: {  	_ = 	snop;
	(pc) =	sbr.ind lr, $3  }
0x3a: {  	_ = 	snop  }
0x3b: {  	_ = 	snop  }
0x3c: {  	p2 =	seq.s32 s10, $0x1;
	s10 =	sld [smem:$0x3FB9]  }
0x3d: {  	_ =	shalt  }
0x3e: {  	_ =	shalt  }
0x3f: {  	_ =	shalt  }
0x40: {  	_ =	shalt  }
0x41: {  	_ =	shalt  }
0x42: {  	_ =	shalt  }
0x43: {  	_ =	shalt  }
0x44: {  	_ =	shalt  }
0x45: {  	_ =	shalt  }
0x46: {  	_ =	shalt  }
0x47: {  	_ =	shalt  }
0x48: {  	_ =	shalt  }
0x49: {  	_ =	shalt  }
0x4a: {  	_ =	shalt  }
0x4b: {  	_ =	shalt  }
0x4c: {  	_ =	shalt  }
0x4d: {  	_ =	shalt  }
0x4e: {  	_ =	shalt  }
0x4f: {  	_ =	shalt  }
0x50: {  	_ =	shalt  }
0x51: {  	_ =	shalt  }
0x52: {  	_ =	shalt  }
0x53: {  	_ =	shalt  }
0x54: {  	_ =	shalt  }
0x55: {  	_ =	shalt  }
0x56: {  	_ =	shalt  }
0x57: {  	_ =	shalt  }
0x58: {  	_ =	shalt  }
0x59: {  	_ =	shalt  }
0x5a: {  	_ =	shalt  }
0x5b: {  	_ =	shalt  }
0x5c: {  	_ =	shalt  }
0x5d: {  	_ =	shalt  }
0x5e: {  	_ =	shalt  }
0x5f: {  	_ =	shalt  }
0x60: {  	_ =	shalt  }
0x61: {  	_ =	shalt  }
0x62: {  	_ =	shalt  }
0x63: {  	_ =	shalt  }
0x64: {  	_ =	shalt  }
0x65: {  	_ =	shalt  }
0x66: {  	_ =	shalt  }
0x67: {  	_ =	shalt  }
0x68: {  	_ =	shalt  }
0x69: {  	_ =	shalt  }
0x6a: {  	_ =	shalt  }
0x6b: {  	_ =	shalt  }
0x6c: {  	_ =	shalt  }
0x6d: {  	_ =	shalt  }
0x6e: {  	_ =	shalt  }
0x6f: {  	_ =	shalt  }
0x70: {  	_ =	shalt  }
0x71: {  	_ =	shalt  }
0x72: {  	_ =	shalt  }
0x73: {  	_ =	shalt  }
0x74: {  	_ =	shalt  }
0x75: {  	_ =	shalt  }
0x76: {  	_ =	shalt  }
0x77: {  	_ =	shalt  }
0x78: {  	_ =	shalt  }
0x79: {  	_ =	shalt  }
0x7a: {  	_ =	shalt  }
0x7b: {  	_ =	shalt  }
0x7c: {  	_ =	shalt  }
0x7d: {  	_ =	shalt  }
0x7e: {  	_ =	shalt  }
0x7f: {  	_ =	shalt  }
0x80: {  	_ =	shalt  }
0x81: {  	_ =	shalt  }
0x82: {  	_ =	shalt  }
0x83: {  	_ =	shalt  }
0x84: {  	_ =	shalt  }
0x85: {  	_ =	shalt  }
0x86: {  	_ =	shalt  }
0x87: {  	_ =	shalt  }
.Lfunc_end0:
.L_simem_size_0:
called_computation_lowered:
.L_overlay_start_0:
0x88: {  	s2 =	sld [smem:$0x3FD9]  }
0x89: {  	s3 =	sld [smem:$0x3FFE];
	_ =	sdelay $0x1  }
0x8a: {  	s1 =	srdreg.scid  }
0x8b: {  	s0 =	sand.u32 $0x1, s1  }
0x8c: {  	s14 =	sshll.u32 s0, $0xA;
	s2 =	sadd.s32 s3, s2  }
0x8d: {  	s2 =	sadd.s32 s2, s14  }
0x8e: {  	[smem:$0x3FC5] =	sst s2  }
0x8f: {  	_ = 	snop  }
0x90: {  	s2 =	sld [smem:$0x3FD0];
	_ =	sdelay $0x2  }
0x91: {  	s15 =	simm.s32 $0xA;
	s4 =	simm.s32 $0x10  }
0x92: {  	[smem:s4], [sflag:s15] =	dma.local [hbm:s2], $0x1  }
0x93: {  	_ =	swait.eq [sflag:s15], $0x1  }
0x94: {  	[sflag:s15] =	ssyncset.done $0x0  }
0x95: {  	s16 =	sld [smem:$0x10];
	[sflag:s15] =	ssyncadd.s32 $0xFFFFFFFF  }
0x96: {  	s17 =	sld [smem:$0x12];
	(tm) =	ssettm $0x1  }
0x97: {  	s18 =	sld [smem:$0x3FFB];
	_ =	sdelay $0x3  }
0x98: {  	_ =	strace s18  }
0x99: {  	s4 =	sld [smem:$0x3FFC];
	_ =	sdelay $0x3  }
0x9a: {  	_ =	strace s4  }
0x9b: {  	s4 =	sld [smem:$0x3FFD];
	_ =	sdelay $0x3  }
0x9c: {  	_ =	strace s4  }
0x9d: {  	_ =	strace $0x8FFFFFFF  }
0x9e: {  	s19 =	sld [smem:$0x3FDB];
	_ =	sdelay $0x1  }
0x9f: {  	s5 =	simm.s32 $_scs_section_size  }
0xa0: {  	s6 =	simm.s32 $_size__tile_overlayer_lowered;
	s7 =	simm.s32 $_tile_overlayer_lowered  }
0xa1: {  	s22 =	simm.s32 $0x1BFF;
	s21 =	sshll.u32 s7, $0x1;
	s4 =	sadd.s32 s5, s19  }
0xa2: {  	s8 =	simm.s32 $0x0;
	s20 =	sshll.u32 s6, $0x1;
	s6 =	sadd.s32 s21, s4  }
0xa3: {  	[timem:s8], [sflag:s22] =	dma.local [hbm:s6], s20  }
0xa4: {  	_ =	swait.ge [sflag:s22], s20  }
0xa5: {  	s5 =	ssub.s32 $0x0, s20;
	[sflag:s22] =	ssyncset.done $0x0  }
0xa6: {  	[sflag:s22] =	ssyncadd.s32 s5;
	_ =	sdelay $0x1  }
0xa7: {  	s23 =	simm.s32 $0x1B8B  }
0xa8: {  	_ =	swait.ge [sflag:s23], $0x1  }
0xa9: {  	[sflag:s23] =	ssyncset.done $0x0  }
0xaa: {  	s25 =	simm.s32 $0x1B8E;
	s24 =	sld [smem:$0x3FFE];
	[sflag:s23] =	ssyncadd.s32 $0xFFFFFFFF  }
0xab: {  	s26 =	simm.s32 $execute0_lowered;
	[smem:$0x3FD2] =	sst s25  }
0xac: {  	s6 =	sshll.u32 s26, $0x1;
	_ =	strace $0x80000046;
	[dreg:$0x1] =	wrdreg $0xFFFFFFFF  }
0xad: {  	s28 =	simm.s32 $_size_execute0_lowered;
	s4 =	sadd.s32 s4, s6;
	[dreg:$0x0] =	wrdreg $0x0  }
0xae: {  	s6 =	sshll.u32 s28, $0x1;
	[dreg:$0x2] =	wrdreg s4  }
0xaf: {  	[dreg:$0x3] =	wrdreg s6  }
0xb0: {  	[dreg:$0x4] =	wrdreg $0xC0  }
0xb1: {  	_ =	task [dreg:s8], $0x5FFFF  }
0xb2: {  	[dreg:$0x1] =	wrdreg $0xFFFFFFFF  }
0xb3: {  	[dreg:$0x0] =	wrdreg $0x60  }
0xb4: {  	[dreg:$0x2] =	wrdreg s24  }
0xb5: {  	[dreg:$0x3] =	wrdreg s16  }
0xb6: {  	[dreg:$0x4] =	wrdreg s17  }
0xb7: {  	[dreg:$0x5] =	wrdreg $0x9  }
0xb8: {  	_ =	task.clear_ibuf [dreg:s8], $0x6FFFF;
	_ =	strace $0x90000046  }
0xb9: {  	s29 =	simm.s32 $0x9;
	_ =	strace $0x80000048  }
0xba: {  	_ =	swait.ge [sflag:s29], $0x1  }
0xbb: {  	[sflag:s29] =	ssyncadd.s32 $0xFFFFFFFF  }
0xbc: {  	_ =	strace $0x90000048  }
0xbd: {  	_ =	sfence  }
0xbe: {  	s30 =	sld [smem:$0x0];
	_ =	sdelay $0x2  }
0xbf: {  	s31 =	sshll.u32 s1, $0xD;
	s1 =	sshrl.u32 s1, $0x2  }
0xc0: {  	s3 =	sand.u32 $0x4000, s31;
	s1 =	sadd.s32 s1, s30  }
0xc1: {  	s0 =	sor.u32 s3, s0;
	s1 =	sshll.u32 s1, $0x11  }
0xc2: {  	s0 =	sor.u32 s1, s0  }
0xc3: {  	s0 =	sadd.s32 $0x8F2B, s0  }
0xc4: {  	[sflag:s0] =	ssyncadd.remote.s32 $0x1  }
0xc5: {  	_ =	sfence.sel $0xFFFF  }
0xc6: {  	[dreg:$0x0] =	wrdreg $0xFFFFFFFF;
	(pc) =	sbr.abs _section_cstart, $3  }
0xc7: {  	[dreg:$0x1] =	wrdreg $0xFFFFFFFF  }
0xc8: {  	_ =	task.clear_ibuf [dreg:s8], $0x2FFFF;
	_ =	strace $0x9FFFFFFF  }
0xc9: {  	(tm) =	ssettm $0x7FFFFFFF  }
tec
execute0_lowered:
.L_overlay_start_1:
0x0: {  	(tag) =	ssettag $0x1  }
0x1: {  	s4 =	rddreg [dreg:$0x0]  }
0x2: {  	s1 =	srdreg.scid;
	s2 =	rddreg [dreg:$0x1]  }
0x3: {  	s0 =	stileid.u32;
	s8 =	rddreg [dreg:$0x2]  }
0x4: {  	s3 =	simm.s32 $0x0;
	s15 =	simm.s32 $0x780;
	s16 =	simm.s32 $0xA00  }
0x5: {  	s17 =	simm.s32 $0xB00;
	s18 =	simm.s32 $0x1300;
	s19 =	simm.s32 $0x1380  }
0x6: {  	s20 =	simm.s32 $0x1080;
	s21 =	simm.s32 $0x0;
	s7 =	sand.u32 $0x1, s1  }
0x7: {  	s30 =	sshll.u32 s0, $0x1;
	s1 =	rddreg [dreg:$0x3];
	s31 =	smul.u32 $0x500, s0  }
0x8: {  	[smem:$0x7FF] =	sst s3;
	s9 =	sor.u32 s7, s30;
	s14 =	smul.u32 $0x280, s7  }
0x9: {  	s10 =	ssub.s32 $0x2, s7;
	_ =	strace $0x80000047;
	s5 =	smul.u32 $0x280, s9  }
0xa: {  	s6 =	smul.u32 $0x42, s9;
	s11 =	sshrl.u32 s10, $0x1;
	s9 =	sshll.u32 s9, $0x3  }
0xb: {  	s10 =	ssub.s32 s10, s11;
	s8 =	sadd.s32 s8, s9;
	s11 =	sadd.s32 s14, s31  }
0xc: {  	s14 =	simm.s32 $0x500;
	s5 =	sshrl.u32 s5, $0x3;
	s13 =	sadd.s32 s6, s4  }
0xd: {  	s10 =	smax.u32 s10, $0x1;
	s12 =	sadd.s32 s5, s4;
	s9 =	sadd.s32 $0x4000, s13  }
0xe: {  	vm0 =	vmxor vm0, vm0;
	v0 =	vimm.s32 $0x0;
	vm1 =	vcmask $0x3F0C;
	s13 =	simm.s32 $0x280;
	s4 =	sadd.s32 $0x3600, s12;
	s5 =	sadd.s32 $0x2200, s12  }
0xf: {  	vm2 =	vcmask $0x3F08;
	vm3 =	vmmov $0x1;
	vm4 =	vcmask $0x3F10;
	s6 =	sadd.s32 $0x2C00, s12;
	s7 =	sadd.s32 $0x1800, s12;
	s12 =	simm.s32 $0x1  }
.LBB2_1:
0x10: {  	[tilespmem:s3], [sflag:$0x1] =	stream.linear.gather [hbm4b:s4+s3], $0x280, $0x38;
	[tilespmem:$0x1600] =	vst v63  }
0x11: {  	_ =	swait.ge [sflag:s12], $0x280  }
0x12: {  	[sflag:s12] =	ssyncset.done $0x0  }
0x13: {  	[sflag:s12] =	ssyncadd.s32 $0xFFFFFD80  }
0x14: {  	[tilespmem:s13], [sflag:$0x1] =	stream.linear.gather [hbm4b:s5+s3], $0x280, $0x38;
	[tilespmem:$0x1600] =	vst v63  }
0x15: {  	_ =	swait.ge [sflag:s12], $0x280  }
0x16: {  	[sflag:s12] =	ssyncset.done $0x0  }
0x17: {  	[sflag:s12] =	ssyncadd.s32 $0xFFFFFD80  }
0x18: {  	[tilespmem:s14], [sflag:$0x1] =	stream.linear.gather [hbm4b:s6+s3], $0x280, $0x38;
	[tilespmem:$0x1600] =	vst v63  }
0x19: {  	_ =	swait.ge [sflag:s12], $0x280  }
0x1a: {  	[sflag:s12] =	ssyncset.done $0x0  }
0x1b: {  	[sflag:s12] =	ssyncadd.s32 $0xFFFFFD80  }
0x1c: {  	[tilespmem:s15], [sflag:$0x1] =	stream.linear.gather [hbm4b:s7+s3], $0x280, $0x38;
	[tilespmem:$0x1600] =	vst v63  }
0x1d: {  	_ =	swait.ge [sflag:s12], $0x280  }
0x1e: {  	[sflag:s12] =	ssyncset.done $0x0  }
0x1f: {  	[sflag:s12] =	ssyncadd.s32 $0xFFFFFD80  }
0x20: {  	[tilespmem:s16], [sflag:$0x1] =	stream.linear.gather [hbm4b:s2+s3], $0x100, $0x38;
	[tilespmem:$0x1600] =	vst v63  }
0x21: {  	_ =	swait.ge [sflag:s12], $0x100  }
0x22: {  	[sflag:s12] =	ssyncset.done $0x0  }
0x23: {  	[sflag:s12] =	ssyncadd.s32 $0xFFFFFF00  }
0x24: {  	v1 =	vld [tilespmem:$0xA00]  }
0x25: {  	v2 =	vld [tilespmem:$0xA40]  }
0x26: {  	v3 =	vld [tilespmem:$0xA80]  }
0x27: {  	v4 =	vld [tilespmem:$0xAC0]  }
0x28: {  	v5 =	vld [tilespmem:$0xA10]  }
0x29: {  	v6 =	vld [tilespmem:$0xA50]  }
0x2a: {  	v7 =	vld [tilespmem:$0xA90]  }
0x2b: {  	v8 =	vld [tilespmem:$0xAD0]  }
0x2c: {  	v9 =	vld [tilespmem:$0xA20]  }
0x2d: {  	v10 =	vld [tilespmem:$0xA60]  }
0x2e: {  	v11 =	vld [tilespmem:$0xAA0]  }
0x2f: {  	v12 =	vld [tilespmem:$0xAE0]  }
0x30: {  	v13 =	vld [tilespmem:$0xA30]  }
0x31: {  	v14 =	vld [tilespmem:$0xA70]  }
0x32: {  	v15 =	vld [tilespmem:$0xAB0]  }
0x33: {  	v16 =	vld [tilespmem:$0xAF0];
	_ =	sdelay $0x1  }
0x34: {  	v1 =	vsub.f32 v3, v1;
	v2 =	vsub.f32 v4, v2  }
0x35: {  	v3 =	vsub.f32 v7, v5;
	v60 =	vsub.f32 v8, v6  }
0x36: {  	v61 =	vsub.f32 v12, v10;
	v1 =	vmul.f32 v2, v1;
	v2 =	vsub.f32 v11, v9  }
0x37: {  	v62 =	vsub.f32 v15, v13;
	v63 =	vsub.f32 v16, v14;
	v3 =	vmul.f32 v60, v3  }
0x38: {  	[tilespmem:$0xB00] =	vst v1;
	v1 =	vmul.f32 v61, v2  }
0x39: {  	[tilespmem:$0xB10] =	vst v3;
	v2 =	vmul.f32 v63, v62  }
0x3a: {  	[tilespmem:$0xB20] =	vst v1  }
0x3b: {  	s22 =	simm.s32 $0x0;
	[tilespmem:$0xB30] =	vst v2  }
.LBB2_2:
0x3c: {  	s24 =	sshll.u32 s22, $0x6  }
0x3d: {  	v24 =	vld [tilespmem:s24+$0x0]  }
0x3e: {  	v20 =	vld [tilespmem:s24+$0x10]  }
0x3f: {  	v21 =	vld [tilespmem:s24+$0x20]  }
0x40: {  	v22 =	vld [tilespmem:s24+$0x30]  }
0x41: {  	v19 =	vld [tilespmem:s24+$0x280]  }
0x42: {  	v16 =	vld [tilespmem:s24+$0x290]  }
0x43: {  	v15 =	vld [tilespmem:s24+$0x2A0]  }
0x44: {  	v10 =	vld [tilespmem:s24+$0x2B0]  }
0x45: {  	v27 =	vld [tilespmem:s24+$0x500]  }
0x46: {  	v25 =	vld [tilespmem:s24+$0x510]  }
0x47: {  	v23 =	vld [tilespmem:s24+$0x520]  }
0x48: {  	v17 =	vld [tilespmem:s24+$0x530]  }
0x49: {  	v29 =	vld [tilespmem:s24+$0x780]  }
0x4a: {  	v28 =	vld [tilespmem:s24+$0x790]  }
0x4b: {  	s23 =	simm.s32 $0x0;
	v26 =	vld [tilespmem:s24+$0x7A0]  }
0x4c: {  	v18 =	vld [tilespmem:s24+$0x7B0];
	v3 =	vmov s23  }
0x4d: {  	v8 =	vor.u32 $0x40, v3;
	v1 =	vsub.f32 v27, v24  }
0x4e: {  	v13 =	vor.u32 $0x80, v3;
	v2 =	vsub.f32 v29, v19;
	v4 =	vsub.f32 v25, v20  }
0x4f: {  	v5 =	vsub.f32 v28, v16;
	v6 =	vsub.f32 v23, v21  }
0x50: {  	v7 =	vsub.f32 v26, v15;
	v9 =	vsub.f32 v17, v22  }
0x51: {  	v11 =	vsub.f32 v18, v10;
	v33 =	vld.idx.msk [tilespmem:v3+s17+$0x0], $0xffff;
	v31 =	vmul.f32 v5, v4;
	v4 =	vor.u32 $0xC0, v3  }
0x52: {  	v12 =	vimm.f32 $-1.000000000e+00;
	v34 =	vld.idx.msk [tilespmem:v8+s16+$0x0], $0xffff;
	v8 =	vimm.f32 $-1.000000000e+00;
	v30 =	vmul.f32 v2, v1  }
0x53: {  	v35 =	vld.idx.msk [tilespmem:v13+s16+$0x0], $0xffff;
	v13 =	vimm.s32 $0x0;
	v32 =	vmul.f32 v7, v6;
	v14 =	vmul.f32 v11, v9  }
0x54: {  	v37 =	vld.idx.msk [tilespmem:v3+s16+$0x0], $0xffff;
	v11 =	vimm.f32 $1.000000000e+00;
	v9 =	vimm.s32 $0x0;
	v6 =	vimm.f32 $1.000000000e+00  }
0x55: {  	s29 =	simm.s32 $0x1;
	v2 =	vimm.f32 $1.000000000e+00;
	v5 =	vimm.f32 $-1.000000000e+00;
	v1 =	vimm.f32 $1.000000000e+00  }
0x56: {  	s28 =	sor.u32 $0x10, s24;
	s26 =	sor.u32 $0x20, s24;
	s25 =	sor.u32 $0x30, s24;
	v3 =	vimm.f32 $-1.000000000e+00;
	v7 =	vimm.s32 $0x0;
	v36 =	vld.idx.msk [tilespmem:v4+s16+$0x0], $0xffff;
	v4 =	vimm.s32 $0x0  }
.LBB2_3:
0x57: {  	v38 =	vmov s29;
	p0 =	sne.s32 s29, $0x3F  }
0x58: {  	v40 =	vadd.f32 v33, v30;
	v41 =	vadd.f32 v33, v31;
	v39 =	vor.u32 $0x40, v38  }
0x59: {  	v42 =	vmax.f32 v24, v37;
	v43 =	vadd.f32 v33, v32;
	v33 =	vadd.f32 v33, v14  }
0x5a: {  	v44 =	vmax.f32 v20, v37;
	v45 =	vmax.f32 v21, v37;
	v37 =	vmax.f32 v22, v37  }
0x5b: {  	v48 =	vmax.f32 v19, v34;
	v46 =	vmin.f32 v27, v35;
	v47 =	vmin.f32 v29, v36  }
0x5c: {  	v51 =	vmax.f32 v16, v34;
	v49 =	vmin.f32 v25, v35;
	v50 =	vmin.f32 v28, v36  }
0x5d: {  	v54 =	vmax.f32 v15, v34;
	v52 =	vmin.f32 v23, v35;
	v53 =	vmin.f32 v26, v36  }
0x5e: {  	v35 =	vmin.f32 v17, v35;
	v42 =	vsub.f32 v46, v42;
	v46 =	vsub.f32 v47, v48  }
0x5f: {  	v44 =	vsub.f32 v49, v44;
	v36 =	vmin.f32 v18, v36;
	v47 =	vsub.f32 v50, v51  }
0x60: {  	v34 =	vmax.f32 v10, v34;
	v45 =	vsub.f32 v52, v45;
	v48 =	vsub.f32 v53, v54  }
0x61: {  	v35 =	vsub.f32 v35, v37;
	v34 =	vsub.f32 v36, v34;
	v42 =	vmax.f32 v42, $0.0e+00  }
0x62: {  	v37 =	vmax.f32 v44, $0.0e+00;
	v36 =	vmax.f32 v46, $0.0e+00;
	v44 =	vmax.f32 v47, $0.0e+00  }
0x63: {  	v36 =	vmul.f32 v36, v42;
	v42 =	vmax.f32 v45, $0.0e+00;
	v45 =	vmax.f32 v48, $0.0e+00  }
0x64: {  	v35 =	vmax.f32 v35, $0.0e+00;
	v34 =	vmax.f32 v34, $0.0e+00;
	v44 =	vmul.f32 v44, v37  }
0x65: {  	v37 =	vsub.f32 v40, v36;
	v40 =	vmul.f32 v45, v42;
	v42 =	vmul.f32 v34, v35  }
0x66: {  	v35 =	vor.u32 $0x80, v38;
	v45 =	vor.u32 $0xC0, v38;
	v34 =	vsub.f32 v41, v44  }
0x67: {  	v41 =	vmax.f32 v37, $9.999999930e-09;
	v37 =	vsub.f32 v43, v40;
	v33 =	vsub.f32 v33, v42  }
0x68: {  	v43 =	vmul.f32 v36, v11;
	v47 =	vmax.f32 v34, $9.999999930e-09;
	v46 =	vmul.f32 v41, v12  }
0x69: {  	v34 =	vmul.f32 v44, v6;
	v48 =	vmul.f32 v47, v8;
	v49 =	vmax.f32 v37, $9.999999930e-09  }
0x6a: {  	v50 =	vmul.f32 v40, v2;
	v52 =	vmax.f32 v33, $9.999999930e-09;
	v51 =	vmul.f32 v49, v5  }
0x6b: {  	vm5 =	vgt.f32 v43, v46;
	v43 =	vmul.f32 v42, v1;
	v46 =	vmul.f32 v52, v3;
	v33 =	vld.idx.msk [tilespmem:v38+s17+$0x0], $0xffff  }
.Ltmp0:
0x6c: {  	vm6 =	vgt.f32 v34, v48;
	v12 =	vsel vm5, v36, v12;
	v11 =	vsel vm5, v41, v11;
	v37 =	vld.idx.msk [tilespmem:v38+s16+$0x0], $0xffff;
	(pc) =	sbr.rel @p0 .LBB2_3-.Ltmp0, $4  }
0x6d: {  	v6 =	vsel vm6, v47, v6;
	vm7 =	vgt.f32 v50, v51;
	vm8 =	vgt.f32 v43, v46;
	v34 =	vld.idx.msk [tilespmem:v39+s16+$0x0], $0xffff  }
0x6e: {  	v2 =	vsel vm7, v49, v2;
	v3 =	vsel vm8, v42, v3;
	v1 =	vsel vm8, v52, v1;
	v35 =	vld.idx.msk [tilespmem:v35+s16+$0x0], $0xffff  }
0x6f: {  	v9 =	vsel vm5, s23, v9;
	v8 =	vsel vm6, v44, v8;
	v5 =	vsel vm7, v40, v5;
	v36 =	vld.idx.msk [tilespmem:v45+s16+$0x0], $0xffff  }
0x70: {  	v13 =	vsel vm6, s23, v13;
	v7 =	vsel vm7, s23, v7;
	v4 =	vsel vm8, s23, v4;
	s23 =	smov.u32 s29;
	s29 =	sadd.s32 $0x1, s29  }
0x71: {  	v30 =	vadd.f32 v33, v30  }
0x72: {  	v31 =	vadd.f32 v33, v31;
	v24 =	vmax.f32 v24, v37;
	v32 =	vadd.f32 v33, v32  }
0x73: {  	v20 =	vmax.f32 v20, v37;
	v21 =	vmax.f32 v21, v37;
	v22 =	vmax.f32 v22, v37  }
0x74: {  	v19 =	vmax.f32 v19, v34;
	v16 =	vmax.f32 v16, v34;
	v15 =	vmax.f32 v15, v34  }
0x75: {  	v10 =	vmax.f32 v10, v34;
	v27 =	vmin.f32 v27, v35;
	v25 =	vmin.f32 v25, v35  }
0x76: {  	v23 =	vmin.f32 v23, v35;
	v17 =	vmin.f32 v17, v35;
	v29 =	vmin.f32 v29, v36  }
0x77: {  	v28 =	vmin.f32 v28, v36;
	v24 =	vsub.f32 v27, v24;
	v19 =	vsub.f32 v29, v19  }
0x78: {  	v26 =	vmin.f32 v26, v36;
	v20 =	vsub.f32 v25, v20;
	v18 =	vmin.f32 v18, v36  }
0x79: {  	v21 =	vsub.f32 v23, v21;
	v41 =	vmax.f32 v24, $0.0e+00;
	v19 =	vmax.f32 v19, $0.0e+00  }
0x7a: {  	v17 =	vsub.f32 v17, v22;
	v16 =	vsub.f32 v28, v16;
	v19 =	vmul.f32 v19, v41  }
0x7b: {  	v15 =	vsub.f32 v26, v15;
	v10 =	vsub.f32 v18, v10;
	v42 =	vmax.f32 v20, $0.0e+00  }
0x7c: {  	v43 =	vmax.f32 v21, $0.0e+00;
	v16 =	vmax.f32 v16, $0.0e+00;
	v44 =	vsub.f32 v30, v19  }
0x7d: {  	v17 =	vmax.f32 v17, $0.0e+00;
	v15 =	vmax.f32 v15, $0.0e+00;
	v16 =	vmul.f32 v16, v42  }
0x7e: {  	v10 =	vmax.f32 v10, $0.0e+00;
	v15 =	vmul.f32 v15, v43;
	v45 =	vmax.f32 v44, $9.999999930e-09  }
0x7f: {  	v46 =	vsub.f32 v31, v16;
	v47 =	vmul.f32 v19, v11;
	v48 =	vmul.f32 v45, v12  }
0x80: {  	v14 =	vadd.f32 v33, v14;
	v10 =	vmul.f32 v10, v17  }
0x81: {  	v49 =	vsub.f32 v32, v15;
	v20 =	vmax.f32 v46, $9.999999930e-09;
	vm5 =	vgt.f32 v47, v48  }
0x82: {  	v50 =	vmul.f32 v16, v6;
	v51 =	vmul.f32 v20, v8;
	v52 =	vsel vm5, v19, v12  }
0x83: {  	v14 =	vsub.f32 v14, v10;
	v53 =	vsel vm5, v45, v11;
	[tilespmem:s24+$0xB80] =	vst v52  }
0x84: {  	v54 =	vmax.f32 v49, $9.999999930e-09;
	vm6 =	vgt.f32 v50, v51;
	v9 =	vsel vm5, s23, v9;
	[tilespmem:s24+$0xE00] =	vst v53  }
0x85: {  	v55 =	vmul.f32 v15, v2;
	v17 =	vmul.f32 v54, v5;
	v56 =	vsel vm6, v16, v8;
	[tilespmem:s24+$0x1080] =	vst v9  }
0x86: {  	v57 =	vsel vm6, v20, v6;
	[tilespmem:s28+$0xB80] =	vst v56  }
0x87: {  	v58 =	vmax.f32 v14, $9.999999930e-09;
	vm5 =	vgt.f32 v55, v17;
	v59 =	vsel vm6, s23, v13;
	[tilespmem:s28+$0xE00] =	vst v57  }
0x88: {  	s22 =	sadd.s32 $0x1, s22;
	v60 =	vmul.f32 v10, v1;
	v61 =	vmul.f32 v58, v3;
	v62 =	vsel vm5, v15, v5;
	[tilespmem:s28+$0x1080] =	vst v59  }
0x89: {  	p0 =	sne.s32 s22, $0xA;
	v2 =	vsel vm5, v54, v2;
	[tilespmem:s26+$0xB80] =	vst v62  }
.Ltmp1:
0x8a: {  	vm6 =	vgt.f32 v60, v61;
	v63 =	vsel vm5, s23, v7;
	[tilespmem:s26+$0xE00] =	vst v2;
	(pc) =	sbr.rel @p0 .LBB2_2-.Ltmp1, $4  }
0x8b: {  	v2 =	vsel vm6, v10, v3;
	[tilespmem:s26+$0x1080] =	vst v63  }
0x8c: {  	v1 =	vsel vm6, v58, v1;
	[tilespmem:s25+$0xB80] =	vst v2  }
0x8d: {  	v2 =	vsel vm6, s23, v4;
	[tilespmem:s25+$0xE00] =	vst v1  }
0x8e: {  	[tilespmem:s25+$0x1080] =	vst v2  }
0x8f: {  	v2 =	vimm.s32 $0x0  }
0x90: {  	[tilespmem:$0x1300] =	vst v2  }
0x91: {  	[tilespmem:$0x1310] =	vst v2  }
0x92: {  	[tilespmem:$0x1320] =	vst v2  }
0x93: {  	s22 =	simm.s32 $0x0;
	[tilespmem:$0x1330] =	vst v2  }
0x94: {  	v1 =	vld [tilespmem:s22+$0xB80];
	_ =	sdelay $0x1  }
0x95: {  	v3 =	vld [tilespmem:s22+$0xE00];
	_ =	sdelay $0x2  }
0x96: {  	v1 =	vadd.f32 v1, v1  }
0x97: {  	p0 =	slt.u32 s11, $0x4E20;
	vm5 =	vmmov vm0  }
0x98: {  	vm5 =	vmneg @p0 vm5;
	vm6 =	vgt.f32 v1, v3  }
0x99: {  	vm6 =	vmand vm5, vm6  }
0x9a: {  	v4 =	vsel vm6, $0x1, v0  }
0x9b: {  	(xrf0) =	vadd.scan.msk.s32 $0xffff, v4  }
0x9c: {  	vm7 =	vlt.f32 v1, v3  }
0x9d: {  	vm7 =	vmand vm5, vm7  }
0x9e: {  	v1 =	vsel vm7, $0x1, v0;
	_ =	sdelay $0x1  }
0x9f: {  	(xrf0) =	vadd.scan.msk.s32 $0xffff, v1  }
0xa0: {  	v1, _, _ =	vpop (xrf0)  }
0xa1: {  	v1 =	vadd.s32 v1, v2  }
0xa2: {  	v1 =	vadd.s32 $0xFFFFFFFF, v1  }
0xa3: {  	vm5 =	vlt.s32 v1, $0x20  }
0xa4: {  	vm8 =	vmand vm6, vm5  }
0xa5: {  	v4 =	vld [tilespmem:s22+$0x1080];
	v3, _, _ =	vpop (xrf0);
	v6 =	vadd.s32 $0x10, v1  }
0xa6: {  	v7 =	vld [tilespmem:s22+$0x0];
	v3 =	vadd.s32 v3, v2  }
0xa7: {  	v8 =	vld [tilespmem:s22+$0x280];
	v3 =	vadd.s32 $0xFFFFFFFF, v3;
	v9 =	vadd.s32 $0x20, v1  }
0xa8: {  	v10 =	vld [tilespmem:s22+$0x500];
	v11 =	vadd.s32 $0x40, v1;
	vm5 =	vlt.s32 v3, $0x60  }
0xa9: {  	v5 =	vld [tilespmem:s22+$0x780];
	v12 =	vadd.s32 $0x60, v1;
	vm5 =	vmand vm7, vm5  }
0xaa: {  	[tilespmem:v6+s18+$0x0] =	vst.idx.msk vm8, v4;
	v4 =	vadd.s32 $0x80, v3  }
0xab: {  	v6 =	vadd.s32 $0xE0, v3;
	[tilespmem:v1+s19+$0x0] =	vst.idx.msk vm8, v7  }
0xac: {  	[tilespmem:v9+s19+$0x0] =	vst.idx.msk vm8, v8  }
0xad: {  	[tilespmem:v11+s19+$0x0] =	vst.idx.msk vm8, v10  }
0xae: {  	v62 =	vadd.s32 $0x140, v3;
	[tilespmem:v12+s19+$0x0] =	vst.idx.msk vm8, v5  }
0xaf: {  	[tilespmem:v4+s19+$0x0] =	vst.idx.msk vm5, v7  }
0xb0: {  	v63 =	vmpcnt.ones.xlane vm7;
	v1 =	vmpcnt.ones.xlane vm6;
	[tilespmem:v6+s19+$0x0] =	vst.idx.msk vm5, v8;
	v6 =	vadd.s32 $0x1A0, v3;
	_ =	sdelay $0x1  }
0xb1: {  	v1 =	vadd.s32 v2, v1;
	v2 =	vadd.s32 v2, v63  }
0xb2: {  	s23 =	simm.s32 $0x40;
	s26 =	simm.s32 $0x80;
	s22 =	smov.u32 s11;
	v4 =	vmov v1;
	v3 =	vmov v2;
	[tilespmem:v62+s19+$0x0] =	vst.idx.msk vm5, v10  }
.LBB2_6:
0xb3: {  	s25 =	sshra.s32 s23, $0x2  }
0xb4: {  	[tilespmem:v6+s19+$0x0] =	vst.idx.msk vm5, v5;
	s22 =	sadd.s32 $0x10, s22;
	s23 =	smov.u32 s26;
	s24 =	sadd.s32 $0x40, s26  }
0xb5: {  	p0 =	sne.s32 s26, $0x9C0;
	v5 =	vld [tilespmem:s25+$0xB80];
	_ =	sdelay $0x1  }
0xb6: {  	v6 =	vld [tilespmem:s25+$0xE00];
	_ =	sdelay $0x2  }
0xb7: {  	v5 =	vadd.f32 v5, v5  }
0xb8: {  	vm5 =	vmmov vm0;
	p1 =	slt.u32 s22, $0x4E20  }
0xb9: {  	vm5 =	vmneg @p1 vm5;
	vm6 =	vgt.f32 v5, v6;
	vm7 =	vlt.f32 v5, v6  }
0xba: {  	vm6 =	vmand vm5, vm6;
	vm5 =	vmand vm5, vm7  }
0xbb: {  	v5 =	vsel vm6, $0x1, v0;
	v6 =	vsel vm5, $0x1, v0;
	v7 =	vmpcnt.ones.xlane vm6  }
0xbc: {  	v8 =	vmpcnt.ones.xlane vm5;
	(xrf0) =	vadd.scan.msk.s32 $0xffff, v5  }
0xbd: {  	v1 =	vadd.s32 v1, v7;
	(xrf0) =	vadd.scan.msk.s32 $0xffff, v6  }
0xbe: {  	v2 =	vadd.s32 v2, v8;
	_ =	sdelay $0x3  }
0xbf: {  	v5, _, _ =	vpop (xrf0)  }
0xc0: {  	v5 =	vadd.s32 v5, v4;
	v6, _, _ =	vpop (xrf0);
	v4 =	vmov v1  }
0xc1: {  	v7 =	vadd.s32 $0xFFFFFFFF, v5;
	v5 =	vadd.s32 v6, v3;
	v3 =	vmov v2  }
0xc2: {  	vm7 =	vlt.s32 v7, $0x20;
	v6 =	vadd.s32 $0xFFFFFFFF, v5  }
0xc3: {  	vm6 =	vmand vm6, vm7;
	vm7 =	vlt.s32 v6, $0x60  }
0xc4: {  	v9 =	vadd.s32 $0x10, v7;
	v8 =	vld [tilespmem:s25+$0x1080]  }
0xc5: {  	v10 =	vld [tilespmem:s25+$0x0]  }
0xc6: {  	v12 =	vadd.s32 $0x20, v7;
	v11 =	vld [tilespmem:s25+$0x280]  }
0xc7: {  	v14 =	vadd.s32 $0x40, v7;
	v13 =	vld [tilespmem:s25+$0x500]  }
0xc8: {  	v15 =	vadd.s32 $0x60, v7;
	vm5 =	vmand vm5, vm7;
	v5 =	vld [tilespmem:s25+$0x780]  }
0xc9: {  	[tilespmem:v9+s18+$0x0] =	vst.idx.msk vm6, v8;
	v8 =	vadd.s32 $0x80, v6  }
0xca: {  	[tilespmem:v7+s19+$0x0] =	vst.idx.msk vm6, v10;
	v7 =	vadd.s32 $0xE0, v6  }
0xcb: {  	v9 =	vadd.s32 $0x140, v6;
	[tilespmem:v12+s19+$0x0] =	vst.idx.msk vm6, v11  }
.Ltmp2:
0xcc: {  	v6 =	vadd.s32 $0x1A0, v6;
	[tilespmem:v14+s19+$0x0] =	vst.idx.msk vm6, v13;
	(pc) =	sbr.rel @p0 .LBB2_6-.Ltmp2, $4  }
0xcd: {  	[tilespmem:v15+s19+$0x0] =	vst.idx.msk vm6, v5  }
0xce: {  	[tilespmem:v8+s19+$0x0] =	vst.idx.msk vm5, v10  }
0xcf: {  	[tilespmem:v7+s19+$0x0] =	vst.idx.msk vm5, v11  }
0xd0: {  	s26 =	smov.u32 s24;
	[tilespmem:v9+s19+$0x0] =	vst.idx.msk vm5, v13  }
0xd1: {  	_ =	sdelay $0x4  }
0xd2: {  	s23 =	sshra.s32 s23, $0x2;
	[tilespmem:v6+s19+$0x0] =	vst.idx.msk vm5, v5  }
0xd3: {  	v5 =	vld [tilespmem:s23+$0xB80];
	_ =	sdelay $0x1  }
0xd4: {  	v6 =	vld [tilespmem:s23+$0xE00];
	_ =	sdelay $0x2  }
0xd5: {  	s22 =	sadd.s32 $0x10, s22;
	v5 =	vadd.f32 v5, v5  }
0xd6: {  	vm6 =	vmmov vm0;
	p0 =	slt.u32 s22, $0x4E20  }
0xd7: {  	vm6 =	vmneg @p0 vm6;
	vm5 =	vgt.f32 v5, v6  }
0xd8: {  	vm5 =	vmand vm6, vm5  }
0xd9: {  	v7 =	vsel vm5, $0x1, v0  }
0xda: {  	(xrf0) =	vadd.scan.msk.s32 $0xffff, v7;
	_ =	sdelay $0x1  }
0xdb: {  	vm7 =	vlt.f32 v5, v6  }
0xdc: {  	vm6 =	vmand vm6, vm7  }
0xdd: {  	v52 =	vsel vm6, $0x1, v0  }
0xde: {  	(xrf0) =	vadd.scan.msk.s32 $0xffff, v52  }
0xdf: {  	v53, _, _ =	vpop (xrf0)  }
0xe0: {  	v4 =	vadd.s32 v53, v4  }
0xe1: {  	v4 =	vadd.s32 $0xFFFFFFFF, v4  }
0xe2: {  	vm7 =	vlt.s32 v4, $0x20  }
0xe3: {  	vm7 =	vmand vm5, vm7  }
0xe4: {  	v55 =	vld [tilespmem:s23+$0x1080];
	v54, _, _ =	vpop (xrf0);
	v56 =	vadd.s32 $0x10, v4  }
0xe5: {  	v57 =	vld [tilespmem:s23+$0x0];
	v3 =	vadd.s32 v54, v3  }
0xe6: {  	v8 =	vld [tilespmem:s23+$0x280];
	v3 =	vadd.s32 $0xFFFFFFFF, v3;
	v9 =	vadd.s32 $0x20, v4  }
0xe7: {  	v10 =	vld [tilespmem:s23+$0x500];
	v11 =	vadd.s32 $0x40, v4;
	vm8 =	vlt.s32 v3, $0x60  }
0xe8: {  	v12 =	vld [tilespmem:s23+$0x780];
	v13 =	vadd.s32 $0x60, v4;
	vm8 =	vmand vm6, vm8  }
0xe9: {  	v58 =	vadd.s32 $0x80, v3;
	[tilespmem:v56+s18+$0x0] =	vst.idx.msk vm7, v55  }
0xea: {  	v59 =	vadd.s32 $0xE0, v3;
	[tilespmem:v4+s19+$0x0] =	vst.idx.msk vm7, v57  }
0xeb: {  	v60 =	vadd.s32 $0x140, v3;
	[tilespmem:v9+s19+$0x0] =	vst.idx.msk vm7, v8  }
0xec: {  	v3 =	vadd.s32 $0x1A0, v3;
	[tilespmem:v11+s19+$0x0] =	vst.idx.msk vm7, v10  }
0xed: {  	[tilespmem:v13+s19+$0x0] =	vst.idx.msk vm7, v12  }
0xee: {  	[tilespmem:v58+s19+$0x0] =	vst.idx.msk vm8, v57  }
0xef: {  	[tilespmem:v59+s19+$0x0] =	vst.idx.msk vm8, v8  }
0xf0: {  	[tilespmem:v60+s19+$0x0] =	vst.idx.msk vm8, v10  }
0xf1: {  	[tilespmem:v3+s19+$0x0] =	vst.idx.msk vm8, v12  }
0xf2: {  	v3 =	vld.msk [tilespmem:s20+$0x0], $0xffff  }
0xf3: {  	v61 =	vmpcnt.ones.xlane vm6  }
0xf4: {  	v62 =	vmpcnt.ones.xlane vm5  }
0xf5: {  	v2 =	vadd.s32 v2, v61  }
0xf6: {  	v1 =	vadd.s32 v1, v62;
	vm5 =	vlt.s32 v2, $0x60  }
0xf7: {  	vm6 =	vlt.s32 v1, $0x20;
	v2 =	vnsel vm5, $0x60, v2;
	v3 =	vsel vm1, $0x0, v3  }
0xf8: {  	v1 =	vnsel vm6, $0x20, v1;
	v2 =	vsel vm2, v3, v2  }
0xf9: {  	v1 =	vsel vm3, v1, v2  }
0xfa: {  	[tilespmem:$0x1300] =	vst v1  }
0xfb: {  	v1 =	vld.msk [tilespmem:s15+$0x0], $0xffff  }
0xfc: {  	v2 =	vld.msk [tilespmem:s14+$0x0], $0xffff  }
0xfd: {  	v3 =	vld.msk [tilespmem:s13+$0x0], $0xffff  }
0xfe: {  	v63 =	vld.msk [tilespmem:s3+$0x0], $0xffff;
	_ =	sdelay $0x1  }
0xff: {  	v1 =	vsel vm4, $0x0, v1  }
0x100: {  	v1 =	vsel vm1, v1, v2  }
0x101: {  	v1 =	vsel vm2, v1, v3  }
0x102: {  	v1 =	vsel vm3, v63, v1  }
0x103: {  	[tilespmem:$0x1580] =	vst v1  }
0x104: {  	[hbm4b:s8+s3] =	stream.linear.scatter [tilespmem:s18], [sflag:$0x1], $0x40, $0x38;
	[tilespmem:$0x1600] =	vst v63  }
0x105: {  	s21 =	sadd.s32 $0x1, s21;
	_ =	swait.ge [sflag:s12], $0x40  }
0x106: {  	p0 =	sne.s32 s21, s10;
	[sflag:s12] =	ssyncset.done $0x0  }
.Ltmp3:
0x107: {  	[sflag:s12] =	ssyncadd.s32 $0xFFFFFFC0;
	(pc) =	sbr.rel @p0 .LBB2_1-.Ltmp3, $4  }
0x108: {  	[hbm4b:s9+s3] =	stream.linear.scatter [tilespmem:s19], [sflag:$0x1], $0x210, $0x38;
	[tilespmem:$0x1600] =	vst v63  }
0x109: {  	_ =	swait.ge [sflag:s12], $0x210  }
0x10a: {  	[sflag:s12] =	ssyncset.done $0x0  }
0x10b: {  	[sflag:s12] =	ssyncadd.s32 $0xFFFFFDF0  }
0x10c: {  	_ =	sfence.sel $0x180000  }
0x10d: {  	[bflag:$0x0] =	sbarrier.arrive $0xFFFF  }
0x10e: {  	p0 =	sne.s32 s0, $0x0;
	_ =	strace $0x90000047  }
0x10f: {  	s0 =	sadd.s32 @!p0 $0x100000, s1;
	[bflag:$0x2] =	sbarrier.arrive $0xFFFF  }
0x110: {  	[sflag:s0] =	ssyncadd.tile.s32 @!p0 $0x1;
	_ =	shalt  }
.Lfunc_end2:
_tile_overlayer_lowered:
.L_overlay_start_2:
0x111: {  	(tag) =	ssettag $0x2  }
0x112: {  	s0 =	rddreg [dreg:$0x0];
	s2 =	stileid.u32  }
0x113: {  	s1 =	rddreg [dreg:$0x1];
	p0 =	sne.s32 s2, $0x0  }
0x114: {  	s3 =	rddreg [dreg:$0x2];
	[bflag:$0x3] =	sbarrier.arrive $0xFFFF;
	s2 =	simm.s32 @!p0 $0x1C01  }
0x115: {  	[timem:s3], [sflag:s2] =	dma.local @!p0 [hbm:s0], s1  }
0x116: {  	s0 =	simm.s32 @!p0 $0x1  }
0x117: {  	_ =	swait.ge @!p0 [sflag:s0], s1  }
0x118: {  	s1 =	ssub.s32 @!p0 $0x0, s1;
	[sflag:s0] =	ssyncset.done @!p0 $0x0  }
0x119: {  	[sflag:s0] =	ssyncadd.s32 @!p0 s1  }
0x11a: {  	[bflag:$0x3] =	sbarrier.arrive $0xFFFF  }
0x11b: {  	_ =	shalt  }

// kernel: kernel.7.cloned.1.call-start
scs
__scs_entry_jumppad:
0x0: {  	(pc) =	sbr.rel $0x88, $3  }
0x1: {  	(tag) =	ssettag $0x0;
	lr =	simm.s32 $0x1  }
0x2: {  	[smem:$0x3F9E] =	sst lr;
	_ =	strace $0xD0000000  }
0x3: {  	_ = 	snop  }
0x4: {  	_ = 	snop  }
0x5: {  	_ = 	snop  }
0x6: {  	_ = 	snop  }
0x7: {  	_ = 	snop  }
__scs_overlays_trampoline_lowered:
0x8: {  	[smem:$0x3FAD] =	sst s0  }
0x9: {  	[smem:$0x3FAE] =	sst s1  }
0xa: {  	[smem:$0x3FAF] =	sst s2  }
0xb: {  	[smem:$0x3FB0] =	sst s3  }
0xc: {  	[smem:$0x3FB1] =	sst s4  }
0xd: {  	[smem:$0x3FB2] =	sst s5  }
0xe: {  	[smem:$0x3FB3] =	sst s6  }
0xf: {  	[smem:$0x3FB4] =	sst s7  }
0x10: {  	[smem:$0x3FB5] =	sst s8  }
0x11: {  	[smem:$0x3FB6] =	sst s9;
	s0 =	simm.s32 @!p0 $0x0  }
0x12: {  	s1 =	sld [smem:$0x3F9C];
	s0 =	simm.s32 @p0 $0x1  }
0x13: {  	[smem:$0x3FB7] =	sst s0;
	s0 =	simm.s32 @!p1 $0x0  }
0x14: {  	s2 =	sld [smem:$0x3F9B];
	s0 =	simm.s32 @p1 $0x1  }
0x15: {  	[smem:$0x3FB8] =	sst s0;
	s0 =	simm.s32 @!p2 $0x0  }
0x16: {  	s3 =	sld [smem:$0x3FDB];
	s0 =	simm.s32 @p2 $0x1  }
0x17: {  	s4 =	simm.s32 $0x1BF5;
	[smem:$0x3FBA] =	sst s0  }
0x18: {  	s0 =	sld [smem:$0x3F9D];
	_ =	swait.ge [sflag:s4], $0x0  }
0x19: {  	s7 =	sld [smem:$0x3F9E]  }
0x1a: {  	s8 =	sadd.s32 $0xFFFFE003, lr  }
0x1b: {  	s9 =	sadd.s32 $0xFFFFFEF7, lr;
	s5 =	simm.s32 $0xFFFFFFFF;
	p2 =	slt.u32 s8, $0xFFFFF086  }
0x1c: {  	p1 =	slt.u32 s9, $0xF7A;
	s5 =	simm.s32 @!p2 $0x0  }
0x1d: {  	s5 =	simm.s32 @p1 $0x1;
	p0 =	seq.s32 s7, s2  }
0x1e: {  	s7 =	smul.u32 @!p0 $0xF7A, s2;
	p2 =	seq.s32 @!p0 s5, $0x0  }
0x1f: {  	s9 =	smul.u32 $0xF7A, s1;
	s8 =	simm.s32 @!p0 $0x1BF5;
	p2 =	por !p2, p0  }
0x20: {  	[sflag:s8] =	ssyncset.s32 @!p0 $0xFFFFF086;
	s6 =	sadd.s32 @!p0 s3, s7;
	s7 =	simm.s32 @!p0 $0x108  }
0x21: {  	s3 =	sadd.s32 s3, s9;
	s6 =	sadd.s32 @!p0 $0x88, s6;
	s7 =	simm.s32 @p2 $0x1082  }
0x22: {  	[simem:s7], [sflag:s8] =	dma.local @!p0 [hbm:s6], $0xF7A  }
0x23: {  	s9 =	sor.u32 $0xD0000000, s2;
	s6 =	simm.s32 $0x108;
	_ =	swait.ge @!p0 [sflag:s8], $0x0  }
0x24: {  	s3 =	sadd.s32 $0x88, s3;
	s6 =	simm.s32 @!p1 $0x1082;
	[sflag:s4] =	ssyncset.s32 $0xFFFFF086  }
0x25: {  	[simem:s6], [sflag:s4] =	dma.local [hbm:s3], $0xF7A  }
0x26: {  	[smem:$0x3F9E] =	sst s1;
	(tag) =	ssettag s2;
	_ =	strace s9  }
0x27: {  	s1 =	sld [smem:$0x3FAE]  }
0x28: {  	s2 =	sld [smem:$0x3FAF]  }
0x29: {  	s4 =	sld [smem:$0x3FB1]  }
0x2a: {  	p0 =	seq.s32 s5, $0x0;
	s5 =	sld [smem:$0x3FB2]  }
0x2b: {  	s6 =	sld [smem:$0x3FB3]  }
0x2c: {  	s7 =	sld [smem:$0x3FB4]  }
0x2d: {  	s3 =	simm.s32 $0x108;
	s8 =	sld [smem:$0x3FB5]  }
0x2e: {  	s3 =	simm.s32 @!p0 $0x1082;
	s9 =	sld [smem:$0x3FB6]  }
0x2f: {  	lr =	sadd.s32 s0, s3;
	s0 =	sld [smem:$0x3FAD]  }
0x30: {  	s3 =	sld [smem:$0x3FB0]  }
0x31: {  	[smem:$0x3FB9] =	sst s10  }
0x32: {  	s10 =	sld [smem:$0x3FB7];
	_ =	sdelay $0x3  }
0x33: {  	p0 =	seq.s32 s10, $0x1;
	s10 =	sld [smem:$0x3FB9];
	_ =	sdelay $0x3  }
0x34: {  	[smem:$0x3FB9] =	sst s10  }
0x35: {  	s10 =	sld [smem:$0x3FB8];
	_ =	sdelay $0x3  }
0x36: {  	p1 =	seq.s32 s10, $0x1;
	s10 =	sld [smem:$0x3FB9];
	_ =	sdelay $0x3  }
0x37: {  	[smem:$0x3FB9] =	sst s10  }
0x38: {  	s10 =	sld [smem:$0x3FBA]  }
0x39: {  	_ = 	snop;
	(pc) =	sbr.ind lr, $3  }
0x3a: {  	_ = 	snop  }
0x3b: {  	_ = 	snop  }
0x3c: {  	p2 =	seq.s32 s10, $0x1;
	s10 =	sld [smem:$0x3FB9]  }
0x3d: {  	_ =	shalt  }
0x3e: {  	_ =	shalt  }
0x3f: {  	_ =	shalt  }
0x40: {  	_ =	shalt  }
0x41: {  	_ =	shalt  }
0x42: {  	_ =	shalt  }
0x43: {  	_ =	shalt  }
0x44: {  	_ =	shalt  }
0x45: {  	_ =	shalt  }
0x46: {  	_ =	shalt  }
0x47: {  	_ =	shalt  }
0x48: {  	_ =	shalt  }
0x49: {  	_ =	shalt  }
0x4a: {  	_ =	shalt  }
0x4b: {  	_ =	shalt  }
0x4c: {  	_ =	shalt  }
0x4d: {  	_ =	shalt  }
0x4e: {  	_ =	shalt  }
0x4f: {  	_ =	shalt  }
0x50: {  	_ =	shalt  }
0x51: {  	_ =	shalt  }
0x52: {  	_ =	shalt  }
0x53: {  	_ =	shalt  }
0x54: {  	_ =	shalt  }
0x55: {  	_ =	shalt  }
0x56: {  	_ =	shalt  }
0x57: {  	_ =	shalt  }
0x58: {  	_ =	shalt  }
0x59: {  	_ =	shalt  }
0x5a: {  	_ =	shalt  }
0x5b: {  	_ =	shalt  }
0x5c: {  	_ =	shalt  }
0x5d: {  	_ =	shalt  }
0x5e: {  	_ =	shalt  }
0x5f: {  	_ =	shalt  }
0x60: {  	_ =	shalt  }
0x61: {  	_ =	shalt  }
0x62: {  	_ =	shalt  }
0x63: {  	_ =	shalt  }
0x64: {  	_ =	shalt  }
0x65: {  	_ =	shalt  }
0x66: {  	_ =	shalt  }
0x67: {  	_ =	shalt  }
0x68: {  	_ =	shalt  }
0x69: {  	_ =	shalt  }
0x6a: {  	_ =	shalt  }
0x6b: {  	_ =	shalt  }
0x6c: {  	_ =	shalt  }
0x6d: {  	_ =	shalt  }
0x6e: {  	_ =	shalt  }
0x6f: {  	_ =	shalt  }
0x70: {  	_ =	shalt  }
0x71: {  	_ =	shalt  }
0x72: {  	_ =	shalt  }
0x73: {  	_ =	shalt  }
0x74: {  	_ =	shalt  }
0x75: {  	_ =	shalt  }
0x76: {  	_ =	shalt  }
0x77: {  	_ =	shalt  }
0x78: {  	_ =	shalt  }
0x79: {  	_ =	shalt  }
0x7a: {  	_ =	shalt  }
0x7b: {  	_ =	shalt  }
0x7c: {  	_ =	shalt  }
0x7d: {  	_ =	shalt  }
0x7e: {  	_ =	shalt  }
0x7f: {  	_ =	shalt  }
0x80: {  	_ =	shalt  }
0x81: {  	_ =	shalt  }
0x82: {  	_ =	shalt  }
0x83: {  	_ =	shalt  }
0x84: {  	_ =	shalt  }
0x85: {  	_ =	shalt  }
0x86: {  	_ =	shalt  }
0x87: {  	_ =	shalt  }
.Lfunc_end0:
.L_simem_size_0:
called_computation.1_lowered:
.L_overlay_start_0:
0x88: {  	s2 =	sld [smem:$0x3FD9]  }
0x89: {  	s3 =	sld [smem:$0x3FFE];
	_ =	sdelay $0x1  }
0x8a: {  	s1 =	srdreg.scid  }
0x8b: {  	s0 =	sand.u32 $0x1, s1  }
0x8c: {  	s14 =	sshll.u32 s0, $0xA;
	s2 =	sadd.s32 s3, s2  }
0x8d: {  	s2 =	sadd.s32 s2, s14  }
0x8e: {  	[smem:$0x3FC5] =	sst s2  }
0x8f: {  	_ = 	snop  }
0x90: {  	s2 =	sld [smem:$0x3FD0];
	_ =	sdelay $0x2  }
0x91: {  	s4 =	simm.s32 $0xA;
	s5 =	simm.s32 $0x10;
	s15 =	sld [smem:$0x3FC7]  }
0x92: {  	[smem:s5], [sflag:s4] =	dma.local [hbm:s2], $0x1  }
0x93: {  	_ =	swait.eq [sflag:s4], $0x1  }
0x94: {  	s16 =	sld [smem:$0x10]  }
0x95: {  	s17 =	sld [smem:$0x11]  }
0x96: {  	s6 =	sld [smem:$0x12];
	[sflag:s4] =	ssyncset.done $0x0  }
0x97: {  	s7 =	sld [smem:$0x13];
	[sflag:s4] =	ssyncadd.s32 $0xFFFFFFFF  }
0x98: {  	s18 =	sld [smem:$0x14];
	(tm) =	ssettm $0x1  }
0x99: {  	s8 =	sld [smem:$0x3FFB];
	_ =	sdelay $0x3  }
0x9a: {  	_ =	strace s8  }
0x9b: {  	s8 =	sld [smem:$0x3FFC];
	_ =	sdelay $0x3  }
0x9c: {  	_ =	strace s8  }
0x9d: {  	s8 =	sld [smem:$0x3FFD];
	_ =	sdelay $0x3  }
0x9e: {  	_ =	strace s8  }
0x9f: {  	_ =	strace $0x8FFFFFFF  }
0xa0: {  	s19 =	sld [smem:$0x3FDB];
	_ =	sdelay $0x1  }
0xa1: {  	s9 =	simm.s32 $_scs_section_size  }
0xa2: {  	s10 =	simm.s32 $_size__tile_overlayer_lowered;
	s11 =	simm.s32 $_tile_overlayer_lowered  }
0xa3: {  	s22 =	simm.s32 $0x1BFF;
	s21 =	sshll.u32 s11, $0x1;
	s8 =	sadd.s32 s9, s19  }
0xa4: {  	s12 =	simm.s32 $0x0;
	s20 =	sshll.u32 s10, $0x1;
	s10 =	sadd.s32 s21, s8  }
0xa5: {  	[timem:s12], [sflag:s22] =	dma.local [hbm:s10], s20  }
0xa6: {  	_ =	swait.ge [sflag:s22], s20  }
0xa7: {  	s9 =	ssub.s32 $0x0, s20;
	[sflag:s22] =	ssyncset.done $0x0  }
0xa8: {  	[sflag:s22] =	ssyncadd.s32 s9;
	_ =	sdelay $0x1  }
0xa9: {  	s23 =	simm.s32 $0x1B8B  }
0xaa: {  	_ =	swait.ge [sflag:s23], $0x1  }
0xab: {  	[sflag:s23] =	ssyncset.done $0x0  }
0xac: {  	s25 =	simm.s32 $0x1B8E;
	s24 =	sld [smem:$0x3FFE];
	[sflag:s23] =	ssyncadd.s32 $0xFFFFFFFF  }
0xad: {  	s26 =	simm.s32 $execute0_lowered;
	[smem:$0x3FD2] =	sst s25  }
0xae: {  	s10 =	sshll.u32 s26, $0x1;
	_ =	strace $0x80000049;
	[dreg:$0x1] =	wrdreg $0xFFFFFFFF  }
0xaf: {  	s28 =	simm.s32 $_size_execute0_lowered;
	s8 =	sadd.s32 s8, s10;
	[dreg:$0x0] =	wrdreg $0x0  }
0xb0: {  	s10 =	sshll.u32 s28, $0x1;
	[dreg:$0x2] =	wrdreg s8  }
0xb1: {  	[dreg:$0x3] =	wrdreg s10  }
0xb2: {  	[dreg:$0x4] =	wrdreg $0xC0  }
0xb3: {  	_ =	task [dreg:s12], $0x5FFFF  }
0xb4: {  	[dreg:$0x1] =	wrdreg $0xFFFFFFFF  }
0xb5: {  	[dreg:$0x0] =	wrdreg $0x60  }
0xb6: {  	[dreg:$0x2] =	wrdreg s6  }
0xb7: {  	[dreg:$0x3] =	wrdreg s24  }
0xb8: {  	[dreg:$0x4] =	wrdreg s16  }
0xb9: {  	[dreg:$0x5] =	wrdreg s15  }
0xba: {  	[dreg:$0x6] =	wrdreg s17  }
0xbb: {  	[dreg:$0x7] =	wrdreg s18  }
0xbc: {  	[dreg:$0x8] =	wrdreg s7  }
0xbd: {  	[dreg:$0x9] =	wrdreg $0x9  }
0xbe: {  	_ =	task.clear_ibuf [dreg:s12], $0xAFFFF;
	_ =	strace $0x90000049  }
0xbf: {  	s29 =	simm.s32 $0x9;
	_ =	strace $0x8000004B  }
0xc0: {  	_ =	swait.ge [sflag:s29], $0x1  }
0xc1: {  	[sflag:s29] =	ssyncadd.s32 $0xFFFFFFFF  }
0xc2: {  	_ =	strace $0x9000004B  }
0xc3: {  	_ =	sfence  }
0xc4: {  	s30 =	sld [smem:$0x0];
	_ =	sdelay $0x2  }
0xc5: {  	s31 =	sshll.u32 s1, $0xD;
	s1 =	sshrl.u32 s1, $0x2  }
0xc6: {  	s3 =	sand.u32 $0x4000, s31;
	s1 =	sadd.s32 s1, s30  }
0xc7: {  	s0 =	sor.u32 s3, s0;
	s1 =	sshll.u32 s1, $0x11  }
0xc8: {  	s0 =	sor.u32 s1, s0  }
0xc9: {  	s0 =	sadd.s32 $0x8F2B, s0  }
0xca: {  	[sflag:s0] =	ssyncadd.remote.s32 $0x1  }
0xcb: {  	_ =	sfence.sel $0xFFFF  }
0xcc: {  	[dreg:$0x0] =	wrdreg $0xFFFFFFFF;
	(pc) =	sbr.abs _section_cstart, $3  }
0xcd: {  	[dreg:$0x1] =	wrdreg $0xFFFFFFFF  }
0xce: {  	_ =	task.clear_ibuf [dreg:s12], $0x2FFFF;
	_ =	strace $0x9FFFFFFF  }
0xcf: {  	(tm) =	ssettm $0x7FFFFFFF  }
tec
execute0_lowered:
.L_overlay_start_1:
0x0: {  	(tag) =	ssettag $0x1  }
0x1: {  	s0 =	rddreg [dreg:$0x0];
	s6 =	srdreg.scid  }
0x2: {  	s10 =	rddreg [dreg:$0x1];
	s9 =	sand.u32 $0x1, s6;
	s6 =	stileid.u32  }
0x3: {  	s2 =	rddreg [dreg:$0x2];
	s11 =	sshll.u32 s6, $0x1;
	s12 =	ssub.s32 $0x0, s9  }
0x4: {  	s3 =	rddreg [dreg:$0x3];
	p0 =	sne.s32 s11, s12  }
.Ltmp0:
0x5: {  	s4 =	rddreg [dreg:$0x4];
	(pc) =	sbr.rel @p0 .LBB2_7-.Ltmp0, $4  }
0x6: {  	s5 =	rddreg [dreg:$0x5]  }
0x7: {  	s7 =	rddreg [dreg:$0x6];
	s8 =	simm.s32 $0x0  }
0x8: {  	[smem:$0x7FF] =	sst s8  }
0x9: {  	s1 =	rddreg [dreg:$0x7];
	_ =	strace $0x8000004A  }
0xa: {  	v0 =	vlaneseq.u32  }
0xb: {  	v1 =	vmul.u32 $0x80, v0;
	_ =	sdelay $0x1  }
0xc: {  	v3 =	vimm.f32 $0.0e+00;
	v2 =	vor.u32 $0x1000, v1  }
0xd: {  	v11 =	vimm.f32 $1.000000000e+00;
	v20 =	vimm.s32 $0xFFFFFF81;
	[tilespmem:$0x1FEC0] =	vst v2;
	v2 =	vor.u32 $0x1800, v1  }
0xe: {  	v29 =	vimm.s32 $0x0;
	v38 =	vor.u32 $0x10, v0;
	[tilespmem:$0x1FED0] =	vst v2;
	v2 =	vor.u32 $0x2000, v1  }
0xf: {  	v39 =	vor.u32 $0x20, v0;
	v40 =	vor.u32 $0x40, v0;
	[tilespmem:$0x1FEE0] =	vst v2;
	v2 =	vor.u32 $0x2800, v1  }
0x10: {  	v41 =	vor.u32 $0x60, v0;
	v42 =	vor.u32 $0x30, v0;
	[tilespmem:$0x1FEF0] =	vst v2;
	v2 =	vor.u32 $0x1001, v1  }
0x11: {  	v43 =	vor.u32 $0x50, v0;
	v44 =	vor.u32 $0x70, v0;
	[tilespmem:$0x1FF00] =	vst v2;
	v2 =	vor.u32 $0x1801, v1  }
0x12: {  	v45 =	vor.u32 $0x80, v0;
	v46 =	vor.u32 $0xE0, v0;
	[tilespmem:$0x1FF10] =	vst v2;
	v2 =	vor.u32 $0x2001, v1  }
0x13: {  	v47 =	vor.u32 $0x140, v0;
	v48 =	vor.u32 $0x1A0, v0;
	[tilespmem:$0x1FF20] =	vst v2;
	v2 =	vor.u32 $0x2801, v1  }
0x14: {  	v49 =	vor.u32 $0x90, v0;
	v50 =	vor.u32 $0xF0, v0;
	[tilespmem:$0x1FF30] =	vst v2;
	v2 =	vor.u32 $0x3001, v1  }
0x15: {  	v51 =	vor.u32 $0x150, v0;
	v52 =	vor.u32 $0x1B0, v0;
	[tilespmem:$0x1FF40] =	vst v2;
	v2 =	vor.u32 $0x3801, v1  }
0x16: {  	v53 =	vor.u32 $0xA0, v0;
	v54 =	vor.u32 $0x100, v0;
	[tilespmem:$0x1FF50] =	vst v2;
	v2 =	vor.u32 $0x1002, v1  }
0x17: {  	v55 =	vor.u32 $0x160, v0;
	v56 =	vor.u32 $0x1C0, v0;
	[tilespmem:$0x1FF60] =	vst v2;
	v2 =	vor.u32 $0x1802, v1  }
0x18: {  	v57 =	vor.u32 $0xB0, v0;
	v58 =	vor.u32 $0x110, v0;
	[tilespmem:$0x1FF70] =	vst v2;
	v2 =	vor.u32 $0x2002, v1  }
0x19: {  	v59 =	vor.u32 $0x170, v0;
	v60 =	vor.u32 $0x1D0, v0;
	[tilespmem:$0x1FF80] =	vst v2;
	v2 =	vor.u32 $0x2802, v1  }
0x1a: {  	v61 =	vor.u32 $0xC0, v0;
	v62 =	vor.u32 $0x120, v0;
	[tilespmem:$0x1FF90] =	vst v2;
	v2 =	vor.u32 $0x3002, v1  }
0x1b: {  	s11 =	ssub.s32 $0x2, s9;
	v63 =	vor.u32 $0x180, v0;
	v4 =	vor.u32 $0x800, v1;
	[tilespmem:$0x1FFA0] =	vst v2;
	v2 =	vor.u32 $0x3802, v1  }
0x1c: {  	s9 =	sadd.s32 $0x4000, s10;
	s10 =	sadd.s32 $0x1800, s10;
	s13 =	simm.s32 $0x1;
	v9 =	vor.u32 $0x3000, v1;
	v10 =	vor.u32 $0x3800, v1;
	[tilespmem:$0x1FFB0] =	vst v2;
	v2 =	vor.u32 $0x1003, v1  }
0x1d: {  	s14 =	simm.s32 $0x4480;
	s15 =	simm.s32 $0x80;
	s16 =	simm.s32 $0x380;
	v12 =	vor.u32 $0x1, v1;
	v13 =	vor.u32 $0x801, v1;
	[tilespmem:$0x1FFC0] =	vst v2;
	v2 =	vor.u32 $0x1803, v1  }
0x1e: {  	s17 =	simm.s32 $0x300;
	s18 =	simm.s32 $0x4580;
	s12 =	sshrl.u32 s11, $0x1;
	v21 =	vor.u32 $0x2, v1;
	v22 =	vor.u32 $0x802, v1;
	[tilespmem:$0x1FFD0] =	vst v2;
	v2 =	vor.u32 $0x2003, v1  }
0x1f: {  	s19 =	simm.s32 $0x6F80;
	s20 =	simm.s32 $0x4500;
	s11 =	ssub.s32 s11, s12;
	v30 =	vor.u32 $0x3, v1;
	v31 =	vor.u32 $0x803, v1;
	[tilespmem:$0x1FFE0] =	vst v2;
	v2 =	vor.u32 $0x2803, v1  }
0x20: {  	s21 =	simm.s32 $0x0;
	s12 =	simm.s32 $0x4380;
	v36 =	vor.u32 $0x3003, v1;
	v37 =	vor.u32 $0x3803, v1;
	s11 =	smax.u32 s11, $0x1;
	[tilespmem:$0x1FFF0] =	vst v2;
	v2 =	vor.u32 $0x1E0, v0  }
.LBB2_2:
0x21: {  	s22 =	simm.s32 $0x0  }
0x22: {  	[tilespmem:s12], [sflag:$0x1] =	stream.linear.gather [hbm4b:s2+s22], $0x100, $0x38;
	[tilespmem:$0x9980] =	vst v63  }
0x23: {  	_ =	swait.ge [sflag:s13], $0x100  }
0x24: {  	[sflag:s13] =	ssyncset.done $0x0  }
0x25: {  	[sflag:s13] =	ssyncadd.s32 $0xFFFFFF00  }
0x26: {  	[tilespmem:s14], [sflag:$0x1] =	stream.linear.gather [hbm4b:s3+s22], $0x80, $0x38;
	[tilespmem:$0x9980] =	vst v63  }
0x27: {  	_ =	swait.ge [sflag:s13], $0x80  }
0x28: {  	[sflag:s13] =	ssyncset.done $0x0  }
0x29: {  	[sflag:s13] =	ssyncadd.s32 $0xFFFFFF80  }
0x2a: {  	[tilespmem:s22], [sflag:$0x1] =	stream.linear.gather [hbm4b:s0+s22], $0x40, $0x38;
	[tilespmem:$0x9980] =	vst v63  }
0x2b: {  	_ =	swait.ge [sflag:s13], $0x40  }
0x2c: {  	[sflag:s13] =	ssyncset.done $0x0  }
0x2d: {  	v5 =	vimm.s32 $0x2;
	[sflag:s13] =	ssyncadd.s32 $0xFFFFFFC0  }
0x2e: {  	[tilespmem:s15], [sflag:$0x1] =	stream.linear.gather [hbm4b:s9+s22], $0x210, $0x38;
	[tilespmem:$0x9980] =	vst v63  }
0x2f: {  	_ =	swait.ge [sflag:s13], $0x210  }
0x30: {  	[sflag:s13] =	ssyncset.done $0x0  }
0x31: {  	[sflag:s13] =	ssyncadd.s32 $0xFFFFFDF0  }
0x32: {  	v5 =	vld.idx.msk [tilespmem:v5+s22+$0x0], $0xffff;
	_ =	sdelay $0x4  }
0x33: {  	[tilespmem:$0x300] =	vst v5  }
0x34: {  	[tilespmem:$0x310] =	vst v5;
	v5 =	vimm.s32 $0x200;
	_ =	sdelay $0x3  }
0x35: {  	v6 =	vld [tilespmem:$0x1FEC0]  }
0x36: {  	v5 =	vld.idx.msk [tilespmem:v5+s15+$0x0], $0xffff;
	_ =	sdelay $0x4  }
0x37: {  	[tilespmem:v1+s16+$0x0] =	vst.idx.msk $0xffff, v5  }
0x38: {  	[tilespmem:v4+s16+$0x0] =	vst.idx.msk $0xffff, v5  }
0x39: {  	[tilespmem:v6+s16+$0x0] =	vst.idx.msk $0xffff, v5;
	v6 =	vld [tilespmem:$0x1FED0];
	_ =	sdelay $0x7  }
0x3a: {  	[tilespmem:v6+s16+$0x0] =	vst.idx.msk $0xffff, v5;
	v6 =	vld [tilespmem:$0x1FEE0];
	_ =	sdelay $0x7  }
0x3b: {  	[tilespmem:v6+s16+$0x0] =	vst.idx.msk $0xffff, v5;
	v6 =	vld [tilespmem:$0x1FEF0];
	_ =	sdelay $0x7  }
0x3c: {  	[tilespmem:v6+s16+$0x0] =	vst.idx.msk $0xffff, v5  }
0x3d: {  	[tilespmem:v9+s16+$0x0] =	vst.idx.msk $0xffff, v5  }
0x3e: {  	[tilespmem:v10+s16+$0x0] =	vst.idx.msk $0xffff, v5;
	v5 =	vimm.s32 $0x201;
	_ =	sdelay $0x3  }
0x3f: {  	v6 =	vld [tilespmem:$0x1FF00]  }
0x40: {  	v5 =	vld.idx.msk [tilespmem:v5+s15+$0x0], $0xffff;
	_ =	sdelay $0x4  }
0x41: {  	[tilespmem:v12+s16+$0x0] =	vst.idx.msk $0xffff, v5  }
0x42: {  	[tilespmem:v13+s16+$0x0] =	vst.idx.msk $0xffff, v5  }
0x43: {  	[tilespmem:v6+s16+$0x0] =	vst.idx.msk $0xffff, v5;
	v6 =	vld [tilespmem:$0x1FF10];
	_ =	sdelay $0x7  }
0x44: {  	[tilespmem:v6+s16+$0x0] =	vst.idx.msk $0xffff, v5;
	v6 =	vld [tilespmem:$0x1FF20];
	_ =	sdelay $0x7  }
0x45: {  	[tilespmem:v6+s16+$0x0] =	vst.idx.msk $0xffff, v5;
	v6 =	vld [tilespmem:$0x1FF30];
	_ =	sdelay $0x7  }
0x46: {  	[tilespmem:v6+s16+$0x0] =	vst.idx.msk $0xffff, v5;
	v6 =	vld [tilespmem:$0x1FF40];
	_ =	sdelay $0x7  }
0x47: {  	[tilespmem:v6+s16+$0x0] =	vst.idx.msk $0xffff, v5;
	v6 =	vld [tilespmem:$0x1FF50];
	_ =	sdelay $0x7  }
0x48: {  	[tilespmem:v6+s16+$0x0] =	vst.idx.msk $0xffff, v5;
	v5 =	vimm.s32 $0x202;
	_ =	sdelay $0x3  }
0x49: {  	v6 =	vld [tilespmem:$0x1FF60]  }
0x4a: {  	v5 =	vld.idx.msk [tilespmem:v5+s15+$0x0], $0xffff;
	_ =	sdelay $0x4  }
0x4b: {  	[tilespmem:v21+s16+$0x0] =	vst.idx.msk $0xffff, v5  }
0x4c: {  	[tilespmem:v22+s16+$0x0] =	vst.idx.msk $0xffff, v5  }
0x4d: {  	[tilespmem:v6+s16+$0x0] =	vst.idx.msk $0xffff, v5;
	v6 =	vld [tilespmem:$0x1FF70];
	_ =	sdelay $0x7  }
0x4e: {  	[tilespmem:v6+s16+$0x0] =	vst.idx.msk $0xffff, v5;
	v6 =	vld [tilespmem:$0x1FF80];
	_ =	sdelay $0x7  }
0x4f: {  	[tilespmem:v6+s16+$0x0] =	vst.idx.msk $0xffff, v5;
	v6 =	vld [tilespmem:$0x1FF90];
	_ =	sdelay $0x7  }
0x50: {  	[tilespmem:v6+s16+$0x0] =	vst.idx.msk $0xffff, v5;
	v6 =	vld [tilespmem:$0x1FFA0];
	_ =	sdelay $0x7  }
0x51: {  	[tilespmem:v6+s16+$0x0] =	vst.idx.msk $0xffff, v5;
	v6 =	vld [tilespmem:$0x1FFB0];
	_ =	sdelay $0x7  }
0x52: {  	[tilespmem:v6+s16+$0x0] =	vst.idx.msk $0xffff, v5;
	v5 =	vimm.s32 $0x203;
	_ =	sdelay $0x3  }
0x53: {  	v6 =	vld [tilespmem:$0x1FFC0]  }
0x54: {  	v5 =	vld.idx.msk [tilespmem:v5+s15+$0x0], $0xffff;
	_ =	sdelay $0x4  }
0x55: {  	[tilespmem:v30+s16+$0x0] =	vst.idx.msk $0xffff, v5  }
0x56: {  	[tilespmem:v31+s16+$0x0] =	vst.idx.msk $0xffff, v5  }
0x57: {  	[tilespmem:v6+s16+$0x0] =	vst.idx.msk $0xffff, v5;
	v6 =	vld [tilespmem:$0x1FFD0];
	_ =	sdelay $0x7  }
0x58: {  	[tilespmem:v6+s16+$0x0] =	vst.idx.msk $0xffff, v5;
	v6 =	vld [tilespmem:$0x1FFE0];
	_ =	sdelay $0x7  }
0x59: {  	[tilespmem:v6+s16+$0x0] =	vst.idx.msk $0xffff, v5;
	v6 =	vld [tilespmem:$0x1FFF0];
	_ =	sdelay $0x7  }
0x5a: {  	[tilespmem:v6+s16+$0x0] =	vst.idx.msk $0xffff, v5  }
0x5b: {  	s23 =	smov.u32 s9;
	[tilespmem:v36+s16+$0x0] =	vst.idx.msk $0xffff, v5  }
0x5c: {  	s24 =	smov.u32 s0;
	s25 =	simm.s32 $0x0;
	s26 =	simm.s32 $0x0;
	[tilespmem:v37+s16+$0x0] =	vst.idx.msk $0xffff, v5  }
.LBB2_3:
0x5d: {  	[tilespmem:s8], [sflag:$0x1] =	stream.linear.gather [hbm4b:s24+s8], $0x40, $0x38;
	[tilespmem:$0x9980] =	vst v63  }
0x5e: {  	_ =	swait.ge [sflag:s13], $0x40  }
0x5f: {  	[sflag:s13] =	ssyncset.done $0x0  }
0x60: {  	[sflag:s13] =	ssyncadd.s32 $0xFFFFFFC0  }
0x61: {  	[tilespmem:s15], [sflag:$0x1] =	stream.linear.gather [hbm4b:s23+s8], $0x210, $0x38;
	[tilespmem:$0x9980] =	vst v63  }
0x62: {  	_ =	swait.ge [sflag:s13], $0x210  }
0x63: {  	[sflag:s13] =	ssyncset.done $0x0  }
0x64: {  	[sflag:s13] =	ssyncadd.s32 $0xFFFFFDF0  }
0x65: {  	v5 =	vld [tilespmem:$0x0];
	_ =	sdelay $0x4  }
0x66: {  	v6 =	vbroadcast v5, $0x0  }
0x67: {  	v7 =	vadd.s32 s26, v0  }
0x68: {  	vm1 =	vlt.s32 v7, $0x20;
	vm0 =	vgt.s32 v6, v0  }
0x69: {  	vm0 =	vmand vm1, vm0  }
0x6a: {  	v8 =	vld.idx.msk [tilespmem:v38+s8+$0x0], $0xffff;
	_ =	sdelay $0x4  }
0x6b: {  	[tilespmem:v7+s17+$0x0] =	vst.idx.msk vm0, v8  }
0x6c: {  	v7 =	vshll.u32 v7, $0x7;
	v8 =	vld.idx.msk [tilespmem:v0+s15+$0x0], $0xffff;
	_ =	sdelay $0x4  }
0x6d: {  	[tilespmem:v7+s16+$0x0] =	vst.idx.msk vm0, v8  }
0x6e: {  	v14 =	vor.u32 $0x1, v7;
	v8 =	vld.idx.msk [tilespmem:v39+s15+$0x0], $0xffff;
	_ =	sdelay $0x4  }
0x6f: {  	[tilespmem:v14+s16+$0x0] =	vst.idx.msk vm0, v8  }
0x70: {  	v14 =	vor.u32 $0x2, v7;
	v8 =	vld.idx.msk [tilespmem:v40+s15+$0x0], $0xffff;
	_ =	sdelay $0x4  }
0x71: {  	[tilespmem:v14+s16+$0x0] =	vst.idx.msk vm0, v8  }
0x72: {  	v7 =	vor.u32 $0x3, v7;
	v8 =	vld.idx.msk [tilespmem:v41+s15+$0x0], $0xffff;
	_ =	sdelay $0x2  }
0x73: {  	v14 =	vadd.s32 s26, v38  }
0x74: {  	vm8 =	vgt.s32 v6, v38;
	vm2 =	vlt.s32 v14, $0x20  }
0x75: {  	vm9 =	vmand vm2, vm8;
	[tilespmem:v7+s16+$0x0] =	vst.idx.msk vm0, v8  }
0x76: {  	v6 =	vld.idx.msk [tilespmem:v39+s8+$0x0], $0xffff;
	_ =	sdelay $0x4  }
0x77: {  	[tilespmem:v14+s17+$0x0] =	vst.idx.msk vm9, v6  }
0x78: {  	v7 =	vshll.u32 v14, $0x7;
	v6 =	vld.idx.msk [tilespmem:v38+s15+$0x0], $0xffff;
	_ =	sdelay $0x4  }
0x79: {  	[tilespmem:v7+s16+$0x0] =	vst.idx.msk vm9, v6  }
0x7a: {  	v8 =	vor.u32 $0x1, v7;
	v6 =	vld.idx.msk [tilespmem:v42+s15+$0x0], $0xffff;
	_ =	sdelay $0x4  }
0x7b: {  	[tilespmem:v8+s16+$0x0] =	vst.idx.msk vm9, v6  }
0x7c: {  	v8 =	vor.u32 $0x2, v7;
	v6 =	vld.idx.msk [tilespmem:v43+s15+$0x0], $0xffff;
	_ =	sdelay $0x4  }
0x7d: {  	[tilespmem:v8+s16+$0x0] =	vst.idx.msk vm9, v6  }
0x7e: {  	v7 =	vor.u32 $0x3, v7;
	v6 =	vld.idx.msk [tilespmem:v44+s15+$0x0], $0xffff;
	_ =	sdelay $0x1  }
0x7f: {  	v8 =	vbroadcast v5, $0x1  }
0x80: {  	v14 =	vadd.s32 s25, v0  }
0x81: {  	vm11 =	vlt.s32 v14, $0x60;
	vm10 =	vgt.s32 v8, v0  }
0x82: {  	vm12 =	vmand vm11, vm10;
	[tilespmem:v7+s16+$0x0] =	vst.idx.msk vm9, v6;
	v6 =	vadd.s32 s25, v39  }
0x83: {  	v7 =	vld.idx.msk [tilespmem:v45+s15+$0x0], $0xffff;
	v14 =	vshll.u32 v6, $0x7;
	_ =	sdelay $0x4  }
0x84: {  	[tilespmem:v14+s16+$0x0] =	vst.idx.msk vm12, v7  }
0x85: {  	v15 =	vor.u32 $0x1, v14;
	v7 =	vld.idx.msk [tilespmem:v46+s15+$0x0], $0xffff;
	_ =	sdelay $0x4  }
0x86: {  	[tilespmem:v15+s16+$0x0] =	vst.idx.msk vm12, v7  }
0x87: {  	v15 =	vor.u32 $0x2, v14;
	v7 =	vld.idx.msk [tilespmem:v47+s15+$0x0], $0xffff;
	_ =	sdelay $0x4  }
0x88: {  	[tilespmem:v15+s16+$0x0] =	vst.idx.msk vm12, v7  }
0x89: {  	v14 =	vor.u32 $0x3, v14;
	v7 =	vld.idx.msk [tilespmem:v48+s15+$0x0], $0xffff;
	_ =	sdelay $0x2  }
0x8a: {  	v15 =	vadd.s32 s25, v38  }
0x8b: {  	vm13 =	vgt.s32 v8, v38;
	vm14 =	vlt.s32 v15, $0x60  }
0x8c: {  	vm15 =	vmand vm14, vm13;
	[tilespmem:v14+s16+$0x0] =	vst.idx.msk vm12, v7;
	v7 =	vadd.s32 s25, v42  }
0x8d: {  	v14 =	vld.idx.msk [tilespmem:v49+s15+$0x0], $0xffff;
	v15 =	vshll.u32 v7, $0x7;
	_ =	sdelay $0x4  }
0x8e: {  	[tilespmem:v15+s16+$0x0] =	vst.idx.msk vm15, v14  }
0x8f: {  	v16 =	vor.u32 $0x1, v15;
	v14 =	vld.idx.msk [tilespmem:v50+s15+$0x0], $0xffff;
	_ =	sdelay $0x4  }
0x90: {  	[tilespmem:v16+s16+$0x0] =	vst.idx.msk vm15, v14  }
0x91: {  	v34 =	vor.u32 $0x2, v15;
	v14 =	vld.idx.msk [tilespmem:v51+s15+$0x0], $0xffff;
	_ =	sdelay $0x4  }
0x92: {  	[tilespmem:v34+s16+$0x0] =	vst.idx.msk vm15, v14  }
0x93: {  	v15 =	vor.u32 $0x3, v15;
	v14 =	vld.idx.msk [tilespmem:v52+s15+$0x0], $0xffff;
	_ =	sdelay $0x3  }
0x94: {  	vm4 =	vgt.s32 v8, v39;
	vm5 =	vlt.s32 v6, $0x60  }
0x95: {  	v6 =	vadd.s32 s25, v40;
	vm6 =	vmand vm5, vm4;
	[tilespmem:v15+s16+$0x0] =	vst.idx.msk vm15, v14  }
0x96: {  	v15 =	vshll.u32 v6, $0x7;
	v14 =	vld.idx.msk [tilespmem:v53+s15+$0x0], $0xffff;
	_ =	sdelay $0x4  }
0x97: {  	[tilespmem:v15+s16+$0x0] =	vst.idx.msk vm6, v14  }
0x98: {  	v35 =	vor.u32 $0x1, v15;
	v14 =	vld.idx.msk [tilespmem:v54+s15+$0x0], $0xffff;
	_ =	sdelay $0x4  }
0x99: {  	[tilespmem:v35+s16+$0x0] =	vst.idx.msk vm6, v14  }
0x9a: {  	v24 =	vor.u32 $0x2, v15;
	v14 =	vld.idx.msk [tilespmem:v55+s15+$0x0], $0xffff;
	_ =	sdelay $0x4  }
0x9b: {  	[tilespmem:v24+s16+$0x0] =	vst.idx.msk vm6, v14  }
0x9c: {  	v15 =	vor.u32 $0x3, v15;
	v14 =	vld.idx.msk [tilespmem:v56+s15+$0x0], $0xffff;
	_ =	sdelay $0x3  }
0x9d: {  	vm7 =	vgt.s32 v8, v42;
	vm8 =	vlt.s32 v7, $0x60  }
0x9e: {  	v7 =	vadd.s32 s25, v43;
	vm9 =	vmand vm8, vm7;
	[tilespmem:v15+s16+$0x0] =	vst.idx.msk vm6, v14  }
0x9f: {  	v15 =	vshll.u32 v7, $0x7;
	v14 =	vld.idx.msk [tilespmem:v57+s15+$0x0], $0xffff;
	_ =	sdelay $0x4  }
0xa0: {  	[tilespmem:v15+s16+$0x0] =	vst.idx.msk vm9, v14  }
0xa1: {  	v25 =	vor.u32 $0x1, v15;
	v14 =	vld.idx.msk [tilespmem:v58+s15+$0x0], $0xffff;
	_ =	sdelay $0x4  }
0xa2: {  	[tilespmem:v25+s16+$0x0] =	vst.idx.msk vm9, v14  }
0xa3: {  	v26 =	vor.u32 $0x2, v15;
	v14 =	vld.idx.msk [tilespmem:v59+s15+$0x0], $0xffff;
	_ =	sdelay $0x4  }
0xa4: {  	[tilespmem:v26+s16+$0x0] =	vst.idx.msk vm9, v14  }
0xa5: {  	v15 =	vor.u32 $0x3, v15;
	v14 =	vld.idx.msk [tilespmem:v60+s15+$0x0], $0xffff;
	_ =	sdelay $0x3  }
0xa6: {  	v32 =	vmov s25;
	vm10 =	vgt.s32 v8, v40;
	vm11 =	vlt.s32 v6, $0x60  }
0xa7: {  	vm12 =	vmand vm11, vm10;
	v6 =	vshll.u32 v32, $0x7;
	[tilespmem:v15+s16+$0x0] =	vst.idx.msk vm9, v14  }
0xa8: {  	v15 =	vadd.s32 v9, v6;
	v14 =	vld.idx.msk [tilespmem:v61+s15+$0x0], $0xffff;
	_ =	sdelay $0x4  }
0xa9: {  	[tilespmem:v15+s16+$0x0] =	vst.idx.msk vm12, v14  }
0xaa: {  	v33 =	vor.u32 $0x1, v15;
	v14 =	vld.idx.msk [tilespmem:v62+s15+$0x0], $0xffff;
	_ =	sdelay $0x4  }
0xab: {  	[tilespmem:v33+s16+$0x0] =	vst.idx.msk vm12, v14  }
0xac: {  	v34 =	vor.u32 $0x2, v15;
	v14 =	vld.idx.msk [tilespmem:v63+s15+$0x0], $0xffff;
	_ =	sdelay $0x4  }
0xad: {  	[tilespmem:v34+s16+$0x0] =	vst.idx.msk vm12, v14  }
0xae: {  	v15 =	vor.u32 $0x3, v15;
	v14 =	vld.idx.msk [tilespmem:v2+s15+$0x0], $0xffff  }
0xaf: {  	v35 =	vor.u32 $0xD0, v0;
	_ =	sdelay $0x2  }
0xb0: {  	(v2sf) =	vpush v5, $0x0;
	vm13 =	vgt.s32 v8, v43;
	vm14 =	vlt.s32 v7, $0x60  }
0xb1: {  	(v2sf) =	vpush v5, $0x1;
	vm15 =	vmand vm14, vm13;
	[tilespmem:v15+s16+$0x0] =	vst.idx.msk vm12, v14  }
0xb2: {  	v6 =	vadd.s32 v10, v6;
	v7 =	vld.idx.msk [tilespmem:v35+s15+$0x0], $0xffff  }
0xb3: {  	v8 =	vor.u32 $0x130, v0;
	_ =	sdelay $0x3  }
0xb4: {  	[tilespmem:v6+s16+$0x0] =	vst.idx.msk vm15, v7  }
0xb5: {  	v7 =	vor.u32 $0x1, v6;
	v5 =	vld.idx.msk [tilespmem:v8+s15+$0x0], $0xffff  }
0xb6: {  	v8 =	vor.u32 $0x190, v0;
	_ =	sdelay $0x3  }
0xb7: {  	[tilespmem:v7+s16+$0x0] =	vst.idx.msk vm15, v5  }
0xb8: {  	v7 =	vor.u32 $0x2, v6;
	v5 =	vld.idx.msk [tilespmem:v8+s15+$0x0], $0xffff  }
0xb9: {  	s28 =	spop (v2sf);
	v8 =	vor.u32 $0x1F0, v0  }
0xba: {  	s29 =	spop (v2sf)  }
0xbb: {  	s26 =	sadd.s32 s26, s28;
	s25 =	sadd.s32 s25, s29  }
0xbc: {  	p0 =	slt.s32 s26, $0x20;
	p1 =	slt.s32 s25, $0x60  }
0xbd: {  	p2 =	sgt.u32 s22, $0x1E;
	p0 =	por p0, p1;
	[tilespmem:v7+s16+$0x0] =	vst.idx.msk vm15, v5  }
0xbe: {  	p0 =	por p2, !p0;
	v6 =	vor.u32 $0x3, v6;
	v5 =	vld.idx.msk [tilespmem:v8+s15+$0x0], $0xffff  }
.Ltmp1:
0xbf: {  	_ = 	snop;
	(pc) =	sbr.rel @!p0 .LBB2_3-.Ltmp1, $2  }
0xc0: {  	_ =	sdelay $0x2  }
0xc1: {  	s22 =	sadd.s32 $0x1, s22;
	s24 =	sadd.s32 $0x8, s24;
	s23 =	sadd.s32 $0x42, s23;
	[tilespmem:v6+s16+$0x0] =	vst.idx.msk vm15, v5  }
0xc2: {  	s22 =	simm.s32 $0x0  }
0xc3: {  	[hbm4b:s10+s22] =	stream.linear.scatter [tilespmem:s16], [sflag:$0x1], $0x4000, $0x38;
	[tilespmem:$0x9980] =	vst v63  }
0xc4: {  	_ =	swait.ge [sflag:s13], $0x4000  }
0xc5: {  	[sflag:s13] =	ssyncset.done $0x0  }
0xc6: {  	s23 =	simm.s32 $0x100;
	s22 =	simm.s32 $0x0;
	[sflag:s13] =	ssyncadd.s32 $0xFFFFC000  }
.LBB2_5:
0xc7: {  	p0 =	sne.s32 s23, $0xA700;
	[tilespmem:s22+$0x6FB0] =	vst v3  }
0xc8: {  	[tilespmem:s22+$0x4580] =	vst v3  }
0xc9: {  	[tilespmem:s22+$0x6F80] =	vst v3  }
.Ltmp2:
0xca: {  	[tilespmem:s22+$0x4590] =	vst v3;
	(pc) =	sbr.rel @p0 .LBB2_5-.Ltmp2, $4  }
0xcb: {  	[tilespmem:s22+$0x6F90] =	vst v3  }
0xcc: {  	[tilespmem:s22+$0x45A0] =	vst v3  }
0xcd: {  	[tilespmem:s22+$0x6FA0] =	vst v3  }
0xce: {  	[tilespmem:s22+$0x45B0] =	vst v3;
	s22 =	sshra.s32 s23, $0x2;
	s23 =	sadd.s32 $0x100, s23  }
0xcf: {  	[tilespmem:s22+$0x6FB0] =	vst v3  }
0xd0: {  	[tilespmem:s22+$0x4580] =	vst v3  }
0xd1: {  	[tilespmem:s22+$0x6F80] =	vst v3  }
0xd2: {  	[tilespmem:s22+$0x4590] =	vst v3  }
0xd3: {  	[tilespmem:s22+$0x6F90] =	vst v3  }
0xd4: {  	[tilespmem:s22+$0x45A0] =	vst v3  }
0xd5: {  	[tilespmem:s22+$0x6FA0] =	vst v3  }
0xd6: {  	[tilespmem:s22+$0x45B0] =	vst v3  }
0xd7: {  	v5 =	vld [tilespmem:$0x300];
	_ =	sdelay $0x7  }
0xd8: {  	v6 =	vld.idx.msk [tilespmem:v5+s14+$0x0], $0xffff;
	_ =	sdelay $0x4  }
0xd9: {  	[tilespmem:$0x4500] =	vst v6  }
0xda: {  	v7 =	vld.idx.msk [tilespmem:v1+s16+$0x0], $0xffff  }
0xdb: {  	v8 =	vld.idx.msk [tilespmem:v21+s16+$0x0], $0xffff;
	_ =	sdelay $0x1  }
0xdc: {  	v14 =	vld.idx.msk [tilespmem:v12+s16+$0x0], $0xffff  }
0xdd: {  	v15 =	vld.idx.msk [tilespmem:v30+s16+$0x0], $0xffff;
	_ =	sdelay $0x1  }
0xde: {  	v16 =	vadd.s32 $0x80, v5;
	v8 =	vsub.f32 v8, v7;
	_ =	sdelay $0x1  }
0xdf: {  	v17 =	vadd.s32 $0x40, v5;
	v8 =	vadd.f32 $1.000000000e+00, v8  }
0xe0: {  	v18 =	vadd.s32 $0xC0, v5;
	v15 =	vsub.f32 v15, v14  }
0xe1: {  	v5 =	vld.idx.msk [tilespmem:v5+s12+$0x0], $0xffff;
	(erf) = vrcp.f32 v8  }
0xe2: {  	v16 =	vld.idx.msk [tilespmem:v16+s12+$0x0], $0xffff;
	v15 =	vadd.f32 $1.000000000e+00, v15;
	_ =	sdelay $0x1  }
0xe3: {  	v17 =	vld.idx.msk [tilespmem:v17+s12+$0x0], $0xffff;
	(erf) = vrcp.f32 v15  }
0xe4: {  	v18 =	vld.idx.msk [tilespmem:v18+s12+$0x0], $0xffff;
	_ =	sdelay $0x1  }
0xe5: {  	v16 =	vsub.f32 v16, v5;
	_ =	sdelay $0x1  }
0xe6: {  	v16 =	vadd.f32 $1.000000000e+00, v16  }
0xe7: {  	v18 =	vsub.f32 v18, v17;
	v19 =	vpop (erf)  }
0xe8: {  	v23 =	vmul.f32 v16, v19  }
0xe9: {  	v18 =	vadd.f32 $1.000000000e+00, v18  }
0xea: {  	v24 =	vpop (erf);
	v25 =	vand.u32 $0x7FFFFF, v23  }
0xeb: {  	v26 =	vmul.f32 v18, v24;
	v25 =	vor.u32 $0x3F800000, v25  }
0xec: {  	v27 =	vmul.f32 $5.000000000e-01, v25  }
0xed: {  	v28 =	vand.u32 $0x7FFFFF, v26;
	vm1 =	vgt.f32 v25, $1.414213540e+00  }
0xee: {  	v25 =	vsel vm1, v27, v25;
	v27 =	vor.u32 $0x3F800000, v28  }
0xef: {  	v32 =	vmul.f32 $5.000000000e-01, v27  }
0xf0: {  	v28 =	vadd.f32 $1.000000000e+00, v25;
	vm0 =	vgt.f32 v27, $1.414213540e+00  }
0xf1: {  	v27 =	vsel vm0, v32, v27  }
0xf2: {  	(erf) = vrcp.f32 v28;
	v28 =	vadd.f32 $1.000000000e+00, v27;
	_ =	sdelay $0x1  }
0xf3: {  	(erf) = vrcp.f32 v28;
	_ =	sdelay $0x5  }
0xf4: {  	v25 =	vadd.f32 $-1.000000000e+00, v25  }
0xf5: {  	v28 =	vpop (erf)  }
0xf6: {  	v27 =	vadd.f32 $-1.000000000e+00, v27;
	v25 =	vmul.f32 v28, v25  }
0xf7: {  	v8 =	vmul.f32 $5.000000000e-01, v8;
	v32 =	vpop (erf)  }
0xf8: {  	v28 =	vmul.f32 v25, v25;
	v27 =	vmul.f32 v32, v27  }
0xf9: {  	v7 =	vadd.f32 v8, v7;
	v8 =	vmul.f32 $5.000000000e-01, v16  }
0xfa: {  	v32 =	vmul.f32 $1.111111120e-01, v28;
	v33 =	vmul.f32 v27, v27  }
0xfb: {  	v5 =	vadd.f32 v8, v5  }
0xfc: {  	v32 =	vadd.f32 $1.428571490e-01, v32;
	v34 =	vmul.f32 $1.111111120e-01, v33  }
0xfd: {  	v15 =	vmul.f32 $5.000000000e-01, v15;
	v5 =	vsub.f32 v5, v7  }
0xfe: {  	v18 =	vmul.f32 $5.000000000e-01, v18;
	v16 =	vmul.f32 v32, v28;
	v32 =	vadd.f32 $1.428571490e-01, v34  }
0xff: {  	v6 =	vshll.u32 v6, $0x2;
	v14 =	vadd.f32 v15, v14;
	v5 =	vmul.f32 v5, v19  }
0x100: {  	v15 =	vadd.f32 v18, v17;
	v8 =	vadd.f32 $2.000000030e-01, v16;
	v34 =	vmul.f32 v32, v33  }
0x101: {  	v18 =	vmul.u32 $0x54, v0;
	v35 =	vsel vm1, $0xFFFFFF82, v20;
	v19 =	vadd.f32 v25, v25  }
0x102: {  	v7 =	vmul.f32 v8, v28;
	v8 =	vsub.f32 v15, v14;
	v14 =	vadd.f32 $2.000000030e-01, v34  }
0x103: {  	v32 =	vadd.s32 v18, v6;
	v15 =	vshrl.u32 v23, $0x17;
	v23 =	vor.u32 $0x1, v18  }
0x104: {  	v15 =	vand.u32 $0xFF, v15;
	v23 =	vadd.s32 v23, v6;
	v14 =	vmul.f32 v14, v33  }
0x105: {  	v34 =	vadd.f32 v27, v27;
	v7 =	vadd.f32 $3.333333430e-01, v7;
	v8 =	vmul.f32 v8, v24  }
0x106: {  	v15 =	vadd.s32 v15, v35;
	v24 =	vshrl.u32 v26, $0x17;
	v14 =	vadd.f32 $3.333333430e-01, v14  }
0x107: {  	v26 =	vsel vm0, $0xFFFFFF82, v20;
	v35 =	vor.u32 $0x3, v18;
	v7 =	vmul.f32 v7, v28  }
0x108: {  	v15 =	vcvt.s32.f32 v15;
	v16 =	vand.u32 $0xFF, v24;
	v14 =	vmul.f32 v14, v33  }
0x109: {  	v16 =	vadd.s32 v16, v26;
	v7 =	vadd.f32 $1.000000000e+00, v7;
	v33 =	vor.u32 $0x2, v18  }
0x10a: {  	v16 =	vcvt.s32.f32 v16;
	v24 =	vadd.s32 v33, v6;
	v14 =	vadd.f32 $1.000000000e+00, v14  }
0x10b: {  	v15 =	vmul.f32 $6.931471820e-01, v15;
	v7 =	vmul.f32 v7, v19;
	v6 =	vadd.s32 v35, v6  }
0x10c: {  	v16 =	vmul.f32 $6.931471820e-01, v16;
	v14 =	vmul.f32 v14, v34  }
0x10d: {  	[tilespmem:v32+s18+$0x0] =	vst.idx.msk $0xffff, v5;
	v7 =	vadd.f32 v7, v15  }
0x10e: {  	[tilespmem:v23+s18+$0x0] =	vst.idx.msk $0xffff, v8;
	v5 =	vadd.f32 v14, v16  }
0x10f: {  	[tilespmem:v24+s18+$0x0] =	vst.idx.msk $0xffff, v7  }
0x110: {  	[tilespmem:v6+s18+$0x0] =	vst.idx.msk $0xffff, v5  }
0x111: {  	[tilespmem:v32+s19+$0x0] =	vst.idx.msk $0xffff, v11  }
0x112: {  	[tilespmem:v23+s19+$0x0] =	vst.idx.msk $0xffff, v11  }
0x113: {  	[tilespmem:v24+s19+$0x0] =	vst.idx.msk $0xffff, v11  }
0x114: {  	[tilespmem:v6+s19+$0x0] =	vst.idx.msk $0xffff, v11  }
0x115: {  	v5 =	vld [tilespmem:$0x310];
	_ =	sdelay $0x7  }
0x116: {  	v6 =	vld.idx.msk [tilespmem:v5+s14+$0x0], $0xffff;
	_ =	sdelay $0x4  }
0x117: {  	[tilespmem:$0x4510] =	vst v6  }
0x118: {  	v7 =	vld.idx.msk [tilespmem:v4+s16+$0x0], $0xffff  }
0x119: {  	v8 =	vld.idx.msk [tilespmem:v22+s16+$0x0], $0xffff;
	_ =	sdelay $0x2  }
0x11a: {  	v14 =	vld.idx.msk [tilespmem:v13+s16+$0x0], $0xffff  }
0x11b: {  	v15 =	vld.idx.msk [tilespmem:v31+s16+$0x0], $0xffff  }
0x11c: {  	v32 =	vadd.s32 $0x80, v5;
	v8 =	vsub.f32 v8, v7;
	_ =	sdelay $0x1  }
0x11d: {  	v8 =	vadd.f32 $1.000000000e+00, v8  }
0x11e: {  	v33 =	vadd.s32 $0x40, v5  }
0x11f: {  	v19 =	vld.idx.msk [tilespmem:v5+s12+$0x0], $0xffff;
	v5 =	vadd.s32 $0xC0, v5;
	v15 =	vsub.f32 v15, v14;
	(erf) = vrcp.f32 v8  }
0x120: {  	v16 =	vld.idx.msk [tilespmem:v32+s12+$0x0], $0xffff  }
0x121: {  	v15 =	vadd.f32 $1.000000000e+00, v15;
	_ =	sdelay $0x1  }
0x122: {  	v17 =	vld.idx.msk [tilespmem:v33+s12+$0x0], $0xffff;
	(erf) = vrcp.f32 v15  }
0x123: {  	v5 =	vld.idx.msk [tilespmem:v5+s12+$0x0], $0xffff  }
0x124: {  	v16 =	vsub.f32 v16, v19;
	_ =	sdelay $0x1  }
0x125: {  	v16 =	vadd.f32 $1.000000000e+00, v16  }
0x126: {  	v23 =	vpop (erf)  }
0x127: {  	v5 =	vsub.f32 v5, v17;
	v24 =	vmul.f32 v16, v23;
	_ =	sdelay $0x1  }
0x128: {  	v5 =	vadd.f32 $1.000000000e+00, v5;
	v34 =	vand.u32 $0x7FFFFF, v24  }
0x129: {  	v26 =	vpop (erf);
	v25 =	vor.u32 $0x3F800000, v34  }
0x12a: {  	v28 =	vmul.f32 v5, v26;
	v27 =	vmul.f32 $5.000000000e-01, v25  }
0x12b: {  	vm14 =	vgt.f32 v25, $1.414213540e+00  }
0x12c: {  	v25 =	vsel vm14, v27, v25;
	v27 =	vand.u32 $0x7FFFFF, v28  }
0x12d: {  	v32 =	vadd.f32 $1.000000000e+00, v25;
	v27 =	vor.u32 $0x3F800000, v27  }
0x12e: {  	v33 =	vmul.f32 $5.000000000e-01, v27  }
0x12f: {  	vm15 =	vgt.f32 v27, $1.414213540e+00;
	(erf) = vrcp.f32 v32  }
0x130: {  	v27 =	vsel vm15, v33, v27  }
0x131: {  	v32 =	vadd.f32 $1.000000000e+00, v27;
	_ =	sdelay $0x1  }
0x132: {  	(erf) = vrcp.f32 v32;
	_ =	sdelay $0x3  }
0x133: {  	v25 =	vadd.f32 $-1.000000000e+00, v25  }
0x134: {  	v32 =	vpop (erf)  }
0x135: {  	v25 =	vmul.f32 v32, v25;
	_ =	sdelay $0x1  }
0x136: {  	v27 =	vadd.f32 $-1.000000000e+00, v27;
	v32 =	vmul.f32 v25, v25  }
0x137: {  	v33 =	vpop (erf)  }
0x138: {  	v34 =	vmul.f32 $1.111111120e-01, v32;
	v27 =	vmul.f32 v33, v27  }
0x139: {  	v8 =	vmul.f32 $5.000000000e-01, v8  }
0x13a: {  	v33 =	vadd.f32 $1.428571490e-01, v34;
	v34 =	vmul.f32 v27, v27  }
0x13b: {  	v15 =	vmul.f32 $5.000000000e-01, v15;
	v7 =	vadd.f32 v8, v7;
	v8 =	vmul.f32 $5.000000000e-01, v16  }
0x13c: {  	v33 =	vmul.f32 v33, v32;
	v35 =	vmul.f32 $1.111111120e-01, v34  }
0x13d: {  	v14 =	vadd.f32 v15, v14;
	v8 =	vadd.f32 v8, v19;
	v5 =	vmul.f32 $5.000000000e-01, v5  }
0x13e: {  	v33 =	vadd.f32 $2.000000030e-01, v33;
	v35 =	vadd.f32 $1.428571490e-01, v35  }
0x13f: {  	v7 =	vsub.f32 v8, v7;
	v5 =	vadd.f32 v5, v17  }
0x140: {  	v6 =	vshll.u32 v6, $0x2;
	v15 =	vmul.f32 v33, v32;
	v35 =	vmul.f32 v35, v34  }
0x141: {  	v7 =	vmul.f32 v7, v23;
	v23 =	vadd.s32 $0x541, v18;
	v5 =	vsub.f32 v5, v14  }
0x142: {  	v14 =	vshrl.u32 v24, $0x17;
	v15 =	vadd.f32 $3.333333430e-01, v15;
	v16 =	vadd.f32 $2.000000030e-01, v35  }
0x143: {  	v23 =	vadd.s32 v23, v6;
	v14 =	vand.u32 $0xFF, v14;
	v5 =	vmul.f32 v5, v26  }
0x144: {  	v33 =	vsel vm14, $0xFFFFFF82, v20;
	v8 =	vmul.f32 v15, v32;
	v15 =	vmul.f32 v16, v34  }
0x145: {  	v19 =	vsel vm15, $0xFFFFFF82, v20;
	v14 =	vadd.s32 v14, v33;
	v32 =	vshrl.u32 v28, $0x17  }
0x146: {  	v33 =	vadd.s32 $0x542, v18;
	v17 =	vand.u32 $0xFF, v32;
	v15 =	vadd.f32 $3.333333430e-01, v15  }
0x147: {  	v14 =	vcvt.s32.f32 v14;
	v17 =	vadd.s32 v17, v19;
	v19 =	vadd.s32 $0x540, v18  }
0x148: {  	v35 =	vadd.f32 v25, v25;
	v19 =	vadd.s32 v19, v6;
	v15 =	vmul.f32 v15, v34  }
0x149: {  	v24 =	vadd.s32 v33, v6;
	v8 =	vadd.f32 $1.000000000e+00, v8;
	v18 =	vadd.s32 $0x543, v18  }
0x14a: {  	v17 =	vcvt.s32.f32 v17;
	v34 =	vadd.f32 v27, v27;
	v15 =	vadd.f32 $1.000000000e+00, v15  }
0x14b: {  	v14 =	vmul.f32 $6.931471820e-01, v14;
	v6 =	vadd.s32 v18, v6;
	v8 =	vmul.f32 v8, v35  }
0x14c: {  	v35 =	vmul.f32 $6.931471820e-01, v17;
	v15 =	vmul.f32 v15, v34  }
0x14d: {  	v8 =	vadd.f32 v8, v14;
	[tilespmem:v19+s18+$0x0] =	vst.idx.msk $0xffff, v7  }
0x14e: {  	[tilespmem:v23+s18+$0x0] =	vst.idx.msk $0xffff, v5;
	v7 =	vadd.f32 v15, v35  }
0x14f: {  	[tilespmem:v24+s18+$0x0] =	vst.idx.msk $0xffff, v8  }
0x150: {  	[tilespmem:v6+s18+$0x0] =	vst.idx.msk $0xffff, v7  }
0x151: {  	[tilespmem:v19+s19+$0x0] =	vst.idx.msk $0xffff, v11  }
0x152: {  	[tilespmem:v23+s19+$0x0] =	vst.idx.msk $0xffff, v11  }
0x153: {  	[tilespmem:v24+s19+$0x0] =	vst.idx.msk $0xffff, v11  }
0x154: {  	[tilespmem:v6+s19+$0x0] =	vst.idx.msk $0xffff, v11  }
0x155: {  	[tilespmem:$0x4520] =	vst v29  }
0x156: {  	[tilespmem:$0x4530] =	vst v29  }
0x157: {  	[tilespmem:$0x4540] =	vst v29  }
0x158: {  	[tilespmem:$0x4550] =	vst v29  }
0x159: {  	[tilespmem:$0x4560] =	vst v29  }
0x15a: {  	[tilespmem:$0x4570] =	vst v29  }
0x15b: {  	[hbm4b:s4+s8] =	stream.linear.scatter [tilespmem:s20], [sflag:$0x1], $0x80, $0x38;
	[tilespmem:$0x9980] =	vst v63  }
0x15c: {  	_ =	swait.ge [sflag:s13], $0x80  }
0x15d: {  	[sflag:s13] =	ssyncset.done $0x0  }
0x15e: {  	[sflag:s13] =	ssyncadd.s32 $0xFFFFFF80  }
0x15f: {  	[hbm4b:s5+s8] =	stream.linear.scatter [tilespmem:s18], [sflag:$0x1], $0x2A00, $0x38;
	[tilespmem:$0x9980] =	vst v63  }
0x160: {  	s21 =	sadd.s32 $0x1, s21;
	_ =	swait.ge [sflag:s13], $0x2A00  }
0x161: {  	p0 =	sne.s32 s21, s11;
	[sflag:s13] =	ssyncset.done $0x0  }
.Ltmp3:
0x162: {  	[sflag:s13] =	ssyncadd.s32 $0xFFFFD600;
	(pc) =	sbr.rel @p0 .LBB2_2-.Ltmp3, $4  }
0x163: {  	[hbm4b:s7+s8] =	stream.linear.scatter [tilespmem:s19], [sflag:$0x1], $0x2A00, $0x38;
	[tilespmem:$0x9980] =	vst v63  }
0x164: {  	_ =	swait.ge [sflag:s13], $0x2A00  }
0x165: {  	[sflag:s13] =	ssyncset.done $0x0  }
0x166: {  	[sflag:s13] =	ssyncadd.s32 $0xFFFFD600  }
.LBB2_7:
0x167: {  	_ =	sfence.sel $0x180000  }
0x168: {  	[bflag:$0x0] =	sbarrier.arrive $0xFFFF  }
0x169: {  	p0 =	sne.s32 s6, $0x0;
	_ =	strace $0x9000004A  }
0x16a: {  	s0 =	sadd.s32 @!p0 $0x100000, s1;
	[bflag:$0x2] =	sbarrier.arrive $0xFFFF  }
0x16b: {  	[sflag:s0] =	ssyncadd.tile.s32 @!p0 $0x1;
	_ =	shalt  }
.Lfunc_end2:
_tile_overlayer_lowered:
.L_overlay_start_2:
0x16c: {  	(tag) =	ssettag $0x2  }
0x16d: {  	s0 =	rddreg [dreg:$0x0];
	s2 =	stileid.u32  }
0x16e: {  	s1 =	rddreg [dreg:$0x1];
	p0 =	sne.s32 s2, $0x0  }
0x16f: {  	s3 =	rddreg [dreg:$0x2];
	[bflag:$0x3] =	sbarrier.arrive $0xFFFF;
	s2 =	simm.s32 @!p0 $0x1C01  }
0x170: {  	[timem:s3], [sflag:s2] =	dma.local @!p0 [hbm:s0], s1  }
0x171: {  	s0 =	simm.s32 @!p0 $0x1  }
0x172: {  	_ =	swait.ge @!p0 [sflag:s0], s1  }
0x173: {  	s1 =	ssub.s32 @!p0 $0x0, s1;
	[sflag:s0] =	ssyncset.done @!p0 $0x0  }
0x174: {  	[sflag:s0] =	ssyncadd.s32 @!p0 s1  }
0x175: {  	[bflag:$0x3] =	sbarrier.arrive $0xFFFF  }
0x176: {  	_ =	shalt  }

</sc_bundles>
